<compile_context>
chip_gen: v7x
topology: tpu7x:2x2x1
jax: 0.10.2.dev20260603
libtpu: 0.0.44.dev20260713+nightly
codegen_flags: <defaults>
</compile_context>

<pallas_src>
import functools

import jax
import jax.numpy as jnp
from jax import lax
from jax.experimental import pallas as pl
from jax.experimental.pallas import tpu as pltpu
from jax.experimental.pallas import tpu_sc as plsc

K = 20
N = 4096
B = 4
CIN = 16
COUT = 64
ROWS = 256
KPAD = 32

NC, NS = 2, 16
NW = NC * NS
PTS = B * N
PTS_W = PTS // NW
CHUNK = 8
QW = COUT


def _k1_body(xr_ref, xa_ref, w1_ref, w2_ref, bc_ref, idx_ref, p_ref, q_ref,
             dist_ref):
    b = pl.program_id(0)
    xr = xr_ref[0]
    xa = xa_ref[0]
    xx_r = jnp.sum(xr * xr, axis=1, keepdims=True)
    xx_a = jnp.sum(xa * xa, axis=1)[None, :]
    inner = lax.dot_general(xr, xa, (((1,), (1,)), ((), ())),
                            precision=lax.Precision.DEFAULT)
    dist_ref[...] = xx_r + xx_a - 2.0 * inner

    col = lax.broadcasted_iota(jnp.int32, (ROWS, N), 1)
    colk = lax.broadcasted_iota(jnp.int32, (ROWS, KPAD), 1)

    def step(j, acc):
        d = dist_ref[...]
        m = jnp.max(d, axis=1, keepdims=True)
        cand = jnp.where(d == m, col, N)
        a = jnp.min(cand, axis=1, keepdims=True)
        acc = jnp.where(colk == j, a, acc)
        dist_ref[...] = jnp.where(col == a, -jnp.inf, d)
        return acc

    acc0 = jnp.zeros((ROWS, KPAD), jnp.int32)
    acc = lax.fori_loop(0, K, step, acc0)
    idx_ref[0] = acc[:, :K] + b * N
    p_ref[0] = lax.dot_general(xr, w1_ref[...], (((1,), (0,)), ((), ())),
                               precision=lax.Precision.HIGHEST) + bc_ref[...]
    q_ref[0] = lax.dot_general(xr, w2_ref[...], (((1,), (0,)), ((), ())),
                               precision=lax.Precision.HIGHEST)


def _k1_call(x, w1t, w2t, bc):
    grid = (B, N // ROWS)
    return pl.pallas_call(
        _k1_body,
        grid=grid,
        in_specs=[
            pl.BlockSpec((1, ROWS, CIN), lambda b, i: (b, i, 0)),
            pl.BlockSpec((1, N, CIN), lambda b, i: (b, 0, 0)),
            pl.BlockSpec((CIN, COUT), lambda b, i: (0, 0)),
            pl.BlockSpec((CIN, QW), lambda b, i: (0, 0)),
            pl.BlockSpec((1, COUT), lambda b, i: (0, 0)),
        ],
        out_specs=[
            pl.BlockSpec((1, ROWS, K), lambda b, i: (b, i, 0)),
            pl.BlockSpec((1, ROWS, COUT), lambda b, i: (b, i, 0)),
            pl.BlockSpec((1, ROWS, QW), lambda b, i: (b, i, 0)),
        ],
        out_shape=[
            jax.ShapeDtypeStruct((B, N, K), jnp.int32),
            jax.ShapeDtypeStruct((B, N, COUT), jnp.float32),
            jax.ShapeDtypeStruct((B, N, QW), jnp.float32),
        ],
        scratch_shapes=[pltpu.VMEM((ROWS, N), jnp.float32)],
    )(x, x, w1t, w2t, bc)


RPC = CHUNK * K
NCHN = PTS_W // CHUNK
PAIRS = NCHN // 2
OW = 3 * COUT


def _k2_body(idx_hbm, q_hbm, out_hbm, idxs_v, q_sh, rb0, rb1, ob0, ob1,
             sg0, sg1, so0, so1):
    sid = lax.axis_index("s")
    wid = sid * NC + lax.axis_index("c")
    pt_w = wid * PTS_W

    @pl.when(sid == 0)
    def _stage():
        pltpu.sync_copy(q_hbm, q_sh)

    pltpu.sync_copy(idx_hbm.at[pl.ds(pt_w * K, PTS_W * K)], idxs_v)
    plsc.subcore_barrier()

    def start_gather(g, rb, sem):
        return pltpu.async_copy(q_sh.at[idxs_v.at[pl.ds(g * RPC, RPC)]],
                                rb, sem)

    def drain_gather(rb, sem):
        pltpu.make_async_copy(q_hbm.at[pl.ds(0, RPC)], rb, sem).wait()

    def drain_store(ob, sem):
        pltpu.make_async_copy(ob, out_hbm.at[pl.ds(0, CHUNK)], sem).wait()

    def compute(rb, ob):
        def point(i, carry):
            base = i * K
            for c4 in range(COUT // 16):
                sl = pl.ds(c4 * 16, 16)
                v = rb[base, sl]
                s1, s2, mx = v, v * v, v
                for j in range(1, K):
                    v = rb[base + j, sl]
                    s1 = s1 + v
                    s2 = s2 + v * v
                    mx = jnp.maximum(mx, v)
                ob[i, sl] = s1
                ob[i, pl.ds(COUT + c4 * 16, 16)] = s2
                ob[i, pl.ds(2 * COUT + c4 * 16, 16)] = mx
            return carry

        lax.fori_loop(0, CHUNK, point, 0)

    start_gather(0, rb0, sg0)

    def pair(h, carry):
        g0 = 2 * h
        start_gather(g0 + 1, rb1, sg1)
        drain_gather(rb0, sg0)

        @pl.when(h > 0)
        def _d0():
            drain_store(ob0, so0)

        compute(rb0, ob0)
        pltpu.async_copy(ob0, out_hbm.at[pl.ds(pt_w + g0 * CHUNK, CHUNK)], so0)

        @pl.when(h + 1 < PAIRS)
        def _g0():
            start_gather(g0 + 2, rb0, sg0)

        drain_gather(rb1, sg1)

        @pl.when(h > 0)
        def _d1():
            drain_store(ob1, so1)

        compute(rb1, ob1)
        pltpu.async_copy(ob1,
                         out_hbm.at[pl.ds(pt_w + (g0 + 1) * CHUNK, CHUNK)],
                         so1)
        return carry

    lax.fori_loop(0, PAIRS, pair, 0)
    drain_store(ob0, so0)
    drain_store(ob1, so1)


def _k2_call(idx_flat, q_flat):
    f = pl.kernel(
        _k2_body,
        out_type=jax.ShapeDtypeStruct((PTS, OW), jnp.float32),
        mesh=plsc.VectorSubcoreMesh(core_axis_name="c", subcore_axis_name="s"),
        scratch_types=[
            pltpu.VMEM((PTS_W * K,), jnp.int32),
            pltpu.VMEM_SHARED((PTS, QW), jnp.float32),
            pltpu.VMEM((RPC, QW), jnp.float32),
            pltpu.VMEM((RPC, QW), jnp.float32),
            pltpu.VMEM((CHUNK, OW), jnp.float32),
            pltpu.VMEM((CHUNK, OW), jnp.float32),
            pltpu.SemaphoreType.DMA,
            pltpu.SemaphoreType.DMA,
            pltpu.SemaphoreType.DMA,
            pltpu.SemaphoreType.DMA,
        ],
        compiler_params=pltpu.CompilerParams(use_tc_tiling_on_sc=False),
    )
    return f(idx_flat, q_flat)


def _k3_body(p_ref, s1_ref, s2_ref, g_ref, bt_ref, scale_ref, shift_ref):
    p = p_ref[...]
    s1 = s1_ref[...]
    s2 = s2_ref[...]
    m = float(PTS * K)
    sum_p = jnp.sum(p, axis=0, keepdims=True)
    sum_s1 = jnp.sum(s1, axis=0, keepdims=True)
    mean = (K * sum_p + sum_s1) / m
    e2 = (K * jnp.sum(p * p, axis=0, keepdims=True)
          + 2.0 * jnp.sum(p * s1, axis=0, keepdims=True)
          + jnp.sum(s2, axis=0, keepdims=True)) / m
    var = e2 - mean * mean
    inv = lax.rsqrt(var + 1e-5)
    scale = g_ref[...] * inv
    scale_ref[...] = scale
    shift_ref[...] = bt_ref[...] - mean * scale


def _k3_call(p_flat, s1, s2, gamma, beta):
    return pl.pallas_call(
        _k3_body,
        out_shape=[jax.ShapeDtypeStruct((1, COUT), jnp.float32)] * 2,
    )(p_flat, s1, s2, gamma, beta)


def _k4_body(p_ref, mx_ref, scale_ref, shift_ref, out_ref):
    scale = scale_ref[...]
    mx = mx_ref[...]
    z = scale * (p_ref[...] + mx) + shift_ref[...]
    z = jnp.where(z > 0.0, z, 0.2 * z)
    out_ref[0] = z.T


def _k4_call(p_flat, mx, scale, shift):
    rb = 512
    grid = (B, N // rb)
    return pl.pallas_call(
        _k4_body,
        grid=grid,
        in_specs=[
            pl.BlockSpec((rb, COUT), lambda b, i: (b * (N // rb) + i, 0)),
            pl.BlockSpec((rb, COUT), lambda b, i: (b * (N // rb) + i, 0)),
            pl.BlockSpec((1, COUT), lambda b, i: (0, 0)),
            pl.BlockSpec((1, COUT), lambda b, i: (0, 0)),
        ],
        out_specs=pl.BlockSpec((1, COUT, rb), lambda b, i: (b, 0, i)),
        out_shape=jax.ShapeDtypeStruct((B, COUT, N), jnp.float32),
    )(p_flat, mx, scale, shift)


def kernel(x, W_conv, b_conv, bn_gamma, bn_beta):
    w1t = W_conv[:, :CIN].T
    w2t = jnp.pad(W_conv[:, CIN:].T, ((0, 0), (0, QW - COUT)))
    bc = b_conv[None, :]
    idx, p, q = _k1_call(x, w1t, w2t, bc)
    idx_flat = idx.reshape(-1)
    p_flat = p.reshape(PTS, COUT)
    q_flat = q.reshape(PTS, QW)
    comb = _k2_call(idx_flat, q_flat)
    s1f = comb[:, :COUT]
    s2f = comb[:, COUT:2 * COUT]
    mxf = comb[:, 2 * COUT:]
    scale, shift = _k3_call(p_flat, s1f, s2f, bn_gamma[None, :],
                            bn_beta[None, :])
    return _k4_call(p_flat, mxf, scale, shift)

# --- scband reference (transcript-rebuilt; emitter-appended) ---
"""Pipeline reference for scband-dgcnnconv-15006615734066 (READ-ONLY COPY).

The authoritative reference and input builder live on the scoring server;
editing this copy changes nothing except your own understanding.
"""

import jax, jax.numpy as jnp
import numpy as np

K_NEIGHBORS = 20
IN_CH = 16
OUT_CH = 64


def setup_inputs(seed: int = 0) -> dict:
    key = jax.random.key(seed)
    k1, k2 = jax.random.split(key)
    x = jax.random.normal(k1, (4, 4096, IN_CH), dtype=jnp.float32)
    W_conv = jax.random.normal(k2, (OUT_CH, 2 * IN_CH), dtype=jnp.float32) * 0.1
    b_conv = jnp.zeros((OUT_CH,), dtype=jnp.float32)
    bn_gamma = jnp.ones((OUT_CH,), dtype=jnp.float32)
    bn_beta = jnp.zeros((OUT_CH,), dtype=jnp.float32)
    return {"x": x, "W_conv": W_conv, "b_conv": b_conv, "bn_gamma": bn_gamma, "bn_beta": bn_beta}


def reference(x, W_conv, b_conv, bn_gamma, bn_beta):
    B, N, C = x.shape
    k = K_NEIGHBORS
    # pairwise distance: xx + yy - 2 x x^T (faithful to torch code, topk of largest dist)
    xx = jnp.sum(x ** 2, axis=2, keepdims=True)            # [B, N, 1]
    yy = jnp.transpose(xx, (0, 2, 1))                      # [B, 1, N]
    dist = xx + yy - 2.0 * jnp.einsum('bnc,bmc->bnm', x, x)  # [B, N, N]
    _, idx = jax.lax.top_k(dist, k)                        # [B, N, k] int32
    # gather neighbors (flattened gather, like torch)
    flat = x.reshape(B * N, C)
    idx_base = jnp.arange(B, dtype=idx.dtype)[:, None, None] * N
    idx_flat = (idx + idx_base).reshape(-1)
    neighbors = jnp.take(flat, idx_flat, axis=0).reshape(B, N, k, C)
    xt = jnp.broadcast_to(x[:, :, None, :], (B, N, k, C))
    feat = jnp.concatenate([xt, neighbors], axis=-1)       # [B, N, k, 2C]
    feat = jnp.transpose(feat, (0, 3, 1, 2))               # [B, 2C, N, k]
    # 1x1 Conv2d
    y = jnp.einsum('bcnk,oc->bonk', feat, W_conv) + b_conv[None, :, None, None]
    # BatchNorm2d (training-mode batch statistics, eps=1e-5)
    mean = jnp.mean(y, axis=(0, 2, 3), keepdims=True)
    var = jnp.var(y, axis=(0, 2, 3), keepdims=True)
    y = (y - mean) / jnp.sqrt(var + 1e-5)
    y = y * bn_gamma[None, :, None, None] + bn_beta[None, :, None, None]
    # LeakyReLU(0.2)
    y = jnp.where(y > 0, y, 0.2 * y)
    # max over neighbor dim
    out = jnp.max(y, axis=-1)                              # [B, OUT_CH, N]
    return out

if __name__ == "__main__":
    import jax
    _d = setup_inputs()
    print(jax.jit(kernel)(*tuple(_d.values())))

</pallas_src>

<mosaic_0001>
#map = affine_map<(d0, d1) -> (0)>
#map1 = affine_map<(d0, d1) -> (0, 0)>
module attributes {stable_mosaic.version = 14 : i64} {
  func.func @_k2_body(%arg0: i32, %arg1: i32, %arg2: memref<327680xi32, #tpu.memory_space<hbm>>, %arg3: memref<16384x64xf32, #tpu.memory_space<hbm>>, %arg4: memref<16384x192xf32, #tpu.memory_space<hbm>>, %arg5: memref<10240xi32, #tpu.memory_space<vmem>>, %arg6: memref<16384x64xf32, #tpu.memory_space<vmem_shared>>, %arg7: memref<160x64xf32, #tpu.memory_space<vmem>>, %arg8: memref<160x64xf32, #tpu.memory_space<vmem>>, %arg9: memref<8x192xf32, #tpu.memory_space<vmem>>, %arg10: memref<8x192xf32, #tpu.memory_space<vmem>>, %arg11: memref<!tpu.dma_semaphore, #tpu.memory_space<semaphore_mem>>, %arg12: memref<!tpu.dma_semaphore, #tpu.memory_space<semaphore_mem>>, %arg13: memref<!tpu.dma_semaphore, #tpu.memory_space<semaphore_mem>>, %arg14: memref<!tpu.dma_semaphore, #tpu.memory_space<semaphore_mem>>) attributes {dimension_semantics = [#tpu.dimension_semantics<core_parallel>, #tpu.dimension_semantics<subcore_parallel>], iteration_bounds = array<i64: 2, 16>, scalar_prefetch = 0 : i64, scratch_operands = 10 : i64, tpu.core_type = #tpu.core_type<sc_vector_subcore>, window_params = [{transform_indices = #map}, {transform_indices = #map1}, {transform_indices = #map1}]} {
    %mul3A = arith.constant 2 : i32
    %mul3A_0 = arith.muli %arg1, %mul3A : i32
    %add3A = arith.addi %mul3A_0, %arg0 : i32
    %mul3A_1 = arith.constant 512 : i32
    %mul3A_2 = arith.muli %add3A, %mul3A_1 : i32
    %eq3A = arith.constant 0 : i32
    %eq3A_3 = arith.cmpi eq, %arg1, %eq3A : i32
    %convert_element_type3A = arith.extui %eq3A_3 : i1 to i32
    %cond3A = arith.constant 0 : i32
    %cond3A_4 = arith.cmpi ne, %convert_element_type3A, %cond3A : i32
    scf.if %cond3A_4 {
      "tpu.region"() ({
        %run_scoped3A = tpu.sem_alloc : memref<!tpu.dma_semaphore, #tpu.memory_space<semaphore_mem>>
        tpu.enqueue_dma source(%arg3 : memref<16384x64xf32, #tpu.memory_space<hbm>>) target(%arg6 : memref<16384x64xf32, #tpu.memory_space<vmem_shared>>) target_semaphore(%run_scoped3A : memref<!tpu.dma_semaphore, #tpu.memory_space<semaphore_mem>>)
        tpu.wait_dma2 semaphore(%run_scoped3A : memref<!tpu.dma_semaphore, #tpu.memory_space<semaphore_mem>>) src(%arg3 : memref<16384x64xf32, #tpu.memory_space<hbm>>) dst(%arg6 : memref<16384x64xf32, #tpu.memory_space<vmem_shared>>)
        tpu.yield
      }) : () -> ()
    } else {
    }
    %mul3A_5 = arith.constant 20 : i32
    %mul3A_6 = arith.muli %mul3A_2, %mul3A_5 : i32
    "tpu.region"() ({
      %run_scoped3A = tpu.sem_alloc : memref<!tpu.dma_semaphore, #tpu.memory_space<semaphore_mem>>
      %dma_start3A_27 = tpu.memref_slice %arg2[%mul3A_6] : memref<327680xi32, #tpu.memory_space<hbm>> -> memref<10240xi32, #tpu.memory_space<hbm>>
      %dma_start3A_28 = tpu.memref_slice %arg2[%mul3A_6] : memref<327680xi32, #tpu.memory_space<hbm>> -> memref<10240xi32, #tpu.memory_space<hbm>>
      tpu.enqueue_dma source(%dma_start3A_28 : memref<10240xi32, #tpu.memory_space<hbm>>) target(%arg5 : memref<10240xi32, #tpu.memory_space<vmem>>) target_semaphore(%run_scoped3A : memref<!tpu.dma_semaphore, #tpu.memory_space<semaphore_mem>>)
      %dma_wait3A_29 = tpu.memref_slice %arg2[%mul3A_6] : memref<327680xi32, #tpu.memory_space<hbm>> -> memref<10240xi32, #tpu.memory_space<hbm>>
      %dma_wait3A_30 = tpu.memref_slice %arg2[%mul3A_6] : memref<327680xi32, #tpu.memory_space<hbm>> -> memref<10240xi32, #tpu.memory_space<hbm>>
      tpu.wait_dma2 semaphore(%run_scoped3A : memref<!tpu.dma_semaphore, #tpu.memory_space<semaphore_mem>>) src(%dma_wait3A_30 : memref<10240xi32, #tpu.memory_space<hbm>>) dst(%arg5 : memref<10240xi32, #tpu.memory_space<vmem>>)
      tpu.yield
    }) : () -> ()
    %barrier3A = arith.constant 0 : index
    tpu.barrier barrier_id(%barrier3A)
    %dma_start3A = arith.constant 0 : i32
    %dma_start3A_7 = tpu.memref_slice %arg5[%dma_start3A] : memref<10240xi32, #tpu.memory_space<vmem>> -> memref<160xi32, #tpu.memory_space<vmem>>
    %dma_start3A_8 = arith.constant 0 : i32
    %dma_start3A_9 = arith.constant 0 : i32
    %dma_start3A_10 = tpu.memref_slice %arg6[%dma_start3A_8, %dma_start3A_9] : memref<16384x64xf32, #tpu.memory_space<vmem_shared>> -> memref<16384x64xf32, #tpu.memory_space<vmem_shared>>
    tpu.enqueue_indirect_dma source(%dma_start3A_10 : memref<16384x64xf32, #tpu.memory_space<vmem_shared>>) target(%arg7 : memref<160x64xf32, #tpu.memory_space<vmem>>) offsets(%dma_start3A_7 : memref<160xi32, #tpu.memory_space<vmem>>) semaphore(%arg11 : memref<!tpu.dma_semaphore, #tpu.memory_space<semaphore_mem>>)
    %scan3A = arith.constant 0 : i32
    %scan3A_11 = arith.constant 0 : i32
    %scan3A_12 = arith.constant 32 : i32
    %scan3A_13 = arith.addi %scan3A_11, %scan3A_12 : i32
    %scan3A_14 = arith.constant 1 : i32
    scf.for %scan3A_27 = %scan3A_11 to %scan3A_13 step %scan3A_14  : i32 {
      %mul3A_28 = arith.constant 2 : i32
      %mul3A_29 = arith.muli %mul3A_28, %scan3A_27 : i32
      %add3A_30 = arith.constant 1 : i32
      %add3A_31 = arith.addi %mul3A_29, %add3A_30 : i32
      %mul3A_32 = arith.constant 160 : i32
      %mul3A_33 = arith.muli %add3A_31, %mul3A_32 : i32
      %dma_start3A_34 = tpu.memref_slice %arg5[%mul3A_33] : memref<10240xi32, #tpu.memory_space<vmem>> -> memref<160xi32, #tpu.memory_space<vmem>>
      %dma_start3A_35 = arith.constant 0 : i32
      %dma_start3A_36 = arith.constant 0 : i32
      %dma_start3A_37 = tpu.memref_slice %arg6[%dma_start3A_35, %dma_start3A_36] : memref<16384x64xf32, #tpu.memory_space<vmem_shared>> -> memref<16384x64xf32, #tpu.memory_space<vmem_shared>>
      tpu.enqueue_indirect_dma source(%dma_start3A_37 : memref<16384x64xf32, #tpu.memory_space<vmem_shared>>) target(%arg8 : memref<160x64xf32, #tpu.memory_space<vmem>>) offsets(%dma_start3A_34 : memref<160xi32, #tpu.memory_space<vmem>>) semaphore(%arg12 : memref<!tpu.dma_semaphore, #tpu.memory_space<semaphore_mem>>)
      %dma_wait3A_38 = arith.constant 0 : i32
      %dma_wait3A_39 = arith.constant 0 : i32
      %dma_wait3A_40 = tpu.memref_slice %arg3[%dma_wait3A_38, %dma_wait3A_39] : memref<16384x64xf32, #tpu.memory_space<hbm>> -> memref<160x64xf32, #tpu.memory_space<hbm>>
      %dma_wait3A_41 = arith.constant 0 : i32
      %dma_wait3A_42 = arith.constant 0 : i32
      %dma_wait3A_43 = tpu.memref_slice %arg3[%dma_wait3A_41, %dma_wait3A_42] : memref<16384x64xf32, #tpu.memory_space<hbm>> -> memref<160x64xf32, #tpu.memory_space<hbm>>
      tpu.wait_dma2 semaphore(%arg11 : memref<!tpu.dma_semaphore, #tpu.memory_space<semaphore_mem>>) src(%dma_wait3A_43 : memref<160x64xf32, #tpu.memory_space<hbm>>) dst(%arg7 : memref<160x64xf32, #tpu.memory_space<vmem>>)
      %gt3A = arith.constant 0 : i32
      %gt3A_44 = arith.cmpi sgt, %scan3A_27, %gt3A : i32
      %convert_element_type3A_45 = arith.extui %gt3A_44 : i1 to i32
      %cond3A_46 = arith.constant 0 : i32
      %cond3A_47 = arith.cmpi ne, %convert_element_type3A_45, %cond3A_46 : i32
      scf.if %cond3A_47 {
        %dma_wait3A_93 = arith.constant 0 : i32
        %dma_wait3A_94 = arith.constant 0 : i32
        %dma_wait3A_95 = tpu.memref_slice %arg4[%dma_wait3A_93, %dma_wait3A_94] : memref<16384x192xf32, #tpu.memory_space<hbm>> -> memref<8x192xf32, #tpu.memory_space<hbm>>
        %dma_wait3A_96 = arith.constant 0 : i32
        %dma_wait3A_97 = arith.constant 0 : i32
        %dma_wait3A_98 = tpu.memref_slice %arg4[%dma_wait3A_96, %dma_wait3A_97] : memref<16384x192xf32, #tpu.memory_space<hbm>> -> memref<8x192xf32, #tpu.memory_space<hbm>>
        tpu.wait_dma2 semaphore(%arg13 : memref<!tpu.dma_semaphore, #tpu.memory_space<semaphore_mem>>) src(%arg9 : memref<8x192xf32, #tpu.memory_space<vmem>>) dst(%dma_wait3A_98 : memref<8x192xf32, #tpu.memory_space<hbm>>)
      } else {
      }
      %scan3A_48 = arith.constant 0 : i32
      %scan3A_49 = arith.constant 0 : i32
      %scan3A_50 = arith.constant 8 : i32
      %scan3A_51 = arith.addi %scan3A_49, %scan3A_50 : i32
      %scan3A_52 = arith.constant 1 : i32
      scf.for %scan3A_93 = %scan3A_49 to %scan3A_51 step %scan3A_52  : i32 {
        %mul3A_94 = arith.constant 20 : i32
        %mul3A_95 = arith.muli %scan3A_93, %mul3A_94 : i32
        %get3A = arith.index_cast %mul3A_95 : i32 to index
        %get3A_96 = arith.constant 0 : index
        %get3A_97 = tpu.vector_load %arg7[%get3A, %get3A_96] {strides = array<i32>} : memref<160x64xf32, #tpu.memory_space<vmem>>, vector<1x16xf32>,
        %get3A_98 = vector.shape_cast %get3A_97 : vector<1x16xf32> to vector<16xf32>
        %mul3A_99 = arith.mulf %get3A_98, %get3A_98 : vector<16xf32>
        %add3A_100 = arith.constant 1 : i32
        %add3A_101 = arith.addi %mul3A_95, %add3A_100 : i32
        %get3A_102 = arith.index_cast %add3A_101 : i32 to index
        %get3A_103 = arith.constant 0 : index
        %get3A_104 = tpu.vector_load %arg7[%get3A_102, %get3A_103] {strides = array<i32>} : memref<160x64xf32, #tpu.memory_space<vmem>>, vector<1x16xf32>,
        %get3A_105 = vector.shape_cast %get3A_104 : vector<1x16xf32> to vector<16xf32>
        %add3A_106 = arith.addf %get3A_98, %get3A_105 : vector<16xf32>
        %mul3A_107 = arith.mulf %get3A_105, %get3A_105 : vector<16xf32>
        %add3A_108 = arith.addf %mul3A_99, %mul3A_107 : vector<16xf32>
        %max3A = arith.maximumf %get3A_98, %get3A_105 : vector<16xf32>
        %add3A_109 = arith.constant 2 : i32
        %add3A_110 = arith.addi %mul3A_95, %add3A_109 : i32
        %get3A_111 = arith.index_cast %add3A_110 : i32 to index
        %get3A_112 = arith.constant 0 : index
        %get3A_113 = tpu.vector_load %arg7[%get3A_111, %get3A_112] {strides = array<i32>} : memref<160x64xf32, #tpu.memory_space<vmem>>, vector<1x16xf32>,
        %get3A_114 = vector.shape_cast %get3A_113 : vector<1x16xf32> to vector<16xf32>
        %add3A_115 = arith.addf %add3A_106, %get3A_114 : vector<16xf32>
        %mul3A_116 = arith.mulf %get3A_114, %get3A_114 : vector<16xf32>
        %add3A_117 = arith.addf %add3A_108, %mul3A_116 : vector<16xf32>
        %max3A_118 = arith.maximumf %max3A, %get3A_114 : vector<16xf32>
        %add3A_119 = arith.constant 3 : i32
        %add3A_120 = arith.addi %mul3A_95, %add3A_119 : i32
        %get3A_121 = arith.index_cast %add3A_120 : i32 to index
        %get3A_122 = arith.constant 0 : index
        %get3A_123 = tpu.vector_load %arg7[%get3A_121, %get3A_122] {strides = array<i32>} : memref<160x64xf32, #tpu.memory_space<vmem>>, vector<1x16xf32>,
        %get3A_124 = vector.shape_cast %get3A_123 : vector<1x16xf32> to vector<16xf32>
        %add3A_125 = arith.addf %add3A_115, %get3A_124 : vector<16xf32>
        %mul3A_126 = arith.mulf %get3A_124, %get3A_124 : vector<16xf32>
        %add3A_127 = arith.addf %add3A_117, %mul3A_126 : vector<16xf32>
        %max3A_128 = arith.maximumf %max3A_118, %get3A_124 : vector<16xf32>
        %add3A_129 = arith.constant 4 : i32
        %add3A_130 = arith.addi %mul3A_95, %add3A_129 : i32
        %get3A_131 = arith.index_cast %add3A_130 : i32 to index
        %get3A_132 = arith.constant 0 : index
        %get3A_133 = tpu.vector_load %arg7[%get3A_131, %get3A_132] {strides = array<i32>} : memref<160x64xf32, #tpu.memory_space<vmem>>, vector<1x16xf32>,
        %get3A_134 = vector.shape_cast %get3A_133 : vector<1x16xf32> to vector<16xf32>
        %add3A_135 = arith.addf %add3A_125, %get3A_134 : vector<16xf32>
        %mul3A_136 = arith.mulf %get3A_134, %get3A_134 : vector<16xf32>
        %add3A_137 = arith.addf %add3A_127, %mul3A_136 : vector<16xf32>
        %max3A_138 = arith.maximumf %max3A_128, %get3A_134 : vector<16xf32>
        %add3A_139 = arith.constant 5 : i32
        %add3A_140 = arith.addi %mul3A_95, %add3A_139 : i32
        %get3A_141 = arith.index_cast %add3A_140 : i32 to index
        %get3A_142 = arith.constant 0 : index
        %get3A_143 = tpu.vector_load %arg7[%get3A_141, %get3A_142] {strides = array<i32>} : memref<160x64xf32, #tpu.memory_space<vmem>>, vector<1x16xf32>,
        %get3A_144 = vector.shape_cast %get3A_143 : vector<1x16xf32> to vector<16xf32>
        %add3A_145 = arith.addf %add3A_135, %get3A_144 : vector<16xf32>
        %mul3A_146 = arith.mulf %get3A_144, %get3A_144 : vector<16xf32>
        %add3A_147 = arith.addf %add3A_137, %mul3A_146 : vector<16xf32>
        %max3A_148 = arith.maximumf %max3A_138, %get3A_144 : vector<16xf32>
        %add3A_149 = arith.constant 6 : i32
        %add3A_150 = arith.addi %mul3A_95, %add3A_149 : i32
        %get3A_151 = arith.index_cast %add3A_150 : i32 to index
        %get3A_152 = arith.constant 0 : index
        %get3A_153 = tpu.vector_load %arg7[%get3A_151, %get3A_152] {strides = array<i32>} : memref<160x64xf32, #tpu.memory_space<vmem>>, vector<1x16xf32>,
        %get3A_154 = vector.shape_cast %get3A_153 : vector<1x16xf32> to vector<16xf32>
        %add3A_155 = arith.addf %add3A_145, %get3A_154 : vector<16xf32>
        %mul3A_156 = arith.mulf %get3A_154, %get3A_154 : vector<16xf32>
        %add3A_157 = arith.addf %add3A_147, %mul3A_156 : vector<16xf32>
        %max3A_158 = arith.maximumf %max3A_148, %get3A_154 : vector<16xf32>
        %add3A_159 = arith.constant 7 : i32
        %add3A_160 = arith.addi %mul3A_95, %add3A_159 : i32
        %get3A_161 = arith.index_cast %add3A_160 : i32 to index
        %get3A_162 = arith.constant 0 : index
        %get3A_163 = tpu.vector_load %arg7[%get3A_161, %get3A_162] {strides = array<i32>} : memref<160x64xf32, #tpu.memory_space<vmem>>, vector<1x16xf32>,
        %get3A_164 = vector.shape_cast %get3A_163 : vector<1x16xf32> to vector<16xf32>
        %add3A_165 = arith.addf %add3A_155, %get3A_164 : vector<16xf32>
        %mul3A_166 = arith.mulf %get3A_164, %get3A_164 : vector<16xf32>
        %add3A_167 = arith.addf %add3A_157, %mul3A_166 : vector<16xf32>
        %max3A_168 = arith.maximumf %max3A_158, %get3A_164 : vector<16xf32>
        %add3A_169 = arith.constant 8 : i32
        %add3A_170 = arith.addi %mul3A_95, %add3A_169 : i32
        %get3A_171 = arith.index_cast %add3A_170 : i32 to index
        %get3A_172 = arith.constant 0 : index
        %get3A_173 = tpu.vector_load %arg7[%get3A_171, %get3A_172] {strides = array<i32>} : memref<160x64xf32, #tpu.memory_space<vmem>>, vector<1x16xf32>,
        %get3A_174 = vector.shape_cast %get3A_173 : vector<1x16xf32> to vector<16xf32>
        %add3A_175 = arith.addf %add3A_165, %get3A_174 : vector<16xf32>
        %mul3A_176 = arith.mulf %get3A_174, %get3A_174 : vector<16xf32>
        %add3A_177 = arith.addf %add3A_167, %mul3A_176 : vector<16xf32>
        %max3A_178 = arith.maximumf %max3A_168, %get3A_174 : vector<16xf32>
        %add3A_179 = arith.constant 9 : i32
        %add3A_180 = arith.addi %mul3A_95, %add3A_179 : i32
        %get3A_181 = arith.index_cast %add3A_180 : i32 to index
        %get3A_182 = arith.constant 0 : index
        %get3A_183 = tpu.vector_load %arg7[%get3A_181, %get3A_182] {strides = array<i32>} : memref<160x64xf32, #tpu.memory_space<vmem>>, vector<1x16xf32>,
        %get3A_184 = vector.shape_cast %get3A_183 : vector<1x16xf32> to vector<16xf32>
        %add3A_185 = arith.addf %add3A_175, %get3A_184 : vector<16xf32>
        %mul3A_186 = arith.mulf %get3A_184, %get3A_184 : vector<16xf32>
        %add3A_187 = arith.addf %add3A_177, %mul3A_186 : vector<16xf32>
        %max3A_188 = arith.maximumf %max3A_178, %get3A_184 : vector<16xf32>
        %add3A_189 = arith.constant 10 : i32
        %add3A_190 = arith.addi %mul3A_95, %add3A_189 : i32
        %get3A_191 = arith.index_cast %add3A_190 : i32 to index
        %get3A_192 = arith.constant 0 : index
        %get3A_193 = tpu.vector_load %arg7[%get3A_191, %get3A_192] {strides = array<i32>} : memref<160x64xf32, #tpu.memory_space<vmem>>, vector<1x16xf32>,
        %get3A_194 = vector.shape_cast %get3A_193 : vector<1x16xf32> to vector<16xf32>
        %add3A_195 = arith.addf %add3A_185, %get3A_194 : vector<16xf32>
        %mul3A_196 = arith.mulf %get3A_194, %get3A_194 : vector<16xf32>
        %add3A_197 = arith.addf %add3A_187, %mul3A_196 : vector<16xf32>
        %max3A_198 = arith.maximumf %max3A_188, %get3A_194 : vector<16xf32>
        %add3A_199 = arith.constant 11 : i32
        %add3A_200 = arith.addi %mul3A_95, %add3A_199 : i32
        %get3A_201 = arith.index_cast %add3A_200 : i32 to index
        %get3A_202 = arith.constant 0 : index
        %get3A_203 = tpu.vector_load %arg7[%get3A_201, %get3A_202] {strides = array<i32>} : memref<160x64xf32, #tpu.memory_space<vmem>>, vector<1x16xf32>,
        %get3A_204 = vector.shape_cast %get3A_203 : vector<1x16xf32> to vector<16xf32>
        %add3A_205 = arith.addf %add3A_195, %get3A_204 : vector<16xf32>
        %mul3A_206 = arith.mulf %get3A_204, %get3A_204 : vector<16xf32>
        %add3A_207 = arith.addf %add3A_197, %mul3A_206 : vector<16xf32>
        %max3A_208 = arith.maximumf %max3A_198, %get3A_204 : vector<16xf32>
        %add3A_209 = arith.constant 12 : i32
        %add3A_210 = arith.addi %mul3A_95, %add3A_209 : i32
        %get3A_211 = arith.index_cast %add3A_210 : i32 to index
        %get3A_212 = arith.constant 0 : index
        %get3A_213 = tpu.vector_load %arg7[%get3A_211, %get3A_212] {strides = array<i32>} : memref<160x64xf32, #tpu.memory_space<vmem>>, vector<1x16xf32>,
        %get3A_214 = vector.shape_cast %get3A_213 : vector<1x16xf32> to vector<16xf32>
        %add3A_215 = arith.addf %add3A_205, %get3A_214 : vector<16xf32>
        %mul3A_216 = arith.mulf %get3A_214, %get3A_214 : vector<16xf32>
        %add3A_217 = arith.addf %add3A_207, %mul3A_216 : vector<16xf32>
        %max3A_218 = arith.maximumf %max3A_208, %get3A_214 : vector<16xf32>
        %add3A_219 = arith.constant 13 : i32
        %add3A_220 = arith.addi %mul3A_95, %add3A_219 : i32
        %get3A_221 = arith.index_cast %add3A_220 : i32 to index
        %get3A_222 = arith.constant 0 : index
        %get3A_223 = tpu.vector_load %arg7[%get3A_221, %get3A_222] {strides = array<i32>} : memref<160x64xf32, #tpu.memory_space<vmem>>, vector<1x16xf32>,
        %get3A_224 = vector.shape_cast %get3A_223 : vector<1x16xf32> to vector<16xf32>
        %add3A_225 = arith.addf %add3A_215, %get3A_224 : vector<16xf32>
        %mul3A_226 = arith.mulf %get3A_224, %get3A_224 : vector<16xf32>
        %add3A_227 = arith.addf %add3A_217, %mul3A_226 : vector<16xf32>
        %max3A_228 = arith.maximumf %max3A_218, %get3A_224 : vector<16xf32>
        %add3A_229 = arith.constant 14 : i32
        %add3A_230 = arith.addi %mul3A_95, %add3A_229 : i32
        %get3A_231 = arith.index_cast %add3A_230 : i32 to index
        %get3A_232 = arith.constant 0 : index
        %get3A_233 = tpu.vector_load %arg7[%get3A_231, %get3A_232] {strides = array<i32>} : memref<160x64xf32, #tpu.memory_space<vmem>>, vector<1x16xf32>,
        %get3A_234 = vector.shape_cast %get3A_233 : vector<1x16xf32> to vector<16xf32>
        %add3A_235 = arith.addf %add3A_225, %get3A_234 : vector<16xf32>
        %mul3A_236 = arith.mulf %get3A_234, %get3A_234 : vector<16xf32>
        %add3A_237 = arith.addf %add3A_227, %mul3A_236 : vector<16xf32>
        %max3A_238 = arith.maximumf %max3A_228, %get3A_234 : vector<16xf32>
        %add3A_239 = arith.constant 15 : i32
        %add3A_240 = arith.addi %mul3A_95, %add3A_239 : i32
        %get3A_241 = arith.index_cast %add3A_240 : i32 to index
        %get3A_242 = arith.constant 0 : index
        %get3A_243 = tpu.vector_load %arg7[%get3A_241, %get3A_242] {strides = array<i32>} : memref<160x64xf32, #tpu.memory_space<vmem>>, vector<1x16xf32>,
        %get3A_244 = vector.shape_cast %get3A_243 : vector<1x16xf32> to vector<16xf32>
        %add3A_245 = arith.addf %add3A_235, %get3A_244 : vector<16xf32>
        %mul3A_246 = arith.mulf %get3A_244, %get3A_244 : vector<16xf32>
        %add3A_247 = arith.addf %add3A_237, %mul3A_246 : vector<16xf32>
        %max3A_248 = arith.maximumf %max3A_238, %get3A_244 : vector<16xf32>
        %add3A_249 = arith.constant 16 : i32
        %add3A_250 = arith.addi %mul3A_95, %add3A_249 : i32
        %get3A_251 = arith.index_cast %add3A_250 : i32 to index
        %get3A_252 = arith.constant 0 : index
        %get3A_253 = tpu.vector_load %arg7[%get3A_251, %get3A_252] {strides = array<i32>} : memref<160x64xf32, #tpu.memory_space<vmem>>, vector<1x16xf32>,
        %get3A_254 = vector.shape_cast %get3A_253 : vector<1x16xf32> to vector<16xf32>
        %add3A_255 = arith.addf %add3A_245, %get3A_254 : vector<16xf32>
        %mul3A_256 = arith.mulf %get3A_254, %get3A_254 : vector<16xf32>
        %add3A_257 = arith.addf %add3A_247, %mul3A_256 : vector<16xf32>
        %max3A_258 = arith.maximumf %max3A_248, %get3A_254 : vector<16xf32>
        %add3A_259 = arith.constant 17 : i32
        %add3A_260 = arith.addi %mul3A_95, %add3A_259 : i32
        %get3A_261 = arith.index_cast %add3A_260 : i32 to index
        %get3A_262 = arith.constant 0 : index
        %get3A_263 = tpu.vector_load %arg7[%get3A_261, %get3A_262] {strides = array<i32>} : memref<160x64xf32, #tpu.memory_space<vmem>>, vector<1x16xf32>,
        %get3A_264 = vector.shape_cast %get3A_263 : vector<1x16xf32> to vector<16xf32>
        %add3A_265 = arith.addf %add3A_255, %get3A_264 : vector<16xf32>
        %mul3A_266 = arith.mulf %get3A_264, %get3A_264 : vector<16xf32>
        %add3A_267 = arith.addf %add3A_257, %mul3A_266 : vector<16xf32>
        %max3A_268 = arith.maximumf %max3A_258, %get3A_264 : vector<16xf32>
        %add3A_269 = arith.constant 18 : i32
        %add3A_270 = arith.addi %mul3A_95, %add3A_269 : i32
        %get3A_271 = arith.index_cast %add3A_270 : i32 to index
        %get3A_272 = arith.constant 0 : index
        %get3A_273 = tpu.vector_load %arg7[%get3A_271, %get3A_272] {strides = array<i32>} : memref<160x64xf32, #tpu.memory_space<vmem>>, vector<1x16xf32>,
        %get3A_274 = vector.shape_cast %get3A_273 : vector<1x16xf32> to vector<16xf32>
        %add3A_275 = arith.addf %add3A_265, %get3A_274 : vector<16xf32>
        %mul3A_276 = arith.mulf %get3A_274, %get3A_274 : vector<16xf32>
        %add3A_277 = arith.addf %add3A_267, %mul3A_276 : vector<16xf32>
        %max3A_278 = arith.maximumf %max3A_268, %get3A_274 : vector<16xf32>
        %add3A_279 = arith.constant 19 : i32
        %add3A_280 = arith.addi %mul3A_95, %add3A_279 : i32
        %get3A_281 = arith.index_cast %add3A_280 : i32 to index
        %get3A_282 = arith.constant 0 : index
        %get3A_283 = tpu.vector_load %arg7[%get3A_281, %get3A_282] {strides = array<i32>} : memref<160x64xf32, #tpu.memory_space<vmem>>, vector<1x16xf32>,
        %get3A_284 = vector.shape_cast %get3A_283 : vector<1x16xf32> to vector<16xf32>
        %add3A_285 = arith.addf %add3A_275, %get3A_284 : vector<16xf32>
        %mul3A_286 = arith.mulf %get3A_284, %get3A_284 : vector<16xf32>
        %add3A_287 = arith.addf %add3A_277, %mul3A_286 : vector<16xf32>
        %max3A_288 = arith.maximumf %max3A_278, %get3A_284 : vector<16xf32>
        %swap3A = arith.index_cast %scan3A_93 : i32 to index
        %swap3A_289 = arith.constant 0 : index
        %swap3A_290 = tpu.vector_load %arg9[%swap3A, %swap3A_289] {strides = array<i32>} : memref<8x192xf32, #tpu.memory_space<vmem>>, vector<1x16xf32>,
        %swap3A_291 = vector.shape_cast %swap3A_290 : vector<1x16xf32> to vector<16xf32>
        %swap3A_292 = vector.shape_cast %add3A_285 : vector<16xf32> to vector<1x16xf32>
        tpu.vector_store %arg9[%swap3A, %swap3A_289], %swap3A_292 {strides = array<i32>} : memref<8x192xf32, #tpu.memory_space<vmem>>, vector<1x16xf32>,
        %swap3A_293 = arith.index_cast %scan3A_93 : i32 to index
        %swap3A_294 = arith.constant 64 : index
        %swap3A_295 = tpu.vector_load %arg9[%swap3A_293, %swap3A_294] {strides = array<i32>} : memref<8x192xf32, #tpu.memory_space<vmem>>, vector<1x16xf32>,
        %swap3A_296 = vector.shape_cast %swap3A_295 : vector<1x16xf32> to vector<16xf32>
        %swap3A_297 = vector.shape_cast %add3A_287 : vector<16xf32> to vector<1x16xf32>
        tpu.vector_store %arg9[%swap3A_293, %swap3A_294], %swap3A_297 {strides = array<i32>} : memref<8x192xf32, #tpu.memory_space<vmem>>, vector<1x16xf32>,
        %swap3A_298 = arith.index_cast %scan3A_93 : i32 to index
        %swap3A_299 = arith.constant 128 : index
        %swap3A_300 = tpu.vector_load %arg9[%swap3A_298, %swap3A_299] {strides = array<i32>} : memref<8x192xf32, #tpu.memory_space<vmem>>, vector<1x16xf32>,
        %swap3A_301 = vector.shape_cast %swap3A_300 : vector<1x16xf32> to vector<16xf32>
        %swap3A_302 = vector.shape_cast %max3A_288 : vector<16xf32> to vector<1x16xf32>
        tpu.vector_store %arg9[%swap3A_298, %swap3A_299], %swap3A_302 {strides = array<i32>} : memref<8x192xf32, #tpu.memory_space<vmem>>, vector<1x16xf32>,
        %get3A_303 = arith.index_cast %mul3A_95 : i32 to index
        %get3A_304 = arith.constant 16 : index
        %get3A_305 = tpu.vector_load %arg7[%get3A_303, %get3A_304] {strides = array<i32>} : memref<160x64xf32, #tpu.memory_space<vmem>>, vector<1x16xf32>,
        %get3A_306 = vector.shape_cast %get3A_305 : vector<1x16xf32> to vector<16xf32>
        %mul3A_307 = arith.mulf %get3A_306, %get3A_306 : vector<16xf32>
        %add3A_308 = arith.constant 1 : i32
        %add3A_309 = arith.addi %mul3A_95, %add3A_308 : i32
        %get3A_310 = arith.index_cast %add3A_309 : i32 to index
        %get3A_311 = arith.constant 16 : index
        %get3A_312 = tpu.vector_load %arg7[%get3A_310, %get3A_311] {strides = array<i32>} : memref<160x64xf32, #tpu.memory_space<vmem>>, vector<1x16xf32>,
        %get3A_313 = vector.shape_cast %get3A_312 : vector<1x16xf32> to vector<16xf32>
        %add3A_314 = arith.addf %get3A_306, %get3A_313 : vector<16xf32>
        %mul3A_315 = arith.mulf %get3A_313, %get3A_313 : vector<16xf32>
        %add3A_316 = arith.addf %mul3A_307, %mul3A_315 : vector<16xf32>
        %max3A_317 = arith.maximumf %get3A_306, %get3A_313 : vector<16xf32>
        %add3A_318 = arith.constant 2 : i32
        %add3A_319 = arith.addi %mul3A_95, %add3A_318 : i32
        %get3A_320 = arith.index_cast %add3A_319 : i32 to index
        %get3A_321 = arith.constant 16 : index
        %get3A_322 = tpu.vector_load %arg7[%get3A_320, %get3A_321] {strides = array<i32>} : memref<160x64xf32, #tpu.memory_space<vmem>>, vector<1x16xf32>,
        %get3A_323 = vector.shape_cast %get3A_322 : vector<1x16xf32> to vector<16xf32>
        %add3A_324 = arith.addf %add3A_314, %get3A_323 : vector<16xf32>
        %mul3A_325 = arith.mulf %get3A_323, %get3A_323 : vector<16xf32>
        %add3A_326 = arith.addf %add3A_316, %mul3A_325 : vector<16xf32>
        %max3A_327 = arith.maximumf %max3A_317, %get3A_323 : vector<16xf32>
        %add3A_328 = arith.constant 3 : i32
        %add3A_329 = arith.addi %mul3A_95, %add3A_328 : i32
        %get3A_330 = arith.index_cast %add3A_329 : i32 to index
        %get3A_331 = arith.constant 16 : index
        %get3A_332 = tpu.vector_load %arg7[%get3A_330, %get3A_331] {strides = array<i32>} : memref<160x64xf32, #tpu.memory_space<vmem>>, vector<1x16xf32>,
        %get3A_333 = vector.shape_cast %get3A_332 : vector<1x16xf32> to vector<16xf32>
        %add3A_334 = arith.addf %add3A_324, %get3A_333 : vector<16xf32>
        %mul3A_335 = arith.mulf %get3A_333, %get3A_333 : vector<16xf32>
        %add3A_336 = arith.addf %add3A_326, %mul3A_335 : vector<16xf32>
        %max3A_337 = arith.maximumf %max3A_327, %get3A_333 : vector<16xf32>
        %add3A_338 = arith.constant 4 : i32
        %add3A_339 = arith.addi %mul3A_95, %add3A_338 : i32
        %get3A_340 = arith.index_cast %add3A_339 : i32 to index
        %get3A_341 = arith.constant 16 : index
        %get3A_342 = tpu.vector_load %arg7[%get3A_340, %get3A_341] {strides = array<i32>} : memref<160x64xf32, #tpu.memory_space<vmem>>, vector<1x16xf32>,
        %get3A_343 = vector.shape_cast %get3A_342 : vector<1x16xf32> to vector<16xf32>
        %add3A_344 = arith.addf %add3A_334, %get3A_343 : vector<16xf32>
        %mul3A_345 = arith.mulf %get3A_343, %get3A_343 : vector<16xf32>
        %add3A_346 = arith.addf %add3A_336, %mul3A_345 : vector<16xf32>
        %max3A_347 = arith.maximumf %max3A_337, %get3A_343 : vector<16xf32>
        %add3A_348 = arith.constant 5 : i32
        %add3A_349 = arith.addi %mul3A_95, %add3A_348 : i32
        %get3A_350 = arith.index_cast %add3A_349 : i32 to index
        %get3A_351 = arith.constant 16 : index
        %get3A_352 = tpu.vector_load %arg7[%get3A_350, %get3A_351] {strides = array<i32>} : memref<160x64xf32, #tpu.memory_space<vmem>>, vector<1x16xf32>,
        %get3A_353 = vector.shape_cast %get3A_352 : vector<1x16xf32> to vector<16xf32>
        %add3A_354 = arith.addf %add3A_344, %get3A_353 : vector<16xf32>
        %mul3A_355 = arith.mulf %get3A_353, %get3A_353 : vector<16xf32>
        %add3A_356 = arith.addf %add3A_346, %mul3A_355 : vector<16xf32>
        %max3A_357 = arith.maximumf %max3A_347, %get3A_353 : vector<16xf32>
        %add3A_358 = arith.constant 6 : i32
        %add3A_359 = arith.addi %mul3A_95, %add3A_358 : i32
        %get3A_360 = arith.index_cast %add3A_359 : i32 to index
        %get3A_361 = arith.constant 16 : index
        %get3A_362 = tpu.vector_load %arg7[%get3A_360, %get3A_361] {strides = array<i32>} : memref<160x64xf32, #tpu.memory_space<vmem>>, vector<1x16xf32>,
        %get3A_363 = vector.shape_cast %get3A_362 : vector<1x16xf32> to vector<16xf32>
        %add3A_364 = arith.addf %add3A_354, %get3A_363 : vector<16xf32>
        %mul3A_365 = arith.mulf %get3A_363, %get3A_363 : vector<16xf32>
        %add3A_366 = arith.addf %add3A_356, %mul3A_365 : vector<16xf32>
        %max3A_367 = arith.maximumf %max3A_357, %get3A_363 : vector<16xf32>
        %add3A_368 = arith.constant 7 : i32
        %add3A_369 = arith.addi %mul3A_95, %add3A_368 : i32
        %get3A_370 = arith.index_cast %add3A_369 : i32 to index
        %get3A_371 = arith.constant 16 : index
        %get3A_372 = tpu.vector_load %arg7[%get3A_370, %get3A_371] {strides = array<i32>} : memref<160x64xf32, #tpu.memory_space<vmem>>, vector<1x16xf32>,
        %get3A_373 = vector.shape_cast %get3A_372 : vector<1x16xf32> to vector<16xf32>
        %add3A_374 = arith.addf %add3A_364, %get3A_373 : vector<16xf32>
        %mul3A_375 = arith.mulf %get3A_373, %get3A_373 : vector<16xf32>
        %add3A_376 = arith.addf %add3A_366, %mul3A_375 : vector<16xf32>
        %max3A_377 = arith.maximumf %max3A_367, %get3A_373 : vector<16xf32>
        %add3A_378 = arith.constant 8 : i32
        %add3A_379 = arith.addi %mul3A_95, %add3A_378 : i32
        %get3A_380 = arith.index_cast %add3A_379 : i32 to index
        %get3A_381 = arith.constant 16 : index
        %get3A_382 = tpu.vector_load %arg7[%get3A_380, %get3A_381] {strides = array<i32>} : memref<160x64xf32, #tpu.memory_space<vmem>>, vector<1x16xf32>,
        %get3A_383 = vector.shape_cast %get3A_382 : vector<1x16xf32> to vector<16xf32>
        %add3A_384 = arith.addf %add3A_374, %get3A_383 : vector<16xf32>
        %mul3A_385 = arith.mulf %get3A_383, %get3A_383 : vector<16xf32>
        %add3A_386 = arith.addf %add3A_376, %mul3A_385 : vector<16xf32>
        %max3A_387 = arith.maximumf %max3A_377, %get3A_383 : vector<16xf32>
        %add3A_388 = arith.constant 9 : i32
        %add3A_389 = arith.addi %mul3A_95, %add3A_388 : i32
        %get3A_390 = arith.index_cast %add3A_389 : i32 to index
        %get3A_391 = arith.constant 16 : index
        %get3A_392 = tpu.vector_load %arg7[%get3A_390, %get3A_391] {strides = array<i32>} : memref<160x64xf32, #tpu.memory_space<vmem>>, vector<1x16xf32>,
        %get3A_393 = vector.shape_cast %get3A_392 : vector<1x16xf32> to vector<16xf32>
        %add3A_394 = arith.addf %add3A_384, %get3A_393 : vector<16xf32>
        %mul3A_395 = arith.mulf %get3A_393, %get3A_393 : vector<16xf32>
        %add3A_396 = arith.addf %add3A_386, %mul3A_395 : vector<16xf32>
        %max3A_397 = arith.maximumf %max3A_387, %get3A_393 : vector<16xf32>
        %add3A_398 = arith.constant 10 : i32
        %add3A_399 = arith.addi %mul3A_95, %add3A_398 : i32
        %get3A_400 = arith.index_cast %add3A_399 : i32 to index
        %get3A_401 = arith.constant 16 : index
        %get3A_402 = tpu.vector_load %arg7[%get3A_400, %get3A_401] {strides = array<i32>} : memref<160x64xf32, #tpu.memory_space<vmem>>, vector<1x16xf32>,
        %get3A_403 = vector.shape_cast %get3A_402 : vector<1x16xf32> to vector<16xf32>
        %add3A_404 = arith.addf %add3A_394, %get3A_403 : vector<16xf32>
        %mul3A_405 = arith.mulf %get3A_403, %get3A_403 : vector<16xf32>
        %add3A_406 = arith.addf %add3A_396, %mul3A_405 : vector<16xf32>
        %max3A_407 = arith.maximumf %max3A_397, %get3A_403 : vector<16xf32>
        %add3A_408 = arith.constant 11 : i32
        %add3A_409 = arith.addi %mul3A_95, %add3A_408 : i32
        %get3A_410 = arith.index_cast %add3A_409 : i32 to index
        %get3A_411 = arith.constant 16 : index
        %get3A_412 = tpu.vector_load %arg7[%get3A_410, %get3A_411] {strides = array<i32>} : memref<160x64xf32, #tpu.memory_space<vmem>>, vector<1x16xf32>,
        %get3A_413 = vector.shape_cast %get3A_412 : vector<1x16xf32> to vector<16xf32>
        %add3A_414 = arith.addf %add3A_404, %get3A_413 : vector<16xf32>
        %mul3A_415 = arith.mulf %get3A_413, %get3A_413 : vector<16xf32>
        %add3A_416 = arith.addf %add3A_406, %mul3A_415 : vector<16xf32>
        %max3A_417 = arith.maximumf %max3A_407, %get3A_413 : vector<16xf32>
        %add3A_418 = arith.constant 12 : i32
        %add3A_419 = arith.addi %mul3A_95, %add3A_418 : i32
        %get3A_420 = arith.index_cast %add3A_419 : i32 to index
        %get3A_421 = arith.constant 16 : index
        %get3A_422 = tpu.vector_load %arg7[%get3A_420, %get3A_421] {strides = array<i32>} : memref<160x64xf32, #tpu.memory_space<vmem>>, vector<1x16xf32>,
        %get3A_423 = vector.shape_cast %get3A_422 : vector<1x16xf32> to vector<16xf32>
        %add3A_424 = arith.addf %add3A_414, %get3A_423 : vector<16xf32>
        %mul3A_425 = arith.mulf %get3A_423, %get3A_423 : vector<16xf32>
        %add3A_426 = arith.addf %add3A_416, %mul3A_425 : vector<16xf32>
        %max3A_427 = arith.maximumf %max3A_417, %get3A_423 : vector<16xf32>
        %add3A_428 = arith.constant 13 : i32
        %add3A_429 = arith.addi %mul3A_95, %add3A_428 : i32
        %get3A_430 = arith.index_cast %add3A_429 : i32 to index
        %get3A_431 = arith.constant 16 : index
        %get3A_432 = tpu.vector_load %arg7[%get3A_430, %get3A_431] {strides = array<i32>} : memref<160x64xf32, #tpu.memory_space<vmem>>, vector<1x16xf32>,
        %get3A_433 = vector.shape_cast %get3A_432 : vector<1x16xf32> to vector<16xf32>
        %add3A_434 = arith.addf %add3A_424, %get3A_433 : vector<16xf32>
        %mul3A_435 = arith.mulf %get3A_433, %get3A_433 : vector<16xf32>
        %add3A_436 = arith.addf %add3A_426, %mul3A_435 : vector<16xf32>
        %max3A_437 = arith.maximumf %max3A_427, %get3A_433 : vector<16xf32>
        %add3A_438 = arith.constant 14 : i32
        %add3A_439 = arith.addi %mul3A_95, %add3A_438 : i32
        %get3A_440 = arith.index_cast %add3A_439 : i32 to index
        %get3A_441 = arith.constant 16 : index
        %get3A_442 = tpu.vector_load %arg7[%get3A_440, %get3A_441] {strides = array<i32>} : memref<160x64xf32, #tpu.memory_space<vmem>>, vector<1x16xf32>,
        %get3A_443 = vector.shape_cast %get3A_442 : vector<1x16xf32> to vector<16xf32>
        %add3A_444 = arith.addf %add3A_434, %get3A_443 : vector<16xf32>
        %mul3A_445 = arith.mulf %get3A_443, %get3A_443 : vector<16xf32>
        %add3A_446 = arith.addf %add3A_436, %mul3A_445 : vector<16xf32>
        %max3A_447 = arith.maximumf %max3A_437, %get3A_443 : vector<16xf32>
        %add3A_448 = arith.constant 15 : i32
        %add3A_449 = arith.addi %mul3A_95, %add3A_448 : i32
        %get3A_450 = arith.index_cast %add3A_449 : i32 to index
        %get3A_451 = arith.constant 16 : index
        %get3A_452 = tpu.vector_load %arg7[%get3A_450, %get3A_451] {strides = array<i32>} : memref<160x64xf32, #tpu.memory_space<vmem>>, vector<1x16xf32>,
        %get3A_453 = vector.shape_cast %get3A_452 : vector<1x16xf32> to vector<16xf32>
        %add3A_454 = arith.addf %add3A_444, %get3A_453 : vector<16xf32>
        %mul3A_455 = arith.mulf %get3A_453, %get3A_453 : vector<16xf32>
        %add3A_456 = arith.addf %add3A_446, %mul3A_455 : vector<16xf32>
        %max3A_457 = arith.maximumf %max3A_447, %get3A_453 : vector<16xf32>
        %add3A_458 = arith.constant 16 : i32
        %add3A_459 = arith.addi %mul3A_95, %add3A_458 : i32
        %get3A_460 = arith.index_cast %add3A_459 : i32 to index
        %get3A_461 = arith.constant 16 : index
        %get3A_462 = tpu.vector_load %arg7[%get3A_460, %get3A_461] {strides = array<i32>} : memref<160x64xf32, #tpu.memory_space<vmem>>, vector<1x16xf32>,
        %get3A_463 = vector.shape_cast %get3A_462 : vector<1x16xf32> to vector<16xf32>
        %add3A_464 = arith.addf %add3A_454, %get3A_463 : vector<16xf32>
        %mul3A_465 = arith.mulf %get3A_463, %get3A_463 : vector<16xf32>
        %add3A_466 = arith.addf %add3A_456, %mul3A_465 : vector<16xf32>
        %max3A_467 = arith.maximumf %max3A_457, %get3A_463 : vector<16xf32>
        %add3A_468 = arith.constant 17 : i32
        %add3A_469 = arith.addi %mul3A_95, %add3A_468 : i32
        %get3A_470 = arith.index_cast %add3A_469 : i32 to index
        %get3A_471 = arith.constant 16 : index
        %get3A_472 = tpu.vector_load %arg7[%get3A_470, %get3A_471] {strides = array<i32>} : memref<160x64xf32, #tpu.memory_space<vmem>>, vector<1x16xf32>,
        %get3A_473 = vector.shape_cast %get3A_472 : vector<1x16xf32> to vector<16xf32>
        %add3A_474 = arith.addf %add3A_464, %get3A_473 : vector<16xf32>
        %mul3A_475 = arith.mulf %get3A_473, %get3A_473 : vector<16xf32>
        %add3A_476 = arith.addf %add3A_466, %mul3A_475 : vector<16xf32>
        %max3A_477 = arith.maximumf %max3A_467, %get3A_473 : vector<16xf32>
        %add3A_478 = arith.constant 18 : i32
        %add3A_479 = arith.addi %mul3A_95, %add3A_478 : i32
        %get3A_480 = arith.index_cast %add3A_479 : i32 to index
        %get3A_481 = arith.constant 16 : index
        %get3A_482 = tpu.vector_load %arg7[%get3A_480, %get3A_481] {strides = array<i32>} : memref<160x64xf32, #tpu.memory_space<vmem>>, vector<1x16xf32>,
        %get3A_483 = vector.shape_cast %get3A_482 : vector<1x16xf32> to vector<16xf32>
        %add3A_484 = arith.addf %add3A_474, %get3A_483 : vector<16xf32>
        %mul3A_485 = arith.mulf %get3A_483, %get3A_483 : vector<16xf32>
        %add3A_486 = arith.addf %add3A_476, %mul3A_485 : vector<16xf32>
        %max3A_487 = arith.maximumf %max3A_477, %get3A_483 : vector<16xf32>
        %add3A_488 = arith.constant 19 : i32
        %add3A_489 = arith.addi %mul3A_95, %add3A_488 : i32
        %get3A_490 = arith.index_cast %add3A_489 : i32 to index
        %get3A_491 = arith.constant 16 : index
        %get3A_492 = tpu.vector_load %arg7[%get3A_490, %get3A_491] {strides = array<i32>} : memref<160x64xf32, #tpu.memory_space<vmem>>, vector<1x16xf32>,
        %get3A_493 = vector.shape_cast %get3A_492 : vector<1x16xf32> to vector<16xf32>
        %add3A_494 = arith.addf %add3A_484, %get3A_493 : vector<16xf32>
        %mul3A_495 = arith.mulf %get3A_493, %get3A_493 : vector<16xf32>
        %add3A_496 = arith.addf %add3A_486, %mul3A_495 : vector<16xf32>
        %max3A_497 = arith.maximumf %max3A_487, %get3A_493 : vector<16xf32>
        %swap3A_498 = arith.index_cast %scan3A_93 : i32 to index
        %swap3A_499 = arith.constant 16 : index
        %swap3A_500 = tpu.vector_load %arg9[%swap3A_498, %swap3A_499] {strides = array<i32>} : memref<8x192xf32, #tpu.memory_space<vmem>>, vector<1x16xf32>,
        %swap3A_501 = vector.shape_cast %swap3A_500 : vector<1x16xf32> to vector<16xf32>
        %swap3A_502 = vector.shape_cast %add3A_494 : vector<16xf32> to vector<1x16xf32>
        tpu.vector_store %arg9[%swap3A_498, %swap3A_499], %swap3A_502 {strides = array<i32>} : memref<8x192xf32, #tpu.memory_space<vmem>>, vector<1x16xf32>,
        %swap3A_503 = arith.index_cast %scan3A_93 : i32 to index
        %swap3A_504 = arith.constant 80 : index
        %swap3A_505 = tpu.vector_load %arg9[%swap3A_503, %swap3A_504] {strides = array<i32>} : memref<8x192xf32, #tpu.memory_space<vmem>>, vector<1x16xf32>,
        %swap3A_506 = vector.shape_cast %swap3A_505 : vector<1x16xf32> to vector<16xf32>
        %swap3A_507 = vector.shape_cast %add3A_496 : vector<16xf32> to vector<1x16xf32>
        tpu.vector_store %arg9[%swap3A_503, %swap3A_504], %swap3A_507 {strides = array<i32>} : memref<8x192xf32, #tpu.memory_space<vmem>>, vector<1x16xf32>,
        %swap3A_508 = arith.index_cast %scan3A_93 : i32 to index
        %swap3A_509 = arith.constant 144 : index
        %swap3A_510 = tpu.vector_load %arg9[%swap3A_508, %swap3A_509] {strides = array<i32>} : memref<8x192xf32, #tpu.memory_space<vmem>>, vector<1x16xf32>,
        %swap3A_511 = vector.shape_cast %swap3A_510 : vector<1x16xf32> to vector<16xf32>
        %swap3A_512 = vector.shape_cast %max3A_497 : vector<16xf32> to vector<1x16xf32>
        tpu.vector_store %arg9[%swap3A_508, %swap3A_509], %swap3A_512 {strides = array<i32>} : memref<8x192xf32, #tpu.memory_space<vmem>>, vector<1x16xf32>,
        %get3A_513 = arith.index_cast %mul3A_95 : i32 to index
        %get3A_514 = arith.constant 32 : index
        %get3A_515 = tpu.vector_load %arg7[%get3A_513, %get3A_514] {strides = array<i32>} : memref<160x64xf32, #tpu.memory_space<vmem>>, vector<1x16xf32>,
        %get3A_516 = vector.shape_cast %get3A_515 : vector<1x16xf32> to vector<16xf32>
        %mul3A_517 = arith.mulf %get3A_516, %get3A_516 : vector<16xf32>
        %add3A_518 = arith.constant 1 : i32
        %add3A_519 = arith.addi %mul3A_95, %add3A_518 : i32
        %get3A_520 = arith.index_cast %add3A_519 : i32 to index
        %get3A_521 = arith.constant 32 : index
        %get3A_522 = tpu.vector_load %arg7[%get3A_520, %get3A_521] {strides = array<i32>} : memref<160x64xf32, #tpu.memory_space<vmem>>, vector<1x16xf32>,
        %get3A_523 = vector.shape_cast %get3A_522 : vector<1x16xf32> to vector<16xf32>
        %add3A_524 = arith.addf %get3A_516, %get3A_523 : vector<16xf32>
        %mul3A_525 = arith.mulf %get3A_523, %get3A_523 : vector<16xf32>
        %add3A_526 = arith.addf %mul3A_517, %mul3A_525 : vector<16xf32>
        %max3A_527 = arith.maximumf %get3A_516, %get3A_523 : vector<16xf32>
        %add3A_528 = arith.constant 2 : i32
        %add3A_529 = arith.addi %mul3A_95, %add3A_528 : i32
        %get3A_530 = arith.index_cast %add3A_529 : i32 to index
        %get3A_531 = arith.constant 32 : index
        %get3A_532 = tpu.vector_load %arg7[%get3A_530, %get3A_531] {strides = array<i32>} : memref<160x64xf32, #tpu.memory_space<vmem>>, vector<1x16xf32>,
        %get3A_533 = vector.shape_cast %get3A_532 : vector<1x16xf32> to vector<16xf32>
        %add3A_534 = arith.addf %add3A_524, %get3A_533 : vector<16xf32>
        %mul3A_535 = arith.mulf %get3A_533, %get3A_533 : vector<16xf32>
        %add3A_536 = arith.addf %add3A_526, %mul3A_535 : vector<16xf32>
        %max3A_537 = arith.maximumf %max3A_527, %get3A_533 : vector<16xf32>
        %add3A_538 = arith.constant 3 : i32
        %add3A_539 = arith.addi %mul3A_95, %add3A_538 : i32
        %get3A_540 = arith.index_cast %add3A_539 : i32 to index
        %get3A_541 = arith.constant 32 : index
        %get3A_542 = tpu.vector_load %arg7[%get3A_540, %get3A_541] {strides = array<i32>} : memref<160x64xf32, #tpu.memory_space<vmem>>, vector<1x16xf32>,
        %get3A_543 = vector.shape_cast %get3A_542 : vector<1x16xf32> to vector<16xf32>
        %add3A_544 = arith.addf %add3A_534, %get3A_543 : vector<16xf32>
        %mul3A_545 = arith.mulf %get3A_543, %get3A_543 : vector<16xf32>
        %add3A_546 = arith.addf %add3A_536, %mul3A_545 : vector<16xf32>
        %max3A_547 = arith.maximumf %max3A_537, %get3A_543 : vector<16xf32>
        %add3A_548 = arith.constant 4 : i32
        %add3A_549 = arith.addi %mul3A_95, %add3A_548 : i32
        %get3A_550 = arith.index_cast %add3A_549 : i32 to index
        %get3A_551 = arith.constant 32 : index
        %get3A_552 = tpu.vector_load %arg7[%get3A_550, %get3A_551] {strides = array<i32>} : memref<160x64xf32, #tpu.memory_space<vmem>>, vector<1x16xf32>,
        %get3A_553 = vector.shape_cast %get3A_552 : vector<1x16xf32> to vector<16xf32>
        %add3A_554 = arith.addf %add3A_544, %get3A_553 : vector<16xf32>
        %mul3A_555 = arith.mulf %get3A_553, %get3A_553 : vector<16xf32>
        %add3A_556 = arith.addf %add3A_546, %mul3A_555 : vector<16xf32>
        %max3A_557 = arith.maximumf %max3A_547, %get3A_553 : vector<16xf32>
        %add3A_558 = arith.constant 5 : i32
        %add3A_559 = arith.addi %mul3A_95, %add3A_558 : i32
        %get3A_560 = arith.index_cast %add3A_559 : i32 to index
        %get3A_561 = arith.constant 32 : index
        %get3A_562 = tpu.vector_load %arg7[%get3A_560, %get3A_561] {strides = array<i32>} : memref<160x64xf32, #tpu.memory_space<vmem>>, vector<1x16xf32>,
        %get3A_563 = vector.shape_cast %get3A_562 : vector<1x16xf32> to vector<16xf32>
        %add3A_564 = arith.addf %add3A_554, %get3A_563 : vector<16xf32>
        %mul3A_565 = arith.mulf %get3A_563, %get3A_563 : vector<16xf32>
        %add3A_566 = arith.addf %add3A_556, %mul3A_565 : vector<16xf32>
        %max3A_567 = arith.maximumf %max3A_557, %get3A_563 : vector<16xf32>
        %add3A_568 = arith.constant 6 : i32
        %add3A_569 = arith.addi %mul3A_95, %add3A_568 : i32
        %get3A_570 = arith.index_cast %add3A_569 : i32 to index
        %get3A_571 = arith.constant 32 : index
        %get3A_572 = tpu.vector_load %arg7[%get3A_570, %get3A_571] {strides = array<i32>} : memref<160x64xf32, #tpu.memory_space<vmem>>, vector<1x16xf32>,
        %get3A_573 = vector.shape_cast %get3A_572 : vector<1x16xf32> to vector<16xf32>
        %add3A_574 = arith.addf %add3A_564, %get3A_573 : vector<16xf32>
        %mul3A_575 = arith.mulf %get3A_573, %get3A_573 : vector<16xf32>
        %add3A_576 = arith.addf %add3A_566, %mul3A_575 : vector<16xf32>
        %max3A_577 = arith.maximumf %max3A_567, %get3A_573 : vector<16xf32>
        %add3A_578 = arith.constant 7 : i32
        %add3A_579 = arith.addi %mul3A_95, %add3A_578 : i32
        %get3A_580 = arith.index_cast %add3A_579 : i32 to index
        %get3A_581 = arith.constant 32 : index
        %get3A_582 = tpu.vector_load %arg7[%get3A_580, %get3A_581] {strides = array<i32>} : memref<160x64xf32, #tpu.memory_space<vmem>>, vector<1x16xf32>,
        %get3A_583 = vector.shape_cast %get3A_582 : vector<1x16xf32> to vector<16xf32>
        %add3A_584 = arith.addf %add3A_574, %get3A_583 : vector<16xf32>
        %mul3A_585 = arith.mulf %get3A_583, %get3A_583 : vector<16xf32>
        %add3A_586 = arith.addf %add3A_576, %mul3A_585 : vector<16xf32>
        %max3A_587 = arith.maximumf %max3A_577, %get3A_583 : vector<16xf32>
        %add3A_588 = arith.constant 8 : i32
        %add3A_589 = arith.addi %mul3A_95, %add3A_588 : i32
        %get3A_590 = arith.index_cast %add3A_589 : i32 to index
        %get3A_591 = arith.constant 32 : index
        %get3A_592 = tpu.vector_load %arg7[%get3A_590, %get3A_591] {strides = array<i32>} : memref<160x64xf32, #tpu.memory_space<vmem>>, vector<1x16xf32>,
        %get3A_593 = vector.shape_cast %get3A_592 : vector<1x16xf32> to vector<16xf32>
        %add3A_594 = arith.addf %add3A_584, %get3A_593 : vector<16xf32>
        %mul3A_595 = arith.mulf %get3A_593, %get3A_593 : vector<16xf32>
        %add3A_596 = arith.addf %add3A_586, %mul3A_595 : vector<16xf32>
        %max3A_597 = arith.maximumf %max3A_587, %get3A_593 : vector<16xf32>
        %add3A_598 = arith.constant 9 : i32
        %add3A_599 = arith.addi %mul3A_95, %add3A_598 : i32
        %get3A_600 = arith.index_cast %add3A_599 : i32 to index
        %get3A_601 = arith.constant 32 : index
        %get3A_602 = tpu.vector_load %arg7[%get3A_600, %get3A_601] {strides = array<i32>} : memref<160x64xf32, #tpu.memory_space<vmem>>, vector<1x16xf32>,
        %get3A_603 = vector.shape_cast %get3A_602 : vector<1x16xf32> to vector<16xf32>
        %add3A_604 = arith.addf %add3A_594, %get3A_603 : vector<16xf32>
        %mul3A_605 = arith.mulf %get3A_603, %get3A_603 : vector<16xf32>
        %add3A_606 = arith.addf %add3A_596, %mul3A_605 : vector<16xf32>
        %max3A_607 = arith.maximumf %max3A_597, %get3A_603 : vector<16xf32>
        %add3A_608 = arith.constant 10 : i32
        %add3A_609 = arith.addi %mul3A_95, %add3A_608 : i32
        %get3A_610 = arith.index_cast %add3A_609 : i32 to index
        %get3A_611 = arith.constant 32 : index
        %get3A_612 = tpu.vector_load %arg7[%get3A_610, %get3A_611] {strides = array<i32>} : memref<160x64xf32, #tpu.memory_space<vmem>>, vector<1x16xf32>,
        %get3A_613 = vector.shape_cast %get3A_612 : vector<1x16xf32> to vector<16xf32>
        %add3A_614 = arith.addf %add3A_604, %get3A_613 : vector<16xf32>
        %mul3A_615 = arith.mulf %get3A_613, %get3A_613 : vector<16xf32>
        %add3A_616 = arith.addf %add3A_606, %mul3A_615 : vector<16xf32>
        %max3A_617 = arith.maximumf %max3A_607, %get3A_613 : vector<16xf32>
        %add3A_618 = arith.constant 11 : i32
        %add3A_619 = arith.addi %mul3A_95, %add3A_618 : i32
        %get3A_620 = arith.index_cast %add3A_619 : i32 to index
        %get3A_621 = arith.constant 32 : index
        %get3A_622 = tpu.vector_load %arg7[%get3A_620, %get3A_621] {strides = array<i32>} : memref<160x64xf32, #tpu.memory_space<vmem>>, vector<1x16xf32>,
        %get3A_623 = vector.shape_cast %get3A_622 : vector<1x16xf32> to vector<16xf32>
        %add3A_624 = arith.addf %add3A_614, %get3A_623 : vector<16xf32>
        %mul3A_625 = arith.mulf %get3A_623, %get3A_623 : vector<16xf32>
        %add3A_626 = arith.addf %add3A_616, %mul3A_625 : vector<16xf32>
        %max3A_627 = arith.maximumf %max3A_617, %get3A_623 : vector<16xf32>
        %add3A_628 = arith.constant 12 : i32
        %add3A_629 = arith.addi %mul3A_95, %add3A_628 : i32
        %get3A_630 = arith.index_cast %add3A_629 : i32 to index
        %get3A_631 = arith.constant 32 : index
        %get3A_632 = tpu.vector_load %arg7[%get3A_630, %get3A_631] {strides = array<i32>} : memref<160x64xf32, #tpu.memory_space<vmem>>, vector<1x16xf32>,
        %get3A_633 = vector.shape_cast %get3A_632 : vector<1x16xf32> to vector<16xf32>
        %add3A_634 = arith.addf %add3A_624, %get3A_633 : vector<16xf32>
        %mul3A_635 = arith.mulf %get3A_633, %get3A_633 : vector<16xf32>
        %add3A_636 = arith.addf %add3A_626, %mul3A_635 : vector<16xf32>
        %max3A_637 = arith.maximumf %max3A_627, %get3A_633 : vector<16xf32>
        %add3A_638 = arith.constant 13 : i32
        %add3A_639 = arith.addi %mul3A_95, %add3A_638 : i32
        %get3A_640 = arith.index_cast %add3A_639 : i32 to index
        %get3A_641 = arith.constant 32 : index
        %get3A_642 = tpu.vector_load %arg7[%get3A_640, %get3A_641] {strides = array<i32>} : memref<160x64xf32, #tpu.memory_space<vmem>>, vector<1x16xf32>,
        %get3A_643 = vector.shape_cast %get3A_642 : vector<1x16xf32> to vector<16xf32>
        %add3A_644 = arith.addf %add3A_634, %get3A_643 : vector<16xf32>
        %mul3A_645 = arith.mulf %get3A_643, %get3A_643 : vector<16xf32>
        %add3A_646 = arith.addf %add3A_636, %mul3A_645 : vector<16xf32>
        %max3A_647 = arith.maximumf %max3A_637, %get3A_643 : vector<16xf32>
        %add3A_648 = arith.constant 14 : i32
        %add3A_649 = arith.addi %mul3A_95, %add3A_648 : i32
        %get3A_650 = arith.index_cast %add3A_649 : i32 to index
        %get3A_651 = arith.constant 32 : index
        %get3A_652 = tpu.vector_load %arg7[%get3A_650, %get3A_651] {strides = array<i32>} : memref<160x64xf32, #tpu.memory_space<vmem>>, vector<1x16xf32>,
        %get3A_653 = vector.shape_cast %get3A_652 : vector<1x16xf32> to vector<16xf32>
        %add3A_654 = arith.addf %add3A_644, %get3A_653 : vector<16xf32>
        %mul3A_655 = arith.mulf %get3A_653, %get3A_653 : vector<16xf32>
        %add3A_656 = arith.addf %add3A_646, %mul3A_655 : vector<16xf32>
        %max3A_657 = arith.maximumf %max3A_647, %get3A_653 : vector<16xf32>
        %add3A_658 = arith.constant 15 : i32
        %add3A_659 = arith.addi %mul3A_95, %add3A_658 : i32
        %get3A_660 = arith.index_cast %add3A_659 : i32 to index
        %get3A_661 = arith.constant 32 : index
        %get3A_662 = tpu.vector_load %arg7[%get3A_660, %get3A_661] {strides = array<i32>} : memref<160x64xf32, #tpu.memory_space<vmem>>, vector<1x16xf32>,
        %get3A_663 = vector.shape_cast %get3A_662 : vector<1x16xf32> to vector<16xf32>
        %add3A_664 = arith.addf %add3A_654, %get3A_663 : vector<16xf32>
        %mul3A_665 = arith.mulf %get3A_663, %get3A_663 : vector<16xf32>
        %add3A_666 = arith.addf %add3A_656, %mul3A_665 : vector<16xf32>
        %max3A_667 = arith.maximumf %max3A_657, %get3A_663 : vector<16xf32>
        %add3A_668 = arith.constant 16 : i32
        %add3A_669 = arith.addi %mul3A_95, %add3A_668 : i32
        %get3A_670 = arith.index_cast %add3A_669 : i32 to index
        %get3A_671 = arith.constant 32 : index
        %get3A_672 = tpu.vector_load %arg7[%get3A_670, %get3A_671] {strides = array<i32>} : memref<160x64xf32, #tpu.memory_space<vmem>>, vector<1x16xf32>,
        %get3A_673 = vector.shape_cast %get3A_672 : vector<1x16xf32> to vector<16xf32>
        %add3A_674 = arith.addf %add3A_664, %get3A_673 : vector<16xf32>
        %mul3A_675 = arith.mulf %get3A_673, %get3A_673 : vector<16xf32>
        %add3A_676 = arith.addf %add3A_666, %mul3A_675 : vector<16xf32>
        %max3A_677 = arith.maximumf %max3A_667, %get3A_673 : vector<16xf32>
        %add3A_678 = arith.constant 17 : i32
        %add3A_679 = arith.addi %mul3A_95, %add3A_678 : i32
        %get3A_680 = arith.index_cast %add3A_679 : i32 to index
        %get3A_681 = arith.constant 32 : index
        %get3A_682 = tpu.vector_load %arg7[%get3A_680, %get3A_681] {strides = array<i32>} : memref<160x64xf32, #tpu.memory_space<vmem>>, vector<1x16xf32>,
        %get3A_683 = vector.shape_cast %get3A_682 : vector<1x16xf32> to vector<16xf32>
        %add3A_684 = arith.addf %add3A_674, %get3A_683 : vector<16xf32>
        %mul3A_685 = arith.mulf %get3A_683, %get3A_683 : vector<16xf32>
        %add3A_686 = arith.addf %add3A_676, %mul3A_685 : vector<16xf32>
        %max3A_687 = arith.maximumf %max3A_677, %get3A_683 : vector<16xf32>
        %add3A_688 = arith.constant 18 : i32
        %add3A_689 = arith.addi %mul3A_95, %add3A_688 : i32
        %get3A_690 = arith.index_cast %add3A_689 : i32 to index
        %get3A_691 = arith.constant 32 : index
        %get3A_692 = tpu.vector_load %arg7[%get3A_690, %get3A_691] {strides = array<i32>} : memref<160x64xf32, #tpu.memory_space<vmem>>, vector<1x16xf32>,
        %get3A_693 = vector.shape_cast %get3A_692 : vector<1x16xf32> to vector<16xf32>
        %add3A_694 = arith.addf %add3A_684, %get3A_693 : vector<16xf32>
        %mul3A_695 = arith.mulf %get3A_693, %get3A_693 : vector<16xf32>
        %add3A_696 = arith.addf %add3A_686, %mul3A_695 : vector<16xf32>
        %max3A_697 = arith.maximumf %max3A_687, %get3A_693 : vector<16xf32>
        %add3A_698 = arith.constant 19 : i32
        %add3A_699 = arith.addi %mul3A_95, %add3A_698 : i32
        %get3A_700 = arith.index_cast %add3A_699 : i32 to index
        %get3A_701 = arith.constant 32 : index
        %get3A_702 = tpu.vector_load %arg7[%get3A_700, %get3A_701] {strides = array<i32>} : memref<160x64xf32, #tpu.memory_space<vmem>>, vector<1x16xf32>,
        %get3A_703 = vector.shape_cast %get3A_702 : vector<1x16xf32> to vector<16xf32>
        %add3A_704 = arith.addf %add3A_694, %get3A_703 : vector<16xf32>
        %mul3A_705 = arith.mulf %get3A_703, %get3A_703 : vector<16xf32>
        %add3A_706 = arith.addf %add3A_696, %mul3A_705 : vector<16xf32>
        %max3A_707 = arith.maximumf %max3A_697, %get3A_703 : vector<16xf32>
        %swap3A_708 = arith.index_cast %scan3A_93 : i32 to index
        %swap3A_709 = arith.constant 32 : index
        %swap3A_710 = tpu.vector_load %arg9[%swap3A_708, %swap3A_709] {strides = array<i32>} : memref<8x192xf32, #tpu.memory_space<vmem>>, vector<1x16xf32>,
        %swap3A_711 = vector.shape_cast %swap3A_710 : vector<1x16xf32> to vector<16xf32>
        %swap3A_712 = vector.shape_cast %add3A_704 : vector<16xf32> to vector<1x16xf32>
        tpu.vector_store %arg9[%swap3A_708, %swap3A_709], %swap3A_712 {strides = array<i32>} : memref<8x192xf32, #tpu.memory_space<vmem>>, vector<1x16xf32>,
        %swap3A_713 = arith.index_cast %scan3A_93 : i32 to index
        %swap3A_714 = arith.constant 96 : index
        %swap3A_715 = tpu.vector_load %arg9[%swap3A_713, %swap3A_714] {strides = array<i32>} : memref<8x192xf32, #tpu.memory_space<vmem>>, vector<1x16xf32>,
        %swap3A_716 = vector.shape_cast %swap3A_715 : vector<1x16xf32> to vector<16xf32>
        %swap3A_717 = vector.shape_cast %add3A_706 : vector<16xf32> to vector<1x16xf32>
        tpu.vector_store %arg9[%swap3A_713, %swap3A_714], %swap3A_717 {strides = array<i32>} : memref<8x192xf32, #tpu.memory_space<vmem>>, vector<1x16xf32>,
        %swap3A_718 = arith.index_cast %scan3A_93 : i32 to index
        %swap3A_719 = arith.constant 160 : index
        %swap3A_720 = tpu.vector_load %arg9[%swap3A_718, %swap3A_719] {strides = array<i32>} : memref<8x192xf32, #tpu.memory_space<vmem>>, vector<1x16xf32>,
        %swap3A_721 = vector.shape_cast %swap3A_720 : vector<1x16xf32> to vector<16xf32>
        %swap3A_722 = vector.shape_cast %max3A_707 : vector<16xf32> to vector<1x16xf32>
        tpu.vector_store %arg9[%swap3A_718, %swap3A_719], %swap3A_722 {strides = array<i32>} : memref<8x192xf32, #tpu.memory_space<vmem>>, vector<1x16xf32>,
        %get3A_723 = arith.index_cast %mul3A_95 : i32 to index
        %get3A_724 = arith.constant 48 : index
        %get3A_725 = tpu.vector_load %arg7[%get3A_723, %get3A_724] {strides = array<i32>} : memref<160x64xf32, #tpu.memory_space<vmem>>, vector<1x16xf32>,
        %get3A_726 = vector.shape_cast %get3A_725 : vector<1x16xf32> to vector<16xf32>
        %mul3A_727 = arith.mulf %get3A_726, %get3A_726 : vector<16xf32>
        %add3A_728 = arith.constant 1 : i32
        %add3A_729 = arith.addi %mul3A_95, %add3A_728 : i32
        %get3A_730 = arith.index_cast %add3A_729 : i32 to index
        %get3A_731 = arith.constant 48 : index
        %get3A_732 = tpu.vector_load %arg7[%get3A_730, %get3A_731] {strides = array<i32>} : memref<160x64xf32, #tpu.memory_space<vmem>>, vector<1x16xf32>,
        %get3A_733 = vector.shape_cast %get3A_732 : vector<1x16xf32> to vector<16xf32>
        %add3A_734 = arith.addf %get3A_726, %get3A_733 : vector<16xf32>
        %mul3A_735 = arith.mulf %get3A_733, %get3A_733 : vector<16xf32>
        %add3A_736 = arith.addf %mul3A_727, %mul3A_735 : vector<16xf32>
        %max3A_737 = arith.maximumf %get3A_726, %get3A_733 : vector<16xf32>
        %add3A_738 = arith.constant 2 : i32
        %add3A_739 = arith.addi %mul3A_95, %add3A_738 : i32
        %get3A_740 = arith.index_cast %add3A_739 : i32 to index
        %get3A_741 = arith.constant 48 : index
        %get3A_742 = tpu.vector_load %arg7[%get3A_740, %get3A_741] {strides = array<i32>} : memref<160x64xf32, #tpu.memory_space<vmem>>, vector<1x16xf32>,
        %get3A_743 = vector.shape_cast %get3A_742 : vector<1x16xf32> to vector<16xf32>
        %add3A_744 = arith.addf %add3A_734, %get3A_743 : vector<16xf32>
        %mul3A_745 = arith.mulf %get3A_743, %get3A_743 : vector<16xf32>
        %add3A_746 = arith.addf %add3A_736, %mul3A_745 : vector<16xf32>
        %max3A_747 = arith.maximumf %max3A_737, %get3A_743 : vector<16xf32>
        %add3A_748 = arith.constant 3 : i32
        %add3A_749 = arith.addi %mul3A_95, %add3A_748 : i32
        %get3A_750 = arith.index_cast %add3A_749 : i32 to index
        %get3A_751 = arith.constant 48 : index
        %get3A_752 = tpu.vector_load %arg7[%get3A_750, %get3A_751] {strides = array<i32>} : memref<160x64xf32, #tpu.memory_space<vmem>>, vector<1x16xf32>,
        %get3A_753 = vector.shape_cast %get3A_752 : vector<1x16xf32> to vector<16xf32>
        %add3A_754 = arith.addf %add3A_744, %get3A_753 : vector<16xf32>
        %mul3A_755 = arith.mulf %get3A_753, %get3A_753 : vector<16xf32>
        %add3A_756 = arith.addf %add3A_746, %mul3A_755 : vector<16xf32>
        %max3A_757 = arith.maximumf %max3A_747, %get3A_753 : vector<16xf32>
        %add3A_758 = arith.constant 4 : i32
        %add3A_759 = arith.addi %mul3A_95, %add3A_758 : i32
        %get3A_760 = arith.index_cast %add3A_759 : i32 to index
        %get3A_761 = arith.constant 48 : index
        %get3A_762 = tpu.vector_load %arg7[%get3A_760, %get3A_761] {strides = array<i32>} : memref<160x64xf32, #tpu.memory_space<vmem>>, vector<1x16xf32>,
        %get3A_763 = vector.shape_cast %get3A_762 : vector<1x16xf32> to vector<16xf32>
        %add3A_764 = arith.addf %add3A_754, %get3A_763 : vector<16xf32>
        %mul3A_765 = arith.mulf %get3A_763, %get3A_763 : vector<16xf32>
        %add3A_766 = arith.addf %add3A_756, %mul3A_765 : vector<16xf32>
        %max3A_767 = arith.maximumf %max3A_757, %get3A_763 : vector<16xf32>
        %add3A_768 = arith.constant 5 : i32
        %add3A_769 = arith.addi %mul3A_95, %add3A_768 : i32
        %get3A_770 = arith.index_cast %add3A_769 : i32 to index
        %get3A_771 = arith.constant 48 : index
        %get3A_772 = tpu.vector_load %arg7[%get3A_770, %get3A_771] {strides = array<i32>} : memref<160x64xf32, #tpu.memory_space<vmem>>, vector<1x16xf32>,
        %get3A_773 = vector.shape_cast %get3A_772 : vector<1x16xf32> to vector<16xf32>
        %add3A_774 = arith.addf %add3A_764, %get3A_773 : vector<16xf32>
        %mul3A_775 = arith.mulf %get3A_773, %get3A_773 : vector<16xf32>
        %add3A_776 = arith.addf %add3A_766, %mul3A_775 : vector<16xf32>
        %max3A_777 = arith.maximumf %max3A_767, %get3A_773 : vector<16xf32>
        %add3A_778 = arith.constant 6 : i32
        %add3A_779 = arith.addi %mul3A_95, %add3A_778 : i32
        %get3A_780 = arith.index_cast %add3A_779 : i32 to index
        %get3A_781 = arith.constant 48 : index
        %get3A_782 = tpu.vector_load %arg7[%get3A_780, %get3A_781] {strides = array<i32>} : memref<160x64xf32, #tpu.memory_space<vmem>>, vector<1x16xf32>,
        %get3A_783 = vector.shape_cast %get3A_782 : vector<1x16xf32> to vector<16xf32>
        %add3A_784 = arith.addf %add3A_774, %get3A_783 : vector<16xf32>
        %mul3A_785 = arith.mulf %get3A_783, %get3A_783 : vector<16xf32>
        %add3A_786 = arith.addf %add3A_776, %mul3A_785 : vector<16xf32>
        %max3A_787 = arith.maximumf %max3A_777, %get3A_783 : vector<16xf32>
        %add3A_788 = arith.constant 7 : i32
        %add3A_789 = arith.addi %mul3A_95, %add3A_788 : i32
        %get3A_790 = arith.index_cast %add3A_789 : i32 to index
        %get3A_791 = arith.constant 48 : index
        %get3A_792 = tpu.vector_load %arg7[%get3A_790, %get3A_791] {strides = array<i32>} : memref<160x64xf32, #tpu.memory_space<vmem>>, vector<1x16xf32>,
        %get3A_793 = vector.shape_cast %get3A_792 : vector<1x16xf32> to vector<16xf32>
        %add3A_794 = arith.addf %add3A_784, %get3A_793 : vector<16xf32>
        %mul3A_795 = arith.mulf %get3A_793, %get3A_793 : vector<16xf32>
        %add3A_796 = arith.addf %add3A_786, %mul3A_795 : vector<16xf32>
        %max3A_797 = arith.maximumf %max3A_787, %get3A_793 : vector<16xf32>
        %add3A_798 = arith.constant 8 : i32
        %add3A_799 = arith.addi %mul3A_95, %add3A_798 : i32
        %get3A_800 = arith.index_cast %add3A_799 : i32 to index
        %get3A_801 = arith.constant 48 : index
        %get3A_802 = tpu.vector_load %arg7[%get3A_800, %get3A_801] {strides = array<i32>} : memref<160x64xf32, #tpu.memory_space<vmem>>, vector<1x16xf32>,
        %get3A_803 = vector.shape_cast %get3A_802 : vector<1x16xf32> to vector<16xf32>
        %add3A_804 = arith.addf %add3A_794, %get3A_803 : vector<16xf32>
        %mul3A_805 = arith.mulf %get3A_803, %get3A_803 : vector<16xf32>
        %add3A_806 = arith.addf %add3A_796, %mul3A_805 : vector<16xf32>
        %max3A_807 = arith.maximumf %max3A_797, %get3A_803 : vector<16xf32>
        %add3A_808 = arith.constant 9 : i32
        %add3A_809 = arith.addi %mul3A_95, %add3A_808 : i32
        %get3A_810 = arith.index_cast %add3A_809 : i32 to index
        %get3A_811 = arith.constant 48 : index
        %get3A_812 = tpu.vector_load %arg7[%get3A_810, %get3A_811] {strides = array<i32>} : memref<160x64xf32, #tpu.memory_space<vmem>>, vector<1x16xf32>,
        %get3A_813 = vector.shape_cast %get3A_812 : vector<1x16xf32> to vector<16xf32>
        %add3A_814 = arith.addf %add3A_804, %get3A_813 : vector<16xf32>
        %mul3A_815 = arith.mulf %get3A_813, %get3A_813 : vector<16xf32>
        %add3A_816 = arith.addf %add3A_806, %mul3A_815 : vector<16xf32>
        %max3A_817 = arith.maximumf %max3A_807, %get3A_813 : vector<16xf32>
        %add3A_818 = arith.constant 10 : i32
        %add3A_819 = arith.addi %mul3A_95, %add3A_818 : i32
        %get3A_820 = arith.index_cast %add3A_819 : i32 to index
        %get3A_821 = arith.constant 48 : index
        %get3A_822 = tpu.vector_load %arg7[%get3A_820, %get3A_821] {strides = array<i32>} : memref<160x64xf32, #tpu.memory_space<vmem>>, vector<1x16xf32>,
        %get3A_823 = vector.shape_cast %get3A_822 : vector<1x16xf32> to vector<16xf32>
        %add3A_824 = arith.addf %add3A_814, %get3A_823 : vector<16xf32>
        %mul3A_825 = arith.mulf %get3A_823, %get3A_823 : vector<16xf32>
        %add3A_826 = arith.addf %add3A_816, %mul3A_825 : vector<16xf32>
        %max3A_827 = arith.maximumf %max3A_817, %get3A_823 : vector<16xf32>
        %add3A_828 = arith.constant 11 : i32
        %add3A_829 = arith.addi %mul3A_95, %add3A_828 : i32
        %get3A_830 = arith.index_cast %add3A_829 : i32 to index
        %get3A_831 = arith.constant 48 : index
        %get3A_832 = tpu.vector_load %arg7[%get3A_830, %get3A_831] {strides = array<i32>} : memref<160x64xf32, #tpu.memory_space<vmem>>, vector<1x16xf32>,
        %get3A_833 = vector.shape_cast %get3A_832 : vector<1x16xf32> to vector<16xf32>
        %add3A_834 = arith.addf %add3A_824, %get3A_833 : vector<16xf32>
        %mul3A_835 = arith.mulf %get3A_833, %get3A_833 : vector<16xf32>
        %add3A_836 = arith.addf %add3A_826, %mul3A_835 : vector<16xf32>
        %max3A_837 = arith.maximumf %max3A_827, %get3A_833 : vector<16xf32>
        %add3A_838 = arith.constant 12 : i32
        %add3A_839 = arith.addi %mul3A_95, %add3A_838 : i32
        %get3A_840 = arith.index_cast %add3A_839 : i32 to index
        %get3A_841 = arith.constant 48 : index
        %get3A_842 = tpu.vector_load %arg7[%get3A_840, %get3A_841] {strides = array<i32>} : memref<160x64xf32, #tpu.memory_space<vmem>>, vector<1x16xf32>,
        %get3A_843 = vector.shape_cast %get3A_842 : vector<1x16xf32> to vector<16xf32>
        %add3A_844 = arith.addf %add3A_834, %get3A_843 : vector<16xf32>
        %mul3A_845 = arith.mulf %get3A_843, %get3A_843 : vector<16xf32>
        %add3A_846 = arith.addf %add3A_836, %mul3A_845 : vector<16xf32>
        %max3A_847 = arith.maximumf %max3A_837, %get3A_843 : vector<16xf32>
        %add3A_848 = arith.constant 13 : i32
        %add3A_849 = arith.addi %mul3A_95, %add3A_848 : i32
        %get3A_850 = arith.index_cast %add3A_849 : i32 to index
        %get3A_851 = arith.constant 48 : index
        %get3A_852 = tpu.vector_load %arg7[%get3A_850, %get3A_851] {strides = array<i32>} : memref<160x64xf32, #tpu.memory_space<vmem>>, vector<1x16xf32>,
        %get3A_853 = vector.shape_cast %get3A_852 : vector<1x16xf32> to vector<16xf32>
        %add3A_854 = arith.addf %add3A_844, %get3A_853 : vector<16xf32>
        %mul3A_855 = arith.mulf %get3A_853, %get3A_853 : vector<16xf32>
        %add3A_856 = arith.addf %add3A_846, %mul3A_855 : vector<16xf32>
        %max3A_857 = arith.maximumf %max3A_847, %get3A_853 : vector<16xf32>
        %add3A_858 = arith.constant 14 : i32
        %add3A_859 = arith.addi %mul3A_95, %add3A_858 : i32
        %get3A_860 = arith.index_cast %add3A_859 : i32 to index
        %get3A_861 = arith.constant 48 : index
        %get3A_862 = tpu.vector_load %arg7[%get3A_860, %get3A_861] {strides = array<i32>} : memref<160x64xf32, #tpu.memory_space<vmem>>, vector<1x16xf32>,
        %get3A_863 = vector.shape_cast %get3A_862 : vector<1x16xf32> to vector<16xf32>
        %add3A_864 = arith.addf %add3A_854, %get3A_863 : vector<16xf32>
        %mul3A_865 = arith.mulf %get3A_863, %get3A_863 : vector<16xf32>
        %add3A_866 = arith.addf %add3A_856, %mul3A_865 : vector<16xf32>
        %max3A_867 = arith.maximumf %max3A_857, %get3A_863 : vector<16xf32>
        %add3A_868 = arith.constant 15 : i32
        %add3A_869 = arith.addi %mul3A_95, %add3A_868 : i32
        %get3A_870 = arith.index_cast %add3A_869 : i32 to index
        %get3A_871 = arith.constant 48 : index
        %get3A_872 = tpu.vector_load %arg7[%get3A_870, %get3A_871] {strides = array<i32>} : memref<160x64xf32, #tpu.memory_space<vmem>>, vector<1x16xf32>,
        %get3A_873 = vector.shape_cast %get3A_872 : vector<1x16xf32> to vector<16xf32>
        %add3A_874 = arith.addf %add3A_864, %get3A_873 : vector<16xf32>
        %mul3A_875 = arith.mulf %get3A_873, %get3A_873 : vector<16xf32>
        %add3A_876 = arith.addf %add3A_866, %mul3A_875 : vector<16xf32>
        %max3A_877 = arith.maximumf %max3A_867, %get3A_873 : vector<16xf32>
        %add3A_878 = arith.constant 16 : i32
        %add3A_879 = arith.addi %mul3A_95, %add3A_878 : i32
        %get3A_880 = arith.index_cast %add3A_879 : i32 to index
        %get3A_881 = arith.constant 48 : index
        %get3A_882 = tpu.vector_load %arg7[%get3A_880, %get3A_881] {strides = array<i32>} : memref<160x64xf32, #tpu.memory_space<vmem>>, vector<1x16xf32>,
        %get3A_883 = vector.shape_cast %get3A_882 : vector<1x16xf32> to vector<16xf32>
        %add3A_884 = arith.addf %add3A_874, %get3A_883 : vector<16xf32>
        %mul3A_885 = arith.mulf %get3A_883, %get3A_883 : vector<16xf32>
        %add3A_886 = arith.addf %add3A_876, %mul3A_885 : vector<16xf32>
        %max3A_887 = arith.maximumf %max3A_877, %get3A_883 : vector<16xf32>
        %add3A_888 = arith.constant 17 : i32
        %add3A_889 = arith.addi %mul3A_95, %add3A_888 : i32
        %get3A_890 = arith.index_cast %add3A_889 : i32 to index
        %get3A_891 = arith.constant 48 : index
        %get3A_892 = tpu.vector_load %arg7[%get3A_890, %get3A_891] {strides = array<i32>} : memref<160x64xf32, #tpu.memory_space<vmem>>, vector<1x16xf32>,
        %get3A_893 = vector.shape_cast %get3A_892 : vector<1x16xf32> to vector<16xf32>
        %add3A_894 = arith.addf %add3A_884, %get3A_893 : vector<16xf32>
        %mul3A_895 = arith.mulf %get3A_893, %get3A_893 : vector<16xf32>
        %add3A_896 = arith.addf %add3A_886, %mul3A_895 : vector<16xf32>
        %max3A_897 = arith.maximumf %max3A_887, %get3A_893 : vector<16xf32>
        %add3A_898 = arith.constant 18 : i32
        %add3A_899 = arith.addi %mul3A_95, %add3A_898 : i32
        %get3A_900 = arith.index_cast %add3A_899 : i32 to index
        %get3A_901 = arith.constant 48 : index
        %get3A_902 = tpu.vector_load %arg7[%get3A_900, %get3A_901] {strides = array<i32>} : memref<160x64xf32, #tpu.memory_space<vmem>>, vector<1x16xf32>,
        %get3A_903 = vector.shape_cast %get3A_902 : vector<1x16xf32> to vector<16xf32>
        %add3A_904 = arith.addf %add3A_894, %get3A_903 : vector<16xf32>
        %mul3A_905 = arith.mulf %get3A_903, %get3A_903 : vector<16xf32>
        %add3A_906 = arith.addf %add3A_896, %mul3A_905 : vector<16xf32>
        %max3A_907 = arith.maximumf %max3A_897, %get3A_903 : vector<16xf32>
        %add3A_908 = arith.constant 19 : i32
        %add3A_909 = arith.addi %mul3A_95, %add3A_908 : i32
        %get3A_910 = arith.index_cast %add3A_909 : i32 to index
        %get3A_911 = arith.constant 48 : index
        %get3A_912 = tpu.vector_load %arg7[%get3A_910, %get3A_911] {strides = array<i32>} : memref<160x64xf32, #tpu.memory_space<vmem>>, vector<1x16xf32>,
        %get3A_913 = vector.shape_cast %get3A_912 : vector<1x16xf32> to vector<16xf32>
        %add3A_914 = arith.addf %add3A_904, %get3A_913 : vector<16xf32>
        %mul3A_915 = arith.mulf %get3A_913, %get3A_913 : vector<16xf32>
        %add3A_916 = arith.addf %add3A_906, %mul3A_915 : vector<16xf32>
        %max3A_917 = arith.maximumf %max3A_907, %get3A_913 : vector<16xf32>
        %swap3A_918 = arith.index_cast %scan3A_93 : i32 to index
        %swap3A_919 = arith.constant 48 : index
        %swap3A_920 = tpu.vector_load %arg9[%swap3A_918, %swap3A_919] {strides = array<i32>} : memref<8x192xf32, #tpu.memory_space<vmem>>, vector<1x16xf32>,
        %swap3A_921 = vector.shape_cast %swap3A_920 : vector<1x16xf32> to vector<16xf32>
        %swap3A_922 = vector.shape_cast %add3A_914 : vector<16xf32> to vector<1x16xf32>
        tpu.vector_store %arg9[%swap3A_918, %swap3A_919], %swap3A_922 {strides = array<i32>} : memref<8x192xf32, #tpu.memory_space<vmem>>, vector<1x16xf32>,
        %swap3A_923 = arith.index_cast %scan3A_93 : i32 to index
        %swap3A_924 = arith.constant 112 : index
        %swap3A_925 = tpu.vector_load %arg9[%swap3A_923, %swap3A_924] {strides = array<i32>} : memref<8x192xf32, #tpu.memory_space<vmem>>, vector<1x16xf32>,
        %swap3A_926 = vector.shape_cast %swap3A_925 : vector<1x16xf32> to vector<16xf32>
        %swap3A_927 = vector.shape_cast %add3A_916 : vector<16xf32> to vector<1x16xf32>
        tpu.vector_store %arg9[%swap3A_923, %swap3A_924], %swap3A_927 {strides = array<i32>} : memref<8x192xf32, #tpu.memory_space<vmem>>, vector<1x16xf32>,
        %swap3A_928 = arith.index_cast %scan3A_93 : i32 to index
        %swap3A_929 = arith.constant 176 : index
        %swap3A_930 = tpu.vector_load %arg9[%swap3A_928, %swap3A_929] {strides = array<i32>} : memref<8x192xf32, #tpu.memory_space<vmem>>, vector<1x16xf32>,
        %swap3A_931 = vector.shape_cast %swap3A_930 : vector<1x16xf32> to vector<16xf32>
        %swap3A_932 = vector.shape_cast %max3A_917 : vector<16xf32> to vector<1x16xf32>
        tpu.vector_store %arg9[%swap3A_928, %swap3A_929], %swap3A_932 {strides = array<i32>} : memref<8x192xf32, #tpu.memory_space<vmem>>, vector<1x16xf32>,
      }
      %scan3A_53 = arith.constant 8 : i32
      %mul3A_54 = arith.constant 8 : i32
      %mul3A_55 = arith.muli %mul3A_29, %mul3A_54 : i32
      %add3A_56 = arith.addi %mul3A_2, %mul3A_55 : i32
      %dma_start3A_57 = arith.constant 0 : i32
      %dma_start3A_58 = tpu.memref_slice %arg4[%add3A_56, %dma_start3A_57] : memref<16384x192xf32, #tpu.memory_space<hbm>> -> memref<8x192xf32, #tpu.memory_space<hbm>>
      %dma_start3A_59 = arith.constant 0 : i32
      %dma_start3A_60 = tpu.memref_slice %arg4[%add3A_56, %dma_start3A_59] : memref<16384x192xf32, #tpu.memory_space<hbm>> -> memref<8x192xf32, #tpu.memory_space<hbm>>
      tpu.enqueue_dma source(%arg9 : memref<8x192xf32, #tpu.memory_space<vmem>>) target(%dma_start3A_60 : memref<8x192xf32, #tpu.memory_space<hbm>>) target_semaphore(%arg13 : memref<!tpu.dma_semaphore, #tpu.memory_space<semaphore_mem>>)
      %add3A_61 = arith.constant 1 : i32
      %add3A_62 = arith.addi %scan3A_27, %add3A_61 : i32
      %lt3A = arith.constant 32 : i32
      %lt3A_63 = arith.cmpi slt, %add3A_62, %lt3A : i32
      %convert_element_type3A_64 = arith.extui %lt3A_63 : i1 to i32
      %cond3A_65 = arith.constant 0 : i32
      %cond3A_66 = arith.cmpi ne, %convert_element_type3A_64, %cond3A_65 : i32
      scf.if %cond3A_66 {
        %add3A_93 = arith.constant 2 : i32
        %add3A_94 = arith.addi %mul3A_29, %add3A_93 : i32
        %mul3A_95 = arith.constant 160 : i32
        %mul3A_96 = arith.muli %add3A_94, %mul3A_95 : i32
        %dma_start3A_97 = tpu.memref_slice %arg5[%mul3A_96] : memref<10240xi32, #tpu.memory_space<vmem>> -> memref<160xi32, #tpu.memory_space<vmem>>
        %dma_start3A_98 = arith.constant 0 : i32
        %dma_start3A_99 = arith.constant 0 : i32
        %dma_start3A_100 = tpu.memref_slice %arg6[%dma_start3A_98, %dma_start3A_99] : memref<16384x64xf32, #tpu.memory_space<vmem_shared>> -> memref<16384x64xf32, #tpu.memory_space<vmem_shared>>
        tpu.enqueue_indirect_dma source(%dma_start3A_100 : memref<16384x64xf32, #tpu.memory_space<vmem_shared>>) target(%arg7 : memref<160x64xf32, #tpu.memory_space<vmem>>) offsets(%dma_start3A_97 : memref<160xi32, #tpu.memory_space<vmem>>) semaphore(%arg11 : memref<!tpu.dma_semaphore, #tpu.memory_space<semaphore_mem>>)
      } else {
      }
      %dma_wait3A_67 = arith.constant 0 : i32
      %dma_wait3A_68 = arith.constant 0 : i32
      %dma_wait3A_69 = tpu.memref_slice %arg3[%dma_wait3A_67, %dma_wait3A_68] : memref<16384x64xf32, #tpu.memory_space<hbm>> -> memref<160x64xf32, #tpu.memory_space<hbm>>
      %dma_wait3A_70 = arith.constant 0 : i32
      %dma_wait3A_71 = arith.constant 0 : i32
      %dma_wait3A_72 = tpu.memref_slice %arg3[%dma_wait3A_70, %dma_wait3A_71] : memref<16384x64xf32, #tpu.memory_space<hbm>> -> memref<160x64xf32, #tpu.memory_space<hbm>>
      tpu.wait_dma2 semaphore(%arg12 : memref<!tpu.dma_semaphore, #tpu.memory_space<semaphore_mem>>) src(%dma_wait3A_72 : memref<160x64xf32, #tpu.memory_space<hbm>>) dst(%arg8 : memref<160x64xf32, #tpu.memory_space<vmem>>)
      %gt3A_73 = arith.constant 0 : i32
      %gt3A_74 = arith.cmpi sgt, %scan3A_27, %gt3A_73 : i32
      %convert_element_type3A_75 = arith.extui %gt3A_74 : i1 to i32
      %cond3A_76 = arith.constant 0 : i32
      %cond3A_77 = arith.cmpi ne, %convert_element_type3A_75, %cond3A_76 : i32
      scf.if %cond3A_77 {
        %dma_wait3A_93 = arith.constant 0 : i32
        %dma_wait3A_94 = arith.constant 0 : i32
        %dma_wait3A_95 = tpu.memref_slice %arg4[%dma_wait3A_93, %dma_wait3A_94] : memref<16384x192xf32, #tpu.memory_space<hbm>> -> memref<8x192xf32, #tpu.memory_space<hbm>>
        %dma_wait3A_96 = arith.constant 0 : i32
        %dma_wait3A_97 = arith.constant 0 : i32
        %dma_wait3A_98 = tpu.memref_slice %arg4[%dma_wait3A_96, %dma_wait3A_97] : memref<16384x192xf32, #tpu.memory_space<hbm>> -> memref<8x192xf32, #tpu.memory_space<hbm>>
        tpu.wait_dma2 semaphore(%arg14 : memref<!tpu.dma_semaphore, #tpu.memory_space<semaphore_mem>>) src(%arg10 : memref<8x192xf32, #tpu.memory_space<vmem>>) dst(%dma_wait3A_98 : memref<8x192xf32, #tpu.memory_space<hbm>>)
      } else {
      }
      %scan3A_78 = arith.constant 0 : i32
      %scan3A_79 = arith.constant 0 : i32
      %scan3A_80 = arith.constant 8 : i32
      %scan3A_81 = arith.addi %scan3A_79, %scan3A_80 : i32
      %scan3A_82 = arith.constant 1 : i32
      scf.for %scan3A_93 = %scan3A_79 to %scan3A_81 step %scan3A_82  : i32 {
        %mul3A_94 = arith.constant 20 : i32
        %mul3A_95 = arith.muli %scan3A_93, %mul3A_94 : i32
        %get3A = arith.index_cast %mul3A_95 : i32 to index
        %get3A_96 = arith.constant 0 : index
        %get3A_97 = tpu.vector_load %arg8[%get3A, %get3A_96] {strides = array<i32>} : memref<160x64xf32, #tpu.memory_space<vmem>>, vector<1x16xf32>,
        %get3A_98 = vector.shape_cast %get3A_97 : vector<1x16xf32> to vector<16xf32>
        %mul3A_99 = arith.mulf %get3A_98, %get3A_98 : vector<16xf32>
        %add3A_100 = arith.constant 1 : i32
        %add3A_101 = arith.addi %mul3A_95, %add3A_100 : i32
        %get3A_102 = arith.index_cast %add3A_101 : i32 to index
        %get3A_103 = arith.constant 0 : index
        %get3A_104 = tpu.vector_load %arg8[%get3A_102, %get3A_103] {strides = array<i32>} : memref<160x64xf32, #tpu.memory_space<vmem>>, vector<1x16xf32>,
        %get3A_105 = vector.shape_cast %get3A_104 : vector<1x16xf32> to vector<16xf32>
        %add3A_106 = arith.addf %get3A_98, %get3A_105 : vector<16xf32>
        %mul3A_107 = arith.mulf %get3A_105, %get3A_105 : vector<16xf32>
        %add3A_108 = arith.addf %mul3A_99, %mul3A_107 : vector<16xf32>
        %max3A = arith.maximumf %get3A_98, %get3A_105 : vector<16xf32>
        %add3A_109 = arith.constant 2 : i32
        %add3A_110 = arith.addi %mul3A_95, %add3A_109 : i32
        %get3A_111 = arith.index_cast %add3A_110 : i32 to index
        %get3A_112 = arith.constant 0 : index
        %get3A_113 = tpu.vector_load %arg8[%get3A_111, %get3A_112] {strides = array<i32>} : memref<160x64xf32, #tpu.memory_space<vmem>>, vector<1x16xf32>,
        %get3A_114 = vector.shape_cast %get3A_113 : vector<1x16xf32> to vector<16xf32>
        %add3A_115 = arith.addf %add3A_106, %get3A_114 : vector<16xf32>
        %mul3A_116 = arith.mulf %get3A_114, %get3A_114 : vector<16xf32>
        %add3A_117 = arith.addf %add3A_108, %mul3A_116 : vector<16xf32>
        %max3A_118 = arith.maximumf %max3A, %get3A_114 : vector<16xf32>
        %add3A_119 = arith.constant 3 : i32
        %add3A_120 = arith.addi %mul3A_95, %add3A_119 : i32
        %get3A_121 = arith.index_cast %add3A_120 : i32 to index
        %get3A_122 = arith.constant 0 : index
        %get3A_123 = tpu.vector_load %arg8[%get3A_121, %get3A_122] {strides = array<i32>} : memref<160x64xf32, #tpu.memory_space<vmem>>, vector<1x16xf32>,
        %get3A_124 = vector.shape_cast %get3A_123 : vector<1x16xf32> to vector<16xf32>
        %add3A_125 = arith.addf %add3A_115, %get3A_124 : vector<16xf32>
        %mul3A_126 = arith.mulf %get3A_124, %get3A_124 : vector<16xf32>
        %add3A_127 = arith.addf %add3A_117, %mul3A_126 : vector<16xf32>
        %max3A_128 = arith.maximumf %max3A_118, %get3A_124 : vector<16xf32>
        %add3A_129 = arith.constant 4 : i32
        %add3A_130 = arith.addi %mul3A_95, %add3A_129 : i32
        %get3A_131 = arith.index_cast %add3A_130 : i32 to index
        %get3A_132 = arith.constant 0 : index
        %get3A_133 = tpu.vector_load %arg8[%get3A_131, %get3A_132] {strides = array<i32>} : memref<160x64xf32, #tpu.memory_space<vmem>>, vector<1x16xf32>,
        %get3A_134 = vector.shape_cast %get3A_133 : vector<1x16xf32> to vector<16xf32>
        %add3A_135 = arith.addf %add3A_125, %get3A_134 : vector<16xf32>
        %mul3A_136 = arith.mulf %get3A_134, %get3A_134 : vector<16xf32>
        %add3A_137 = arith.addf %add3A_127, %mul3A_136 : vector<16xf32>
        %max3A_138 = arith.maximumf %max3A_128, %get3A_134 : vector<16xf32>
        %add3A_139 = arith.constant 5 : i32
        %add3A_140 = arith.addi %mul3A_95, %add3A_139 : i32
        %get3A_141 = arith.index_cast %add3A_140 : i32 to index
        %get3A_142 = arith.constant 0 : index
        %get3A_143 = tpu.vector_load %arg8[%get3A_141, %get3A_142] {strides = array<i32>} : memref<160x64xf32, #tpu.memory_space<vmem>>, vector<1x16xf32>,
        %get3A_144 = vector.shape_cast %get3A_143 : vector<1x16xf32> to vector<16xf32>
        %add3A_145 = arith.addf %add3A_135, %get3A_144 : vector<16xf32>
        %mul3A_146 = arith.mulf %get3A_144, %get3A_144 : vector<16xf32>
        %add3A_147 = arith.addf %add3A_137, %mul3A_146 : vector<16xf32>
        %max3A_148 = arith.maximumf %max3A_138, %get3A_144 : vector<16xf32>
        %add3A_149 = arith.constant 6 : i32
        %add3A_150 = arith.addi %mul3A_95, %add3A_149 : i32
        %get3A_151 = arith.index_cast %add3A_150 : i32 to index
        %get3A_152 = arith.constant 0 : index
        %get3A_153 = tpu.vector_load %arg8[%get3A_151, %get3A_152] {strides = array<i32>} : memref<160x64xf32, #tpu.memory_space<vmem>>, vector<1x16xf32>,
        %get3A_154 = vector.shape_cast %get3A_153 : vector<1x16xf32> to vector<16xf32>
        %add3A_155 = arith.addf %add3A_145, %get3A_154 : vector<16xf32>
        %mul3A_156 = arith.mulf %get3A_154, %get3A_154 : vector<16xf32>
        %add3A_157 = arith.addf %add3A_147, %mul3A_156 : vector<16xf32>
        %max3A_158 = arith.maximumf %max3A_148, %get3A_154 : vector<16xf32>
        %add3A_159 = arith.constant 7 : i32
        %add3A_160 = arith.addi %mul3A_95, %add3A_159 : i32
        %get3A_161 = arith.index_cast %add3A_160 : i32 to index
        %get3A_162 = arith.constant 0 : index
        %get3A_163 = tpu.vector_load %arg8[%get3A_161, %get3A_162] {strides = array<i32>} : memref<160x64xf32, #tpu.memory_space<vmem>>, vector<1x16xf32>,
        %get3A_164 = vector.shape_cast %get3A_163 : vector<1x16xf32> to vector<16xf32>
        %add3A_165 = arith.addf %add3A_155, %get3A_164 : vector<16xf32>
        %mul3A_166 = arith.mulf %get3A_164, %get3A_164 : vector<16xf32>
        %add3A_167 = arith.addf %add3A_157, %mul3A_166 : vector<16xf32>
        %max3A_168 = arith.maximumf %max3A_158, %get3A_164 : vector<16xf32>
        %add3A_169 = arith.constant 8 : i32
        %add3A_170 = arith.addi %mul3A_95, %add3A_169 : i32
        %get3A_171 = arith.index_cast %add3A_170 : i32 to index
        %get3A_172 = arith.constant 0 : index
        %get3A_173 = tpu.vector_load %arg8[%get3A_171, %get3A_172] {strides = array<i32>} : memref<160x64xf32, #tpu.memory_space<vmem>>, vector<1x16xf32>,
        %get3A_174 = vector.shape_cast %get3A_173 : vector<1x16xf32> to vector<16xf32>
        %add3A_175 = arith.addf %add3A_165, %get3A_174 : vector<16xf32>
        %mul3A_176 = arith.mulf %get3A_174, %get3A_174 : vector<16xf32>
        %add3A_177 = arith.addf %add3A_167, %mul3A_176 : vector<16xf32>
        %max3A_178 = arith.maximumf %max3A_168, %get3A_174 : vector<16xf32>
        %add3A_179 = arith.constant 9 : i32
        %add3A_180 = arith.addi %mul3A_95, %add3A_179 : i32
        %get3A_181 = arith.index_cast %add3A_180 : i32 to index
        %get3A_182 = arith.constant 0 : index
        %get3A_183 = tpu.vector_load %arg8[%get3A_181, %get3A_182] {strides = array<i32>} : memref<160x64xf32, #tpu.memory_space<vmem>>, vector<1x16xf32>,
        %get3A_184 = vector.shape_cast %get3A_183 : vector<1x16xf32> to vector<16xf32>
        %add3A_185 = arith.addf %add3A_175, %get3A_184 : vector<16xf32>
        %mul3A_186 = arith.mulf %get3A_184, %get3A_184 : vector<16xf32>
        %add3A_187 = arith.addf %add3A_177, %mul3A_186 : vector<16xf32>
        %max3A_188 = arith.maximumf %max3A_178, %get3A_184 : vector<16xf32>
        %add3A_189 = arith.constant 10 : i32
        %add3A_190 = arith.addi %mul3A_95, %add3A_189 : i32
        %get3A_191 = arith.index_cast %add3A_190 : i32 to index
        %get3A_192 = arith.constant 0 : index
        %get3A_193 = tpu.vector_load %arg8[%get3A_191, %get3A_192] {strides = array<i32>} : memref<160x64xf32, #tpu.memory_space<vmem>>, vector<1x16xf32>,
        %get3A_194 = vector.shape_cast %get3A_193 : vector<1x16xf32> to vector<16xf32>
        %add3A_195 = arith.addf %add3A_185, %get3A_194 : vector<16xf32>
        %mul3A_196 = arith.mulf %get3A_194, %get3A_194 : vector<16xf32>
        %add3A_197 = arith.addf %add3A_187, %mul3A_196 : vector<16xf32>
        %max3A_198 = arith.maximumf %max3A_188, %get3A_194 : vector<16xf32>
        %add3A_199 = arith.constant 11 : i32
        %add3A_200 = arith.addi %mul3A_95, %add3A_199 : i32
        %get3A_201 = arith.index_cast %add3A_200 : i32 to index
        %get3A_202 = arith.constant 0 : index
        %get3A_203 = tpu.vector_load %arg8[%get3A_201, %get3A_202] {strides = array<i32>} : memref<160x64xf32, #tpu.memory_space<vmem>>, vector<1x16xf32>,
        %get3A_204 = vector.shape_cast %get3A_203 : vector<1x16xf32> to vector<16xf32>
        %add3A_205 = arith.addf %add3A_195, %get3A_204 : vector<16xf32>
        %mul3A_206 = arith.mulf %get3A_204, %get3A_204 : vector<16xf32>
        %add3A_207 = arith.addf %add3A_197, %mul3A_206 : vector<16xf32>
        %max3A_208 = arith.maximumf %max3A_198, %get3A_204 : vector<16xf32>
        %add3A_209 = arith.constant 12 : i32
        %add3A_210 = arith.addi %mul3A_95, %add3A_209 : i32
        %get3A_211 = arith.index_cast %add3A_210 : i32 to index
        %get3A_212 = arith.constant 0 : index
        %get3A_213 = tpu.vector_load %arg8[%get3A_211, %get3A_212] {strides = array<i32>} : memref<160x64xf32, #tpu.memory_space<vmem>>, vector<1x16xf32>,
        %get3A_214 = vector.shape_cast %get3A_213 : vector<1x16xf32> to vector<16xf32>
        %add3A_215 = arith.addf %add3A_205, %get3A_214 : vector<16xf32>
        %mul3A_216 = arith.mulf %get3A_214, %get3A_214 : vector<16xf32>
        %add3A_217 = arith.addf %add3A_207, %mul3A_216 : vector<16xf32>
        %max3A_218 = arith.maximumf %max3A_208, %get3A_214 : vector<16xf32>
        %add3A_219 = arith.constant 13 : i32
        %add3A_220 = arith.addi %mul3A_95, %add3A_219 : i32
        %get3A_221 = arith.index_cast %add3A_220 : i32 to index
        %get3A_222 = arith.constant 0 : index
        %get3A_223 = tpu.vector_load %arg8[%get3A_221, %get3A_222] {strides = array<i32>} : memref<160x64xf32, #tpu.memory_space<vmem>>, vector<1x16xf32>,
        %get3A_224 = vector.shape_cast %get3A_223 : vector<1x16xf32> to vector<16xf32>
        %add3A_225 = arith.addf %add3A_215, %get3A_224 : vector<16xf32>
        %mul3A_226 = arith.mulf %get3A_224, %get3A_224 : vector<16xf32>
        %add3A_227 = arith.addf %add3A_217, %mul3A_226 : vector<16xf32>
        %max3A_228 = arith.maximumf %max3A_218, %get3A_224 : vector<16xf32>
        %add3A_229 = arith.constant 14 : i32
        %add3A_230 = arith.addi %mul3A_95, %add3A_229 : i32
        %get3A_231 = arith.index_cast %add3A_230 : i32 to index
        %get3A_232 = arith.constant 0 : index
        %get3A_233 = tpu.vector_load %arg8[%get3A_231, %get3A_232] {strides = array<i32>} : memref<160x64xf32, #tpu.memory_space<vmem>>, vector<1x16xf32>,
        %get3A_234 = vector.shape_cast %get3A_233 : vector<1x16xf32> to vector<16xf32>
        %add3A_235 = arith.addf %add3A_225, %get3A_234 : vector<16xf32>
        %mul3A_236 = arith.mulf %get3A_234, %get3A_234 : vector<16xf32>
        %add3A_237 = arith.addf %add3A_227, %mul3A_236 : vector<16xf32>
        %max3A_238 = arith.maximumf %max3A_228, %get3A_234 : vector<16xf32>
        %add3A_239 = arith.constant 15 : i32
        %add3A_240 = arith.addi %mul3A_95, %add3A_239 : i32
        %get3A_241 = arith.index_cast %add3A_240 : i32 to index
        %get3A_242 = arith.constant 0 : index
        %get3A_243 = tpu.vector_load %arg8[%get3A_241, %get3A_242] {strides = array<i32>} : memref<160x64xf32, #tpu.memory_space<vmem>>, vector<1x16xf32>,
        %get3A_244 = vector.shape_cast %get3A_243 : vector<1x16xf32> to vector<16xf32>
        %add3A_245 = arith.addf %add3A_235, %get3A_244 : vector<16xf32>
        %mul3A_246 = arith.mulf %get3A_244, %get3A_244 : vector<16xf32>
        %add3A_247 = arith.addf %add3A_237, %mul3A_246 : vector<16xf32>
        %max3A_248 = arith.maximumf %max3A_238, %get3A_244 : vector<16xf32>
        %add3A_249 = arith.constant 16 : i32
        %add3A_250 = arith.addi %mul3A_95, %add3A_249 : i32
        %get3A_251 = arith.index_cast %add3A_250 : i32 to index
        %get3A_252 = arith.constant 0 : index
        %get3A_253 = tpu.vector_load %arg8[%get3A_251, %get3A_252] {strides = array<i32>} : memref<160x64xf32, #tpu.memory_space<vmem>>, vector<1x16xf32>,
        %get3A_254 = vector.shape_cast %get3A_253 : vector<1x16xf32> to vector<16xf32>
        %add3A_255 = arith.addf %add3A_245, %get3A_254 : vector<16xf32>
        %mul3A_256 = arith.mulf %get3A_254, %get3A_254 : vector<16xf32>
        %add3A_257 = arith.addf %add3A_247, %mul3A_256 : vector<16xf32>
        %max3A_258 = arith.maximumf %max3A_248, %get3A_254 : vector<16xf32>
        %add3A_259 = arith.constant 17 : i32
        %add3A_260 = arith.addi %mul3A_95, %add3A_259 : i32
        %get3A_261 = arith.index_cast %add3A_260 : i32 to index
        %get3A_262 = arith.constant 0 : index
        %get3A_263 = tpu.vector_load %arg8[%get3A_261, %get3A_262] {strides = array<i32>} : memref<160x64xf32, #tpu.memory_space<vmem>>, vector<1x16xf32>,
        %get3A_264 = vector.shape_cast %get3A_263 : vector<1x16xf32> to vector<16xf32>
        %add3A_265 = arith.addf %add3A_255, %get3A_264 : vector<16xf32>
        %mul3A_266 = arith.mulf %get3A_264, %get3A_264 : vector<16xf32>
        %add3A_267 = arith.addf %add3A_257, %mul3A_266 : vector<16xf32>
        %max3A_268 = arith.maximumf %max3A_258, %get3A_264 : vector<16xf32>
        %add3A_269 = arith.constant 18 : i32
        %add3A_270 = arith.addi %mul3A_95, %add3A_269 : i32
        %get3A_271 = arith.index_cast %add3A_270 : i32 to index
        %get3A_272 = arith.constant 0 : index
        %get3A_273 = tpu.vector_load %arg8[%get3A_271, %get3A_272] {strides = array<i32>} : memref<160x64xf32, #tpu.memory_space<vmem>>, vector<1x16xf32>,
        %get3A_274 = vector.shape_cast %get3A_273 : vector<1x16xf32> to vector<16xf32>
        %add3A_275 = arith.addf %add3A_265, %get3A_274 : vector<16xf32>
        %mul3A_276 = arith.mulf %get3A_274, %get3A_274 : vector<16xf32>
        %add3A_277 = arith.addf %add3A_267, %mul3A_276 : vector<16xf32>
        %max3A_278 = arith.maximumf %max3A_268, %get3A_274 : vector<16xf32>
        %add3A_279 = arith.constant 19 : i32
        %add3A_280 = arith.addi %mul3A_95, %add3A_279 : i32
        %get3A_281 = arith.index_cast %add3A_280 : i32 to index
        %get3A_282 = arith.constant 0 : index
        %get3A_283 = tpu.vector_load %arg8[%get3A_281, %get3A_282] {strides = array<i32>} : memref<160x64xf32, #tpu.memory_space<vmem>>, vector<1x16xf32>,
        %get3A_284 = vector.shape_cast %get3A_283 : vector<1x16xf32> to vector<16xf32>
        %add3A_285 = arith.addf %add3A_275, %get3A_284 : vector<16xf32>
        %mul3A_286 = arith.mulf %get3A_284, %get3A_284 : vector<16xf32>
        %add3A_287 = arith.addf %add3A_277, %mul3A_286 : vector<16xf32>
        %max3A_288 = arith.maximumf %max3A_278, %get3A_284 : vector<16xf32>
        %swap3A = arith.index_cast %scan3A_93 : i32 to index
        %swap3A_289 = arith.constant 0 : index
        %swap3A_290 = tpu.vector_load %arg10[%swap3A, %swap3A_289] {strides = array<i32>} : memref<8x192xf32, #tpu.memory_space<vmem>>, vector<1x16xf32>,
        %swap3A_291 = vector.shape_cast %swap3A_290 : vector<1x16xf32> to vector<16xf32>
        %swap3A_292 = vector.shape_cast %add3A_285 : vector<16xf32> to vector<1x16xf32>
        tpu.vector_store %arg10[%swap3A, %swap3A_289], %swap3A_292 {strides = array<i32>} : memref<8x192xf32, #tpu.memory_space<vmem>>, vector<1x16xf32>,
        %swap3A_293 = arith.index_cast %scan3A_93 : i32 to index
        %swap3A_294 = arith.constant 64 : index
        %swap3A_295 = tpu.vector_load %arg10[%swap3A_293, %swap3A_294] {strides = array<i32>} : memref<8x192xf32, #tpu.memory_space<vmem>>, vector<1x16xf32>,
        %swap3A_296 = vector.shape_cast %swap3A_295 : vector<1x16xf32> to vector<16xf32>
        %swap3A_297 = vector.shape_cast %add3A_287 : vector<16xf32> to vector<1x16xf32>
        tpu.vector_store %arg10[%swap3A_293, %swap3A_294], %swap3A_297 {strides = array<i32>} : memref<8x192xf32, #tpu.memory_space<vmem>>, vector<1x16xf32>,
        %swap3A_298 = arith.index_cast %scan3A_93 : i32 to index
        %swap3A_299 = arith.constant 128 : index
        %swap3A_300 = tpu.vector_load %arg10[%swap3A_298, %swap3A_299] {strides = array<i32>} : memref<8x192xf32, #tpu.memory_space<vmem>>, vector<1x16xf32>,
        %swap3A_301 = vector.shape_cast %swap3A_300 : vector<1x16xf32> to vector<16xf32>
        %swap3A_302 = vector.shape_cast %max3A_288 : vector<16xf32> to vector<1x16xf32>
        tpu.vector_store %arg10[%swap3A_298, %swap3A_299], %swap3A_302 {strides = array<i32>} : memref<8x192xf32, #tpu.memory_space<vmem>>, vector<1x16xf32>,
        %get3A_303 = arith.index_cast %mul3A_95 : i32 to index
        %get3A_304 = arith.constant 16 : index
        %get3A_305 = tpu.vector_load %arg8[%get3A_303, %get3A_304] {strides = array<i32>} : memref<160x64xf32, #tpu.memory_space<vmem>>, vector<1x16xf32>,
        %get3A_306 = vector.shape_cast %get3A_305 : vector<1x16xf32> to vector<16xf32>
        %mul3A_307 = arith.mulf %get3A_306, %get3A_306 : vector<16xf32>
        %add3A_308 = arith.constant 1 : i32
        %add3A_309 = arith.addi %mul3A_95, %add3A_308 : i32
        %get3A_310 = arith.index_cast %add3A_309 : i32 to index
        %get3A_311 = arith.constant 16 : index
        %get3A_312 = tpu.vector_load %arg8[%get3A_310, %get3A_311] {strides = array<i32>} : memref<160x64xf32, #tpu.memory_space<vmem>>, vector<1x16xf32>,
        %get3A_313 = vector.shape_cast %get3A_312 : vector<1x16xf32> to vector<16xf32>
        %add3A_314 = arith.addf %get3A_306, %get3A_313 : vector<16xf32>
        %mul3A_315 = arith.mulf %get3A_313, %get3A_313 : vector<16xf32>
        %add3A_316 = arith.addf %mul3A_307, %mul3A_315 : vector<16xf32>
        %max3A_317 = arith.maximumf %get3A_306, %get3A_313 : vector<16xf32>
        %add3A_318 = arith.constant 2 : i32
        %add3A_319 = arith.addi %mul3A_95, %add3A_318 : i32
        %get3A_320 = arith.index_cast %add3A_319 : i32 to index
        %get3A_321 = arith.constant 16 : index
        %get3A_322 = tpu.vector_load %arg8[%get3A_320, %get3A_321] {strides = array<i32>} : memref<160x64xf32, #tpu.memory_space<vmem>>, vector<1x16xf32>,
        %get3A_323 = vector.shape_cast %get3A_322 : vector<1x16xf32> to vector<16xf32>
        %add3A_324 = arith.addf %add3A_314, %get3A_323 : vector<16xf32>
        %mul3A_325 = arith.mulf %get3A_323, %get3A_323 : vector<16xf32>
        %add3A_326 = arith.addf %add3A_316, %mul3A_325 : vector<16xf32>
        %max3A_327 = arith.maximumf %max3A_317, %get3A_323 : vector<16xf32>
        %add3A_328 = arith.constant 3 : i32
        %add3A_329 = arith.addi %mul3A_95, %add3A_328 : i32
        %get3A_330 = arith.index_cast %add3A_329 : i32 to index
        %get3A_331 = arith.constant 16 : index
        %get3A_332 = tpu.vector_load %arg8[%get3A_330, %get3A_331] {strides = array<i32>} : memref<160x64xf32, #tpu.memory_space<vmem>>, vector<1x16xf32>,
        %get3A_333 = vector.shape_cast %get3A_332 : vector<1x16xf32> to vector<16xf32>
        %add3A_334 = arith.addf %add3A_324, %get3A_333 : vector<16xf32>
        %mul3A_335 = arith.mulf %get3A_333, %get3A_333 : vector<16xf32>
        %add3A_336 = arith.addf %add3A_326, %mul3A_335 : vector<16xf32>
        %max3A_337 = arith.maximumf %max3A_327, %get3A_333 : vector<16xf32>
        %add3A_338 = arith.constant 4 : i32
        %add3A_339 = arith.addi %mul3A_95, %add3A_338 : i32
        %get3A_340 = arith.index_cast %add3A_339 : i32 to index
        %get3A_341 = arith.constant 16 : index
        %get3A_342 = tpu.vector_load %arg8[%get3A_340, %get3A_341] {strides = array<i32>} : memref<160x64xf32, #tpu.memory_space<vmem>>, vector<1x16xf32>,
        %get3A_343 = vector.shape_cast %get3A_342 : vector<1x16xf32> to vector<16xf32>
        %add3A_344 = arith.addf %add3A_334, %get3A_343 : vector<16xf32>
        %mul3A_345 = arith.mulf %get3A_343, %get3A_343 : vector<16xf32>
        %add3A_346 = arith.addf %add3A_336, %mul3A_345 : vector<16xf32>
        %max3A_347 = arith.maximumf %max3A_337, %get3A_343 : vector<16xf32>
        %add3A_348 = arith.constant 5 : i32
        %add3A_349 = arith.addi %mul3A_95, %add3A_348 : i32
        %get3A_350 = arith.index_cast %add3A_349 : i32 to index
        %get3A_351 = arith.constant 16 : index
        %get3A_352 = tpu.vector_load %arg8[%get3A_350, %get3A_351] {strides = array<i32>} : memref<160x64xf32, #tpu.memory_space<vmem>>, vector<1x16xf32>,
        %get3A_353 = vector.shape_cast %get3A_352 : vector<1x16xf32> to vector<16xf32>
        %add3A_354 = arith.addf %add3A_344, %get3A_353 : vector<16xf32>
        %mul3A_355 = arith.mulf %get3A_353, %get3A_353 : vector<16xf32>
        %add3A_356 = arith.addf %add3A_346, %mul3A_355 : vector<16xf32>
        %max3A_357 = arith.maximumf %max3A_347, %get3A_353 : vector<16xf32>
        %add3A_358 = arith.constant 6 : i32
        %add3A_359 = arith.addi %mul3A_95, %add3A_358 : i32
        %get3A_360 = arith.index_cast %add3A_359 : i32 to index
        %get3A_361 = arith.constant 16 : index
        %get3A_362 = tpu.vector_load %arg8[%get3A_360, %get3A_361] {strides = array<i32>} : memref<160x64xf32, #tpu.memory_space<vmem>>, vector<1x16xf32>,
        %get3A_363 = vector.shape_cast %get3A_362 : vector<1x16xf32> to vector<16xf32>
        %add3A_364 = arith.addf %add3A_354, %get3A_363 : vector<16xf32>
        %mul3A_365 = arith.mulf %get3A_363, %get3A_363 : vector<16xf32>
        %add3A_366 = arith.addf %add3A_356, %mul3A_365 : vector<16xf32>
        %max3A_367 = arith.maximumf %max3A_357, %get3A_363 : vector<16xf32>
        %add3A_368 = arith.constant 7 : i32
        %add3A_369 = arith.addi %mul3A_95, %add3A_368 : i32
        %get3A_370 = arith.index_cast %add3A_369 : i32 to index
        %get3A_371 = arith.constant 16 : index
        %get3A_372 = tpu.vector_load %arg8[%get3A_370, %get3A_371] {strides = array<i32>} : memref<160x64xf32, #tpu.memory_space<vmem>>, vector<1x16xf32>,
        %get3A_373 = vector.shape_cast %get3A_372 : vector<1x16xf32> to vector<16xf32>
        %add3A_374 = arith.addf %add3A_364, %get3A_373 : vector<16xf32>
        %mul3A_375 = arith.mulf %get3A_373, %get3A_373 : vector<16xf32>
        %add3A_376 = arith.addf %add3A_366, %mul3A_375 : vector<16xf32>
        %max3A_377 = arith.maximumf %max3A_367, %get3A_373 : vector<16xf32>
        %add3A_378 = arith.constant 8 : i32
        %add3A_379 = arith.addi %mul3A_95, %add3A_378 : i32
        %get3A_380 = arith.index_cast %add3A_379 : i32 to index
        %get3A_381 = arith.constant 16 : index
        %get3A_382 = tpu.vector_load %arg8[%get3A_380, %get3A_381] {strides = array<i32>} : memref<160x64xf32, #tpu.memory_space<vmem>>, vector<1x16xf32>,
        %get3A_383 = vector.shape_cast %get3A_382 : vector<1x16xf32> to vector<16xf32>
        %add3A_384 = arith.addf %add3A_374, %get3A_383 : vector<16xf32>
        %mul3A_385 = arith.mulf %get3A_383, %get3A_383 : vector<16xf32>
        %add3A_386 = arith.addf %add3A_376, %mul3A_385 : vector<16xf32>
        %max3A_387 = arith.maximumf %max3A_377, %get3A_383 : vector<16xf32>
        %add3A_388 = arith.constant 9 : i32
        %add3A_389 = arith.addi %mul3A_95, %add3A_388 : i32
        %get3A_390 = arith.index_cast %add3A_389 : i32 to index
        %get3A_391 = arith.constant 16 : index
        %get3A_392 = tpu.vector_load %arg8[%get3A_390, %get3A_391] {strides = array<i32>} : memref<160x64xf32, #tpu.memory_space<vmem>>, vector<1x16xf32>,
        %get3A_393 = vector.shape_cast %get3A_392 : vector<1x16xf32> to vector<16xf32>
        %add3A_394 = arith.addf %add3A_384, %get3A_393 : vector<16xf32>
        %mul3A_395 = arith.mulf %get3A_393, %get3A_393 : vector<16xf32>
        %add3A_396 = arith.addf %add3A_386, %mul3A_395 : vector<16xf32>
        %max3A_397 = arith.maximumf %max3A_387, %get3A_393 : vector<16xf32>
        %add3A_398 = arith.constant 10 : i32
        %add3A_399 = arith.addi %mul3A_95, %add3A_398 : i32
        %get3A_400 = arith.index_cast %add3A_399 : i32 to index
        %get3A_401 = arith.constant 16 : index
        %get3A_402 = tpu.vector_load %arg8[%get3A_400, %get3A_401] {strides = array<i32>} : memref<160x64xf32, #tpu.memory_space<vmem>>, vector<1x16xf32>,
        %get3A_403 = vector.shape_cast %get3A_402 : vector<1x16xf32> to vector<16xf32>
        %add3A_404 = arith.addf %add3A_394, %get3A_403 : vector<16xf32>
        %mul3A_405 = arith.mulf %get3A_403, %get3A_403 : vector<16xf32>
        %add3A_406 = arith.addf %add3A_396, %mul3A_405 : vector<16xf32>
        %max3A_407 = arith.maximumf %max3A_397, %get3A_403 : vector<16xf32>
        %add3A_408 = arith.constant 11 : i32
        %add3A_409 = arith.addi %mul3A_95, %add3A_408 : i32
        %get3A_410 = arith.index_cast %add3A_409 : i32 to index
        %get3A_411 = arith.constant 16 : index
        %get3A_412 = tpu.vector_load %arg8[%get3A_410, %get3A_411] {strides = array<i32>} : memref<160x64xf32, #tpu.memory_space<vmem>>, vector<1x16xf32>,
        %get3A_413 = vector.shape_cast %get3A_412 : vector<1x16xf32> to vector<16xf32>
        %add3A_414 = arith.addf %add3A_404, %get3A_413 : vector<16xf32>
        %mul3A_415 = arith.mulf %get3A_413, %get3A_413 : vector<16xf32>
        %add3A_416 = arith.addf %add3A_406, %mul3A_415 : vector<16xf32>
        %max3A_417 = arith.maximumf %max3A_407, %get3A_413 : vector<16xf32>
        %add3A_418 = arith.constant 12 : i32
        %add3A_419 = arith.addi %mul3A_95, %add3A_418 : i32
        %get3A_420 = arith.index_cast %add3A_419 : i32 to index
        %get3A_421 = arith.constant 16 : index
        %get3A_422 = tpu.vector_load %arg8[%get3A_420, %get3A_421] {strides = array<i32>} : memref<160x64xf32, #tpu.memory_space<vmem>>, vector<1x16xf32>,
        %get3A_423 = vector.shape_cast %get3A_422 : vector<1x16xf32> to vector<16xf32>
        %add3A_424 = arith.addf %add3A_414, %get3A_423 : vector<16xf32>
        %mul3A_425 = arith.mulf %get3A_423, %get3A_423 : vector<16xf32>
        %add3A_426 = arith.addf %add3A_416, %mul3A_425 : vector<16xf32>
        %max3A_427 = arith.maximumf %max3A_417, %get3A_423 : vector<16xf32>
        %add3A_428 = arith.constant 13 : i32
        %add3A_429 = arith.addi %mul3A_95, %add3A_428 : i32
        %get3A_430 = arith.index_cast %add3A_429 : i32 to index
        %get3A_431 = arith.constant 16 : index
        %get3A_432 = tpu.vector_load %arg8[%get3A_430, %get3A_431] {strides = array<i32>} : memref<160x64xf32, #tpu.memory_space<vmem>>, vector<1x16xf32>,
        %get3A_433 = vector.shape_cast %get3A_432 : vector<1x16xf32> to vector<16xf32>
        %add3A_434 = arith.addf %add3A_424, %get3A_433 : vector<16xf32>
        %mul3A_435 = arith.mulf %get3A_433, %get3A_433 : vector<16xf32>
        %add3A_436 = arith.addf %add3A_426, %mul3A_435 : vector<16xf32>
        %max3A_437 = arith.maximumf %max3A_427, %get3A_433 : vector<16xf32>
        %add3A_438 = arith.constant 14 : i32
        %add3A_439 = arith.addi %mul3A_95, %add3A_438 : i32
        %get3A_440 = arith.index_cast %add3A_439 : i32 to index
        %get3A_441 = arith.constant 16 : index
        %get3A_442 = tpu.vector_load %arg8[%get3A_440, %get3A_441] {strides = array<i32>} : memref<160x64xf32, #tpu.memory_space<vmem>>, vector<1x16xf32>,
        %get3A_443 = vector.shape_cast %get3A_442 : vector<1x16xf32> to vector<16xf32>
        %add3A_444 = arith.addf %add3A_434, %get3A_443 : vector<16xf32>
        %mul3A_445 = arith.mulf %get3A_443, %get3A_443 : vector<16xf32>
        %add3A_446 = arith.addf %add3A_436, %mul3A_445 : vector<16xf32>
        %max3A_447 = arith.maximumf %max3A_437, %get3A_443 : vector<16xf32>
        %add3A_448 = arith.constant 15 : i32
        %add3A_449 = arith.addi %mul3A_95, %add3A_448 : i32
        %get3A_450 = arith.index_cast %add3A_449 : i32 to index
        %get3A_451 = arith.constant 16 : index
        %get3A_452 = tpu.vector_load %arg8[%get3A_450, %get3A_451] {strides = array<i32>} : memref<160x64xf32, #tpu.memory_space<vmem>>, vector<1x16xf32>,
        %get3A_453 = vector.shape_cast %get3A_452 : vector<1x16xf32> to vector<16xf32>
        %add3A_454 = arith.addf %add3A_444, %get3A_453 : vector<16xf32>
        %mul3A_455 = arith.mulf %get3A_453, %get3A_453 : vector<16xf32>
        %add3A_456 = arith.addf %add3A_446, %mul3A_455 : vector<16xf32>
        %max3A_457 = arith.maximumf %max3A_447, %get3A_453 : vector<16xf32>
        %add3A_458 = arith.constant 16 : i32
        %add3A_459 = arith.addi %mul3A_95, %add3A_458 : i32
        %get3A_460 = arith.index_cast %add3A_459 : i32 to index
        %get3A_461 = arith.constant 16 : index
        %get3A_462 = tpu.vector_load %arg8[%get3A_460, %get3A_461] {strides = array<i32>} : memref<160x64xf32, #tpu.memory_space<vmem>>, vector<1x16xf32>,
        %get3A_463 = vector.shape_cast %get3A_462 : vector<1x16xf32> to vector<16xf32>
        %add3A_464 = arith.addf %add3A_454, %get3A_463 : vector<16xf32>
        %mul3A_465 = arith.mulf %get3A_463, %get3A_463 : vector<16xf32>
        %add3A_466 = arith.addf %add3A_456, %mul3A_465 : vector<16xf32>
        %max3A_467 = arith.maximumf %max3A_457, %get3A_463 : vector<16xf32>
        %add3A_468 = arith.constant 17 : i32
        %add3A_469 = arith.addi %mul3A_95, %add3A_468 : i32
        %get3A_470 = arith.index_cast %add3A_469 : i32 to index
        %get3A_471 = arith.constant 16 : index
        %get3A_472 = tpu.vector_load %arg8[%get3A_470, %get3A_471] {strides = array<i32>} : memref<160x64xf32, #tpu.memory_space<vmem>>, vector<1x16xf32>,
        %get3A_473 = vector.shape_cast %get3A_472 : vector<1x16xf32> to vector<16xf32>
        %add3A_474 = arith.addf %add3A_464, %get3A_473 : vector<16xf32>
        %mul3A_475 = arith.mulf %get3A_473, %get3A_473 : vector<16xf32>
        %add3A_476 = arith.addf %add3A_466, %mul3A_475 : vector<16xf32>
        %max3A_477 = arith.maximumf %max3A_467, %get3A_473 : vector<16xf32>
        %add3A_478 = arith.constant 18 : i32
        %add3A_479 = arith.addi %mul3A_95, %add3A_478 : i32
        %get3A_480 = arith.index_cast %add3A_479 : i32 to index
        %get3A_481 = arith.constant 16 : index
        %get3A_482 = tpu.vector_load %arg8[%get3A_480, %get3A_481] {strides = array<i32>} : memref<160x64xf32, #tpu.memory_space<vmem>>, vector<1x16xf32>,
        %get3A_483 = vector.shape_cast %get3A_482 : vector<1x16xf32> to vector<16xf32>
        %add3A_484 = arith.addf %add3A_474, %get3A_483 : vector<16xf32>
        %mul3A_485 = arith.mulf %get3A_483, %get3A_483 : vector<16xf32>
        %add3A_486 = arith.addf %add3A_476, %mul3A_485 : vector<16xf32>
        %max3A_487 = arith.maximumf %max3A_477, %get3A_483 : vector<16xf32>
        %add3A_488 = arith.constant 19 : i32
        %add3A_489 = arith.addi %mul3A_95, %add3A_488 : i32
        %get3A_490 = arith.index_cast %add3A_489 : i32 to index
        %get3A_491 = arith.constant 16 : index
        %get3A_492 = tpu.vector_load %arg8[%get3A_490, %get3A_491] {strides = array<i32>} : memref<160x64xf32, #tpu.memory_space<vmem>>, vector<1x16xf32>,
        %get3A_493 = vector.shape_cast %get3A_492 : vector<1x16xf32> to vector<16xf32>
        %add3A_494 = arith.addf %add3A_484, %get3A_493 : vector<16xf32>
        %mul3A_495 = arith.mulf %get3A_493, %get3A_493 : vector<16xf32>
        %add3A_496 = arith.addf %add3A_486, %mul3A_495 : vector<16xf32>
        %max3A_497 = arith.maximumf %max3A_487, %get3A_493 : vector<16xf32>
        %swap3A_498 = arith.index_cast %scan3A_93 : i32 to index
        %swap3A_499 = arith.constant 16 : index
        %swap3A_500 = tpu.vector_load %arg10[%swap3A_498, %swap3A_499] {strides = array<i32>} : memref<8x192xf32, #tpu.memory_space<vmem>>, vector<1x16xf32>,
        %swap3A_501 = vector.shape_cast %swap3A_500 : vector<1x16xf32> to vector<16xf32>
        %swap3A_502 = vector.shape_cast %add3A_494 : vector<16xf32> to vector<1x16xf32>
        tpu.vector_store %arg10[%swap3A_498, %swap3A_499], %swap3A_502 {strides = array<i32>} : memref<8x192xf32, #tpu.memory_space<vmem>>, vector<1x16xf32>,
        %swap3A_503 = arith.index_cast %scan3A_93 : i32 to index
        %swap3A_504 = arith.constant 80 : index
        %swap3A_505 = tpu.vector_load %arg10[%swap3A_503, %swap3A_504] {strides = array<i32>} : memref<8x192xf32, #tpu.memory_space<vmem>>, vector<1x16xf32>,
        %swap3A_506 = vector.shape_cast %swap3A_505 : vector<1x16xf32> to vector<16xf32>
        %swap3A_507 = vector.shape_cast %add3A_496 : vector<16xf32> to vector<1x16xf32>
        tpu.vector_store %arg10[%swap3A_503, %swap3A_504], %swap3A_507 {strides = array<i32>} : memref<8x192xf32, #tpu.memory_space<vmem>>, vector<1x16xf32>,
        %swap3A_508 = arith.index_cast %scan3A_93 : i32 to index
        %swap3A_509 = arith.constant 144 : index
        %swap3A_510 = tpu.vector_load %arg10[%swap3A_508, %swap3A_509] {strides = array<i32>} : memref<8x192xf32, #tpu.memory_space<vmem>>, vector<1x16xf32>,
        %swap3A_511 = vector.shape_cast %swap3A_510 : vector<1x16xf32> to vector<16xf32>
        %swap3A_512 = vector.shape_cast %max3A_497 : vector<16xf32> to vector<1x16xf32>
        tpu.vector_store %arg10[%swap3A_508, %swap3A_509], %swap3A_512 {strides = array<i32>} : memref<8x192xf32, #tpu.memory_space<vmem>>, vector<1x16xf32>,
        %get3A_513 = arith.index_cast %mul3A_95 : i32 to index
        %get3A_514 = arith.constant 32 : index
        %get3A_515 = tpu.vector_load %arg8[%get3A_513, %get3A_514] {strides = array<i32>} : memref<160x64xf32, #tpu.memory_space<vmem>>, vector<1x16xf32>,
        %get3A_516 = vector.shape_cast %get3A_515 : vector<1x16xf32> to vector<16xf32>
        %mul3A_517 = arith.mulf %get3A_516, %get3A_516 : vector<16xf32>
        %add3A_518 = arith.constant 1 : i32
        %add3A_519 = arith.addi %mul3A_95, %add3A_518 : i32
        %get3A_520 = arith.index_cast %add3A_519 : i32 to index
        %get3A_521 = arith.constant 32 : index
        %get3A_522 = tpu.vector_load %arg8[%get3A_520, %get3A_521] {strides = array<i32>} : memref<160x64xf32, #tpu.memory_space<vmem>>, vector<1x16xf32>,
        %get3A_523 = vector.shape_cast %get3A_522 : vector<1x16xf32> to vector<16xf32>
        %add3A_524 = arith.addf %get3A_516, %get3A_523 : vector<16xf32>
        %mul3A_525 = arith.mulf %get3A_523, %get3A_523 : vector<16xf32>
        %add3A_526 = arith.addf %mul3A_517, %mul3A_525 : vector<16xf32>
        %max3A_527 = arith.maximumf %get3A_516, %get3A_523 : vector<16xf32>
        %add3A_528 = arith.constant 2 : i32
        %add3A_529 = arith.addi %mul3A_95, %add3A_528 : i32
        %get3A_530 = arith.index_cast %add3A_529 : i32 to index
        %get3A_531 = arith.constant 32 : index
        %get3A_532 = tpu.vector_load %arg8[%get3A_530, %get3A_531] {strides = array<i32>} : memref<160x64xf32, #tpu.memory_space<vmem>>, vector<1x16xf32>,
        %get3A_533 = vector.shape_cast %get3A_532 : vector<1x16xf32> to vector<16xf32>
        %add3A_534 = arith.addf %add3A_524, %get3A_533 : vector<16xf32>
        %mul3A_535 = arith.mulf %get3A_533, %get3A_533 : vector<16xf32>
        %add3A_536 = arith.addf %add3A_526, %mul3A_535 : vector<16xf32>
        %max3A_537 = arith.maximumf %max3A_527, %get3A_533 : vector<16xf32>
        %add3A_538 = arith.constant 3 : i32
        %add3A_539 = arith.addi %mul3A_95, %add3A_538 : i32
        %get3A_540 = arith.index_cast %add3A_539 : i32 to index
        %get3A_541 = arith.constant 32 : index
        %get3A_542 = tpu.vector_load %arg8[%get3A_540, %get3A_541] {strides = array<i32>} : memref<160x64xf32, #tpu.memory_space<vmem>>, vector<1x16xf32>,
        %get3A_543 = vector.shape_cast %get3A_542 : vector<1x16xf32> to vector<16xf32>
        %add3A_544 = arith.addf %add3A_534, %get3A_543 : vector<16xf32>
        %mul3A_545 = arith.mulf %get3A_543, %get3A_543 : vector<16xf32>
        %add3A_546 = arith.addf %add3A_536, %mul3A_545 : vector<16xf32>
        %max3A_547 = arith.maximumf %max3A_537, %get3A_543 : vector<16xf32>
        %add3A_548 = arith.constant 4 : i32
        %add3A_549 = arith.addi %mul3A_95, %add3A_548 : i32
        %get3A_550 = arith.index_cast %add3A_549 : i32 to index
        %get3A_551 = arith.constant 32 : index
        %get3A_552 = tpu.vector_load %arg8[%get3A_550, %get3A_551] {strides = array<i32>} : memref<160x64xf32, #tpu.memory_space<vmem>>, vector<1x16xf32>,
        %get3A_553 = vector.shape_cast %get3A_552 : vector<1x16xf32> to vector<16xf32>
        %add3A_554 = arith.addf %add3A_544, %get3A_553 : vector<16xf32>
        %mul3A_555 = arith.mulf %get3A_553, %get3A_553 : vector<16xf32>
        %add3A_556 = arith.addf %add3A_546, %mul3A_555 : vector<16xf32>
        %max3A_557 = arith.maximumf %max3A_547, %get3A_553 : vector<16xf32>
        %add3A_558 = arith.constant 5 : i32
        %add3A_559 = arith.addi %mul3A_95, %add3A_558 : i32
        %get3A_560 = arith.index_cast %add3A_559 : i32 to index
        %get3A_561 = arith.constant 32 : index
        %get3A_562 = tpu.vector_load %arg8[%get3A_560, %get3A_561] {strides = array<i32>} : memref<160x64xf32, #tpu.memory_space<vmem>>, vector<1x16xf32>,
        %get3A_563 = vector.shape_cast %get3A_562 : vector<1x16xf32> to vector<16xf32>
        %add3A_564 = arith.addf %add3A_554, %get3A_563 : vector<16xf32>
        %mul3A_565 = arith.mulf %get3A_563, %get3A_563 : vector<16xf32>
        %add3A_566 = arith.addf %add3A_556, %mul3A_565 : vector<16xf32>
        %max3A_567 = arith.maximumf %max3A_557, %get3A_563 : vector<16xf32>
        %add3A_568 = arith.constant 6 : i32
        %add3A_569 = arith.addi %mul3A_95, %add3A_568 : i32
        %get3A_570 = arith.index_cast %add3A_569 : i32 to index
        %get3A_571 = arith.constant 32 : index
        %get3A_572 = tpu.vector_load %arg8[%get3A_570, %get3A_571] {strides = array<i32>} : memref<160x64xf32, #tpu.memory_space<vmem>>, vector<1x16xf32>,
        %get3A_573 = vector.shape_cast %get3A_572 : vector<1x16xf32> to vector<16xf32>
        %add3A_574 = arith.addf %add3A_564, %get3A_573 : vector<16xf32>
        %mul3A_575 = arith.mulf %get3A_573, %get3A_573 : vector<16xf32>
        %add3A_576 = arith.addf %add3A_566, %mul3A_575 : vector<16xf32>
        %max3A_577 = arith.maximumf %max3A_567, %get3A_573 : vector<16xf32>
        %add3A_578 = arith.constant 7 : i32
        %add3A_579 = arith.addi %mul3A_95, %add3A_578 : i32
        %get3A_580 = arith.index_cast %add3A_579 : i32 to index
        %get3A_581 = arith.constant 32 : index
        %get3A_582 = tpu.vector_load %arg8[%get3A_580, %get3A_581] {strides = array<i32>} : memref<160x64xf32, #tpu.memory_space<vmem>>, vector<1x16xf32>,
        %get3A_583 = vector.shape_cast %get3A_582 : vector<1x16xf32> to vector<16xf32>
        %add3A_584 = arith.addf %add3A_574, %get3A_583 : vector<16xf32>
        %mul3A_585 = arith.mulf %get3A_583, %get3A_583 : vector<16xf32>
        %add3A_586 = arith.addf %add3A_576, %mul3A_585 : vector<16xf32>
        %max3A_587 = arith.maximumf %max3A_577, %get3A_583 : vector<16xf32>
        %add3A_588 = arith.constant 8 : i32
        %add3A_589 = arith.addi %mul3A_95, %add3A_588 : i32
        %get3A_590 = arith.index_cast %add3A_589 : i32 to index
        %get3A_591 = arith.constant 32 : index
        %get3A_592 = tpu.vector_load %arg8[%get3A_590, %get3A_591] {strides = array<i32>} : memref<160x64xf32, #tpu.memory_space<vmem>>, vector<1x16xf32>,
        %get3A_593 = vector.shape_cast %get3A_592 : vector<1x16xf32> to vector<16xf32>
        %add3A_594 = arith.addf %add3A_584, %get3A_593 : vector<16xf32>
        %mul3A_595 = arith.mulf %get3A_593, %get3A_593 : vector<16xf32>
        %add3A_596 = arith.addf %add3A_586, %mul3A_595 : vector<16xf32>
        %max3A_597 = arith.maximumf %max3A_587, %get3A_593 : vector<16xf32>
        %add3A_598 = arith.constant 9 : i32
        %add3A_599 = arith.addi %mul3A_95, %add3A_598 : i32
        %get3A_600 = arith.index_cast %add3A_599 : i32 to index
        %get3A_601 = arith.constant 32 : index
        %get3A_602 = tpu.vector_load %arg8[%get3A_600, %get3A_601] {strides = array<i32>} : memref<160x64xf32, #tpu.memory_space<vmem>>, vector<1x16xf32>,
        %get3A_603 = vector.shape_cast %get3A_602 : vector<1x16xf32> to vector<16xf32>
        %add3A_604 = arith.addf %add3A_594, %get3A_603 : vector<16xf32>
        %mul3A_605 = arith.mulf %get3A_603, %get3A_603 : vector<16xf32>
        %add3A_606 = arith.addf %add3A_596, %mul3A_605 : vector<16xf32>
        %max3A_607 = arith.maximumf %max3A_597, %get3A_603 : vector<16xf32>
        %add3A_608 = arith.constant 10 : i32
        %add3A_609 = arith.addi %mul3A_95, %add3A_608 : i32
        %get3A_610 = arith.index_cast %add3A_609 : i32 to index
        %get3A_611 = arith.constant 32 : index
        %get3A_612 = tpu.vector_load %arg8[%get3A_610, %get3A_611] {strides = array<i32>} : memref<160x64xf32, #tpu.memory_space<vmem>>, vector<1x16xf32>,
        %get3A_613 = vector.shape_cast %get3A_612 : vector<1x16xf32> to vector<16xf32>
        %add3A_614 = arith.addf %add3A_604, %get3A_613 : vector<16xf32>
        %mul3A_615 = arith.mulf %get3A_613, %get3A_613 : vector<16xf32>
        %add3A_616 = arith.addf %add3A_606, %mul3A_615 : vector<16xf32>
        %max3A_617 = arith.maximumf %max3A_607, %get3A_613 : vector<16xf32>
        %add3A_618 = arith.constant 11 : i32
        %add3A_619 = arith.addi %mul3A_95, %add3A_618 : i32
        %get3A_620 = arith.index_cast %add3A_619 : i32 to index
        %get3A_621 = arith.constant 32 : index
        %get3A_622 = tpu.vector_load %arg8[%get3A_620, %get3A_621] {strides = array<i32>} : memref<160x64xf32, #tpu.memory_space<vmem>>, vector<1x16xf32>,
        %get3A_623 = vector.shape_cast %get3A_622 : vector<1x16xf32> to vector<16xf32>
        %add3A_624 = arith.addf %add3A_614, %get3A_623 : vector<16xf32>
        %mul3A_625 = arith.mulf %get3A_623, %get3A_623 : vector<16xf32>
        %add3A_626 = arith.addf %add3A_616, %mul3A_625 : vector<16xf32>
        %max3A_627 = arith.maximumf %max3A_617, %get3A_623 : vector<16xf32>
        %add3A_628 = arith.constant 12 : i32
        %add3A_629 = arith.addi %mul3A_95, %add3A_628 : i32
        %get3A_630 = arith.index_cast %add3A_629 : i32 to index
        %get3A_631 = arith.constant 32 : index
        %get3A_632 = tpu.vector_load %arg8[%get3A_630, %get3A_631] {strides = array<i32>} : memref<160x64xf32, #tpu.memory_space<vmem>>, vector<1x16xf32>,
        %get3A_633 = vector.shape_cast %get3A_632 : vector<1x16xf32> to vector<16xf32>
        %add3A_634 = arith.addf %add3A_624, %get3A_633 : vector<16xf32>
        %mul3A_635 = arith.mulf %get3A_633, %get3A_633 : vector<16xf32>
        %add3A_636 = arith.addf %add3A_626, %mul3A_635 : vector<16xf32>
        %max3A_637 = arith.maximumf %max3A_627, %get3A_633 : vector<16xf32>
        %add3A_638 = arith.constant 13 : i32
        %add3A_639 = arith.addi %mul3A_95, %add3A_638 : i32
        %get3A_640 = arith.index_cast %add3A_639 : i32 to index
        %get3A_641 = arith.constant 32 : index
        %get3A_642 = tpu.vector_load %arg8[%get3A_640, %get3A_641] {strides = array<i32>} : memref<160x64xf32, #tpu.memory_space<vmem>>, vector<1x16xf32>,
        %get3A_643 = vector.shape_cast %get3A_642 : vector<1x16xf32> to vector<16xf32>
        %add3A_644 = arith.addf %add3A_634, %get3A_643 : vector<16xf32>
        %mul3A_645 = arith.mulf %get3A_643, %get3A_643 : vector<16xf32>
        %add3A_646 = arith.addf %add3A_636, %mul3A_645 : vector<16xf32>
        %max3A_647 = arith.maximumf %max3A_637, %get3A_643 : vector<16xf32>
        %add3A_648 = arith.constant 14 : i32
        %add3A_649 = arith.addi %mul3A_95, %add3A_648 : i32
        %get3A_650 = arith.index_cast %add3A_649 : i32 to index
        %get3A_651 = arith.constant 32 : index
        %get3A_652 = tpu.vector_load %arg8[%get3A_650, %get3A_651] {strides = array<i32>} : memref<160x64xf32, #tpu.memory_space<vmem>>, vector<1x16xf32>,
        %get3A_653 = vector.shape_cast %get3A_652 : vector<1x16xf32> to vector<16xf32>
        %add3A_654 = arith.addf %add3A_644, %get3A_653 : vector<16xf32>
        %mul3A_655 = arith.mulf %get3A_653, %get3A_653 : vector<16xf32>
        %add3A_656 = arith.addf %add3A_646, %mul3A_655 : vector<16xf32>
        %max3A_657 = arith.maximumf %max3A_647, %get3A_653 : vector<16xf32>
        %add3A_658 = arith.constant 15 : i32
        %add3A_659 = arith.addi %mul3A_95, %add3A_658 : i32
        %get3A_660 = arith.index_cast %add3A_659 : i32 to index
        %get3A_661 = arith.constant 32 : index
        %get3A_662 = tpu.vector_load %arg8[%get3A_660, %get3A_661] {strides = array<i32>} : memref<160x64xf32, #tpu.memory_space<vmem>>, vector<1x16xf32>,
        %get3A_663 = vector.shape_cast %get3A_662 : vector<1x16xf32> to vector<16xf32>
        %add3A_664 = arith.addf %add3A_654, %get3A_663 : vector<16xf32>
        %mul3A_665 = arith.mulf %get3A_663, %get3A_663 : vector<16xf32>
        %add3A_666 = arith.addf %add3A_656, %mul3A_665 : vector<16xf32>
        %max3A_667 = arith.maximumf %max3A_657, %get3A_663 : vector<16xf32>
        %add3A_668 = arith.constant 16 : i32
        %add3A_669 = arith.addi %mul3A_95, %add3A_668 : i32
        %get3A_670 = arith.index_cast %add3A_669 : i32 to index
        %get3A_671 = arith.constant 32 : index
        %get3A_672 = tpu.vector_load %arg8[%get3A_670, %get3A_671] {strides = array<i32>} : memref<160x64xf32, #tpu.memory_space<vmem>>, vector<1x16xf32>,
        %get3A_673 = vector.shape_cast %get3A_672 : vector<1x16xf32> to vector<16xf32>
        %add3A_674 = arith.addf %add3A_664, %get3A_673 : vector<16xf32>
        %mul3A_675 = arith.mulf %get3A_673, %get3A_673 : vector<16xf32>
        %add3A_676 = arith.addf %add3A_666, %mul3A_675 : vector<16xf32>
        %max3A_677 = arith.maximumf %max3A_667, %get3A_673 : vector<16xf32>
        %add3A_678 = arith.constant 17 : i32
        %add3A_679 = arith.addi %mul3A_95, %add3A_678 : i32
        %get3A_680 = arith.index_cast %add3A_679 : i32 to index
        %get3A_681 = arith.constant 32 : index
        %get3A_682 = tpu.vector_load %arg8[%get3A_680, %get3A_681] {strides = array<i32>} : memref<160x64xf32, #tpu.memory_space<vmem>>, vector<1x16xf32>,
        %get3A_683 = vector.shape_cast %get3A_682 : vector<1x16xf32> to vector<16xf32>
        %add3A_684 = arith.addf %add3A_674, %get3A_683 : vector<16xf32>
        %mul3A_685 = arith.mulf %get3A_683, %get3A_683 : vector<16xf32>
        %add3A_686 = arith.addf %add3A_676, %mul3A_685 : vector<16xf32>
        %max3A_687 = arith.maximumf %max3A_677, %get3A_683 : vector<16xf32>
        %add3A_688 = arith.constant 18 : i32
        %add3A_689 = arith.addi %mul3A_95, %add3A_688 : i32
        %get3A_690 = arith.index_cast %add3A_689 : i32 to index
        %get3A_691 = arith.constant 32 : index
        %get3A_692 = tpu.vector_load %arg8[%get3A_690, %get3A_691] {strides = array<i32>} : memref<160x64xf32, #tpu.memory_space<vmem>>, vector<1x16xf32>,
        %get3A_693 = vector.shape_cast %get3A_692 : vector<1x16xf32> to vector<16xf32>
        %add3A_694 = arith.addf %add3A_684, %get3A_693 : vector<16xf32>
        %mul3A_695 = arith.mulf %get3A_693, %get3A_693 : vector<16xf32>
        %add3A_696 = arith.addf %add3A_686, %mul3A_695 : vector<16xf32>
        %max3A_697 = arith.maximumf %max3A_687, %get3A_693 : vector<16xf32>
        %add3A_698 = arith.constant 19 : i32
        %add3A_699 = arith.addi %mul3A_95, %add3A_698 : i32
        %get3A_700 = arith.index_cast %add3A_699 : i32 to index
        %get3A_701 = arith.constant 32 : index
        %get3A_702 = tpu.vector_load %arg8[%get3A_700, %get3A_701] {strides = array<i32>} : memref<160x64xf32, #tpu.memory_space<vmem>>, vector<1x16xf32>,
        %get3A_703 = vector.shape_cast %get3A_702 : vector<1x16xf32> to vector<16xf32>
        %add3A_704 = arith.addf %add3A_694, %get3A_703 : vector<16xf32>
        %mul3A_705 = arith.mulf %get3A_703, %get3A_703 : vector<16xf32>
        %add3A_706 = arith.addf %add3A_696, %mul3A_705 : vector<16xf32>
        %max3A_707 = arith.maximumf %max3A_697, %get3A_703 : vector<16xf32>
        %swap3A_708 = arith.index_cast %scan3A_93 : i32 to index
        %swap3A_709 = arith.constant 32 : index
        %swap3A_710 = tpu.vector_load %arg10[%swap3A_708, %swap3A_709] {strides = array<i32>} : memref<8x192xf32, #tpu.memory_space<vmem>>, vector<1x16xf32>,
        %swap3A_711 = vector.shape_cast %swap3A_710 : vector<1x16xf32> to vector<16xf32>
        %swap3A_712 = vector.shape_cast %add3A_704 : vector<16xf32> to vector<1x16xf32>
        tpu.vector_store %arg10[%swap3A_708, %swap3A_709], %swap3A_712 {strides = array<i32>} : memref<8x192xf32, #tpu.memory_space<vmem>>, vector<1x16xf32>,
        %swap3A_713 = arith.index_cast %scan3A_93 : i32 to index
        %swap3A_714 = arith.constant 96 : index
        %swap3A_715 = tpu.vector_load %arg10[%swap3A_713, %swap3A_714] {strides = array<i32>} : memref<8x192xf32, #tpu.memory_space<vmem>>, vector<1x16xf32>,
        %swap3A_716 = vector.shape_cast %swap3A_715 : vector<1x16xf32> to vector<16xf32>
        %swap3A_717 = vector.shape_cast %add3A_706 : vector<16xf32> to vector<1x16xf32>
        tpu.vector_store %arg10[%swap3A_713, %swap3A_714], %swap3A_717 {strides = array<i32>} : memref<8x192xf32, #tpu.memory_space<vmem>>, vector<1x16xf32>,
        %swap3A_718 = arith.index_cast %scan3A_93 : i32 to index
        %swap3A_719 = arith.constant 160 : index
        %swap3A_720 = tpu.vector_load %arg10[%swap3A_718, %swap3A_719] {strides = array<i32>} : memref<8x192xf32, #tpu.memory_space<vmem>>, vector<1x16xf32>,
        %swap3A_721 = vector.shape_cast %swap3A_720 : vector<1x16xf32> to vector<16xf32>
        %swap3A_722 = vector.shape_cast %max3A_707 : vector<16xf32> to vector<1x16xf32>
        tpu.vector_store %arg10[%swap3A_718, %swap3A_719], %swap3A_722 {strides = array<i32>} : memref<8x192xf32, #tpu.memory_space<vmem>>, vector<1x16xf32>,
        %get3A_723 = arith.index_cast %mul3A_95 : i32 to index
        %get3A_724 = arith.constant 48 : index
        %get3A_725 = tpu.vector_load %arg8[%get3A_723, %get3A_724] {strides = array<i32>} : memref<160x64xf32, #tpu.memory_space<vmem>>, vector<1x16xf32>,
        %get3A_726 = vector.shape_cast %get3A_725 : vector<1x16xf32> to vector<16xf32>
        %mul3A_727 = arith.mulf %get3A_726, %get3A_726 : vector<16xf32>
        %add3A_728 = arith.constant 1 : i32
        %add3A_729 = arith.addi %mul3A_95, %add3A_728 : i32
        %get3A_730 = arith.index_cast %add3A_729 : i32 to index
        %get3A_731 = arith.constant 48 : index
        %get3A_732 = tpu.vector_load %arg8[%get3A_730, %get3A_731] {strides = array<i32>} : memref<160x64xf32, #tpu.memory_space<vmem>>, vector<1x16xf32>,
        %get3A_733 = vector.shape_cast %get3A_732 : vector<1x16xf32> to vector<16xf32>
        %add3A_734 = arith.addf %get3A_726, %get3A_733 : vector<16xf32>
        %mul3A_735 = arith.mulf %get3A_733, %get3A_733 : vector<16xf32>
        %add3A_736 = arith.addf %mul3A_727, %mul3A_735 : vector<16xf32>
        %max3A_737 = arith.maximumf %get3A_726, %get3A_733 : vector<16xf32>
        %add3A_738 = arith.constant 2 : i32
        %add3A_739 = arith.addi %mul3A_95, %add3A_738 : i32
        %get3A_740 = arith.index_cast %add3A_739 : i32 to index
        %get3A_741 = arith.constant 48 : index
        %get3A_742 = tpu.vector_load %arg8[%get3A_740, %get3A_741] {strides = array<i32>} : memref<160x64xf32, #tpu.memory_space<vmem>>, vector<1x16xf32>,
        %get3A_743 = vector.shape_cast %get3A_742 : vector<1x16xf32> to vector<16xf32>
        %add3A_744 = arith.addf %add3A_734, %get3A_743 : vector<16xf32>
        %mul3A_745 = arith.mulf %get3A_743, %get3A_743 : vector<16xf32>
        %add3A_746 = arith.addf %add3A_736, %mul3A_745 : vector<16xf32>
        %max3A_747 = arith.maximumf %max3A_737, %get3A_743 : vector<16xf32>
        %add3A_748 = arith.constant 3 : i32
        %add3A_749 = arith.addi %mul3A_95, %add3A_748 : i32
        %get3A_750 = arith.index_cast %add3A_749 : i32 to index
        %get3A_751 = arith.constant 48 : index
        %get3A_752 = tpu.vector_load %arg8[%get3A_750, %get3A_751] {strides = array<i32>} : memref<160x64xf32, #tpu.memory_space<vmem>>, vector<1x16xf32>,
        %get3A_753 = vector.shape_cast %get3A_752 : vector<1x16xf32> to vector<16xf32>
        %add3A_754 = arith.addf %add3A_744, %get3A_753 : vector<16xf32>
        %mul3A_755 = arith.mulf %get3A_753, %get3A_753 : vector<16xf32>
        %add3A_756 = arith.addf %add3A_746, %mul3A_755 : vector<16xf32>
        %max3A_757 = arith.maximumf %max3A_747, %get3A_753 : vector<16xf32>
        %add3A_758 = arith.constant 4 : i32
        %add3A_759 = arith.addi %mul3A_95, %add3A_758 : i32
        %get3A_760 = arith.index_cast %add3A_759 : i32 to index
        %get3A_761 = arith.constant 48 : index
        %get3A_762 = tpu.vector_load %arg8[%get3A_760, %get3A_761] {strides = array<i32>} : memref<160x64xf32, #tpu.memory_space<vmem>>, vector<1x16xf32>,
        %get3A_763 = vector.shape_cast %get3A_762 : vector<1x16xf32> to vector<16xf32>
        %add3A_764 = arith.addf %add3A_754, %get3A_763 : vector<16xf32>
        %mul3A_765 = arith.mulf %get3A_763, %get3A_763 : vector<16xf32>
        %add3A_766 = arith.addf %add3A_756, %mul3A_765 : vector<16xf32>
        %max3A_767 = arith.maximumf %max3A_757, %get3A_763 : vector<16xf32>
        %add3A_768 = arith.constant 5 : i32
        %add3A_769 = arith.addi %mul3A_95, %add3A_768 : i32
        %get3A_770 = arith.index_cast %add3A_769 : i32 to index
        %get3A_771 = arith.constant 48 : index
        %get3A_772 = tpu.vector_load %arg8[%get3A_770, %get3A_771] {strides = array<i32>} : memref<160x64xf32, #tpu.memory_space<vmem>>, vector<1x16xf32>,
        %get3A_773 = vector.shape_cast %get3A_772 : vector<1x16xf32> to vector<16xf32>
        %add3A_774 = arith.addf %add3A_764, %get3A_773 : vector<16xf32>
        %mul3A_775 = arith.mulf %get3A_773, %get3A_773 : vector<16xf32>
        %add3A_776 = arith.addf %add3A_766, %mul3A_775 : vector<16xf32>
        %max3A_777 = arith.maximumf %max3A_767, %get3A_773 : vector<16xf32>
        %add3A_778 = arith.constant 6 : i32
        %add3A_779 = arith.addi %mul3A_95, %add3A_778 : i32
        %get3A_780 = arith.index_cast %add3A_779 : i32 to index
        %get3A_781 = arith.constant 48 : index
        %get3A_782 = tpu.vector_load %arg8[%get3A_780, %get3A_781] {strides = array<i32>} : memref<160x64xf32, #tpu.memory_space<vmem>>, vector<1x16xf32>,
        %get3A_783 = vector.shape_cast %get3A_782 : vector<1x16xf32> to vector<16xf32>
        %add3A_784 = arith.addf %add3A_774, %get3A_783 : vector<16xf32>
        %mul3A_785 = arith.mulf %get3A_783, %get3A_783 : vector<16xf32>
        %add3A_786 = arith.addf %add3A_776, %mul3A_785 : vector<16xf32>
        %max3A_787 = arith.maximumf %max3A_777, %get3A_783 : vector<16xf32>
        %add3A_788 = arith.constant 7 : i32
        %add3A_789 = arith.addi %mul3A_95, %add3A_788 : i32
        %get3A_790 = arith.index_cast %add3A_789 : i32 to index
        %get3A_791 = arith.constant 48 : index
        %get3A_792 = tpu.vector_load %arg8[%get3A_790, %get3A_791] {strides = array<i32>} : memref<160x64xf32, #tpu.memory_space<vmem>>, vector<1x16xf32>,
        %get3A_793 = vector.shape_cast %get3A_792 : vector<1x16xf32> to vector<16xf32>
        %add3A_794 = arith.addf %add3A_784, %get3A_793 : vector<16xf32>
        %mul3A_795 = arith.mulf %get3A_793, %get3A_793 : vector<16xf32>
        %add3A_796 = arith.addf %add3A_786, %mul3A_795 : vector<16xf32>
        %max3A_797 = arith.maximumf %max3A_787, %get3A_793 : vector<16xf32>
        %add3A_798 = arith.constant 8 : i32
        %add3A_799 = arith.addi %mul3A_95, %add3A_798 : i32
        %get3A_800 = arith.index_cast %add3A_799 : i32 to index
        %get3A_801 = arith.constant 48 : index
        %get3A_802 = tpu.vector_load %arg8[%get3A_800, %get3A_801] {strides = array<i32>} : memref<160x64xf32, #tpu.memory_space<vmem>>, vector<1x16xf32>,
        %get3A_803 = vector.shape_cast %get3A_802 : vector<1x16xf32> to vector<16xf32>
        %add3A_804 = arith.addf %add3A_794, %get3A_803 : vector<16xf32>
        %mul3A_805 = arith.mulf %get3A_803, %get3A_803 : vector<16xf32>
        %add3A_806 = arith.addf %add3A_796, %mul3A_805 : vector<16xf32>
        %max3A_807 = arith.maximumf %max3A_797, %get3A_803 : vector<16xf32>
        %add3A_808 = arith.constant 9 : i32
        %add3A_809 = arith.addi %mul3A_95, %add3A_808 : i32
        %get3A_810 = arith.index_cast %add3A_809 : i32 to index
        %get3A_811 = arith.constant 48 : index
        %get3A_812 = tpu.vector_load %arg8[%get3A_810, %get3A_811] {strides = array<i32>} : memref<160x64xf32, #tpu.memory_space<vmem>>, vector<1x16xf32>,
        %get3A_813 = vector.shape_cast %get3A_812 : vector<1x16xf32> to vector<16xf32>
        %add3A_814 = arith.addf %add3A_804, %get3A_813 : vector<16xf32>
        %mul3A_815 = arith.mulf %get3A_813, %get3A_813 : vector<16xf32>
        %add3A_816 = arith.addf %add3A_806, %mul3A_815 : vector<16xf32>
        %max3A_817 = arith.maximumf %max3A_807, %get3A_813 : vector<16xf32>
        %add3A_818 = arith.constant 10 : i32
        %add3A_819 = arith.addi %mul3A_95, %add3A_818 : i32
        %get3A_820 = arith.index_cast %add3A_819 : i32 to index
        %get3A_821 = arith.constant 48 : index
        %get3A_822 = tpu.vector_load %arg8[%get3A_820, %get3A_821] {strides = array<i32>} : memref<160x64xf32, #tpu.memory_space<vmem>>, vector<1x16xf32>,
        %get3A_823 = vector.shape_cast %get3A_822 : vector<1x16xf32> to vector<16xf32>
        %add3A_824 = arith.addf %add3A_814, %get3A_823 : vector<16xf32>
        %mul3A_825 = arith.mulf %get3A_823, %get3A_823 : vector<16xf32>
        %add3A_826 = arith.addf %add3A_816, %mul3A_825 : vector<16xf32>
        %max3A_827 = arith.maximumf %max3A_817, %get3A_823 : vector<16xf32>
        %add3A_828 = arith.constant 11 : i32
        %add3A_829 = arith.addi %mul3A_95, %add3A_828 : i32
        %get3A_830 = arith.index_cast %add3A_829 : i32 to index
        %get3A_831 = arith.constant 48 : index
        %get3A_832 = tpu.vector_load %arg8[%get3A_830, %get3A_831] {strides = array<i32>} : memref<160x64xf32, #tpu.memory_space<vmem>>, vector<1x16xf32>,
        %get3A_833 = vector.shape_cast %get3A_832 : vector<1x16xf32> to vector<16xf32>
        %add3A_834 = arith.addf %add3A_824, %get3A_833 : vector<16xf32>
        %mul3A_835 = arith.mulf %get3A_833, %get3A_833 : vector<16xf32>
        %add3A_836 = arith.addf %add3A_826, %mul3A_835 : vector<16xf32>
        %max3A_837 = arith.maximumf %max3A_827, %get3A_833 : vector<16xf32>
        %add3A_838 = arith.constant 12 : i32
        %add3A_839 = arith.addi %mul3A_95, %add3A_838 : i32
        %get3A_840 = arith.index_cast %add3A_839 : i32 to index
        %get3A_841 = arith.constant 48 : index
        %get3A_842 = tpu.vector_load %arg8[%get3A_840, %get3A_841] {strides = array<i32>} : memref<160x64xf32, #tpu.memory_space<vmem>>, vector<1x16xf32>,
        %get3A_843 = vector.shape_cast %get3A_842 : vector<1x16xf32> to vector<16xf32>
        %add3A_844 = arith.addf %add3A_834, %get3A_843 : vector<16xf32>
        %mul3A_845 = arith.mulf %get3A_843, %get3A_843 : vector<16xf32>
        %add3A_846 = arith.addf %add3A_836, %mul3A_845 : vector<16xf32>
        %max3A_847 = arith.maximumf %max3A_837, %get3A_843 : vector<16xf32>
        %add3A_848 = arith.constant 13 : i32
        %add3A_849 = arith.addi %mul3A_95, %add3A_848 : i32
        %get3A_850 = arith.index_cast %add3A_849 : i32 to index
        %get3A_851 = arith.constant 48 : index
        %get3A_852 = tpu.vector_load %arg8[%get3A_850, %get3A_851] {strides = array<i32>} : memref<160x64xf32, #tpu.memory_space<vmem>>, vector<1x16xf32>,
        %get3A_853 = vector.shape_cast %get3A_852 : vector<1x16xf32> to vector<16xf32>
        %add3A_854 = arith.addf %add3A_844, %get3A_853 : vector<16xf32>
        %mul3A_855 = arith.mulf %get3A_853, %get3A_853 : vector<16xf32>
        %add3A_856 = arith.addf %add3A_846, %mul3A_855 : vector<16xf32>
        %max3A_857 = arith.maximumf %max3A_847, %get3A_853 : vector<16xf32>
        %add3A_858 = arith.constant 14 : i32
        %add3A_859 = arith.addi %mul3A_95, %add3A_858 : i32
        %get3A_860 = arith.index_cast %add3A_859 : i32 to index
        %get3A_861 = arith.constant 48 : index
        %get3A_862 = tpu.vector_load %arg8[%get3A_860, %get3A_861] {strides = array<i32>} : memref<160x64xf32, #tpu.memory_space<vmem>>, vector<1x16xf32>,
        %get3A_863 = vector.shape_cast %get3A_862 : vector<1x16xf32> to vector<16xf32>
        %add3A_864 = arith.addf %add3A_854, %get3A_863 : vector<16xf32>
        %mul3A_865 = arith.mulf %get3A_863, %get3A_863 : vector<16xf32>
        %add3A_866 = arith.addf %add3A_856, %mul3A_865 : vector<16xf32>
        %max3A_867 = arith.maximumf %max3A_857, %get3A_863 : vector<16xf32>
        %add3A_868 = arith.constant 15 : i32
        %add3A_869 = arith.addi %mul3A_95, %add3A_868 : i32
        %get3A_870 = arith.index_cast %add3A_869 : i32 to index
        %get3A_871 = arith.constant 48 : index
        %get3A_872 = tpu.vector_load %arg8[%get3A_870, %get3A_871] {strides = array<i32>} : memref<160x64xf32, #tpu.memory_space<vmem>>, vector<1x16xf32>,
        %get3A_873 = vector.shape_cast %get3A_872 : vector<1x16xf32> to vector<16xf32>
        %add3A_874 = arith.addf %add3A_864, %get3A_873 : vector<16xf32>
        %mul3A_875 = arith.mulf %get3A_873, %get3A_873 : vector<16xf32>
        %add3A_876 = arith.addf %add3A_866, %mul3A_875 : vector<16xf32>
        %max3A_877 = arith.maximumf %max3A_867, %get3A_873 : vector<16xf32>
        %add3A_878 = arith.constant 16 : i32
        %add3A_879 = arith.addi %mul3A_95, %add3A_878 : i32
        %get3A_880 = arith.index_cast %add3A_879 : i32 to index
        %get3A_881 = arith.constant 48 : index
        %get3A_882 = tpu.vector_load %arg8[%get3A_880, %get3A_881] {strides = array<i32>} : memref<160x64xf32, #tpu.memory_space<vmem>>, vector<1x16xf32>,
        %get3A_883 = vector.shape_cast %get3A_882 : vector<1x16xf32> to vector<16xf32>
        %add3A_884 = arith.addf %add3A_874, %get3A_883 : vector<16xf32>
        %mul3A_885 = arith.mulf %get3A_883, %get3A_883 : vector<16xf32>
        %add3A_886 = arith.addf %add3A_876, %mul3A_885 : vector<16xf32>
        %max3A_887 = arith.maximumf %max3A_877, %get3A_883 : vector<16xf32>
        %add3A_888 = arith.constant 17 : i32
        %add3A_889 = arith.addi %mul3A_95, %add3A_888 : i32
        %get3A_890 = arith.index_cast %add3A_889 : i32 to index
        %get3A_891 = arith.constant 48 : index
        %get3A_892 = tpu.vector_load %arg8[%get3A_890, %get3A_891] {strides = array<i32>} : memref<160x64xf32, #tpu.memory_space<vmem>>, vector<1x16xf32>,
        %get3A_893 = vector.shape_cast %get3A_892 : vector<1x16xf32> to vector<16xf32>
        %add3A_894 = arith.addf %add3A_884, %get3A_893 : vector<16xf32>
        %mul3A_895 = arith.mulf %get3A_893, %get3A_893 : vector<16xf32>
        %add3A_896 = arith.addf %add3A_886, %mul3A_895 : vector<16xf32>
        %max3A_897 = arith.maximumf %max3A_887, %get3A_893 : vector<16xf32>
        %add3A_898 = arith.constant 18 : i32
        %add3A_899 = arith.addi %mul3A_95, %add3A_898 : i32
        %get3A_900 = arith.index_cast %add3A_899 : i32 to index
        %get3A_901 = arith.constant 48 : index
        %get3A_902 = tpu.vector_load %arg8[%get3A_900, %get3A_901] {strides = array<i32>} : memref<160x64xf32, #tpu.memory_space<vmem>>, vector<1x16xf32>,
        %get3A_903 = vector.shape_cast %get3A_902 : vector<1x16xf32> to vector<16xf32>
        %add3A_904 = arith.addf %add3A_894, %get3A_903 : vector<16xf32>
        %mul3A_905 = arith.mulf %get3A_903, %get3A_903 : vector<16xf32>
        %add3A_906 = arith.addf %add3A_896, %mul3A_905 : vector<16xf32>
        %max3A_907 = arith.maximumf %max3A_897, %get3A_903 : vector<16xf32>
        %add3A_908 = arith.constant 19 : i32
        %add3A_909 = arith.addi %mul3A_95, %add3A_908 : i32
        %get3A_910 = arith.index_cast %add3A_909 : i32 to index
        %get3A_911 = arith.constant 48 : index
        %get3A_912 = tpu.vector_load %arg8[%get3A_910, %get3A_911] {strides = array<i32>} : memref<160x64xf32, #tpu.memory_space<vmem>>, vector<1x16xf32>,
        %get3A_913 = vector.shape_cast %get3A_912 : vector<1x16xf32> to vector<16xf32>
        %add3A_914 = arith.addf %add3A_904, %get3A_913 : vector<16xf32>
        %mul3A_915 = arith.mulf %get3A_913, %get3A_913 : vector<16xf32>
        %add3A_916 = arith.addf %add3A_906, %mul3A_915 : vector<16xf32>
        %max3A_917 = arith.maximumf %max3A_907, %get3A_913 : vector<16xf32>
        %swap3A_918 = arith.index_cast %scan3A_93 : i32 to index
        %swap3A_919 = arith.constant 48 : index
        %swap3A_920 = tpu.vector_load %arg10[%swap3A_918, %swap3A_919] {strides = array<i32>} : memref<8x192xf32, #tpu.memory_space<vmem>>, vector<1x16xf32>,
        %swap3A_921 = vector.shape_cast %swap3A_920 : vector<1x16xf32> to vector<16xf32>
        %swap3A_922 = vector.shape_cast %add3A_914 : vector<16xf32> to vector<1x16xf32>
        tpu.vector_store %arg10[%swap3A_918, %swap3A_919], %swap3A_922 {strides = array<i32>} : memref<8x192xf32, #tpu.memory_space<vmem>>, vector<1x16xf32>,
        %swap3A_923 = arith.index_cast %scan3A_93 : i32 to index
        %swap3A_924 = arith.constant 112 : index
        %swap3A_925 = tpu.vector_load %arg10[%swap3A_923, %swap3A_924] {strides = array<i32>} : memref<8x192xf32, #tpu.memory_space<vmem>>, vector<1x16xf32>,
        %swap3A_926 = vector.shape_cast %swap3A_925 : vector<1x16xf32> to vector<16xf32>
        %swap3A_927 = vector.shape_cast %add3A_916 : vector<16xf32> to vector<1x16xf32>
        tpu.vector_store %arg10[%swap3A_923, %swap3A_924], %swap3A_927 {strides = array<i32>} : memref<8x192xf32, #tpu.memory_space<vmem>>, vector<1x16xf32>,
        %swap3A_928 = arith.index_cast %scan3A_93 : i32 to index
        %swap3A_929 = arith.constant 176 : index
        %swap3A_930 = tpu.vector_load %arg10[%swap3A_928, %swap3A_929] {strides = array<i32>} : memref<8x192xf32, #tpu.memory_space<vmem>>, vector<1x16xf32>,
        %swap3A_931 = vector.shape_cast %swap3A_930 : vector<1x16xf32> to vector<16xf32>
        %swap3A_932 = vector.shape_cast %max3A_917 : vector<16xf32> to vector<1x16xf32>
        tpu.vector_store %arg10[%swap3A_928, %swap3A_929], %swap3A_932 {strides = array<i32>} : memref<8x192xf32, #tpu.memory_space<vmem>>, vector<1x16xf32>,
      }
      %scan3A_83 = arith.constant 8 : i32
      %add3A_84 = arith.constant 1 : i32
      %add3A_85 = arith.addi %mul3A_29, %add3A_84 : i32
      %mul3A_86 = arith.constant 8 : i32
      %mul3A_87 = arith.muli %add3A_85, %mul3A_86 : i32
      %add3A_88 = arith.addi %mul3A_2, %mul3A_87 : i32
      %dma_start3A_89 = arith.constant 0 : i32
      %dma_start3A_90 = tpu.memref_slice %arg4[%add3A_88, %dma_start3A_89] : memref<16384x192xf32, #tpu.memory_space<hbm>> -> memref<8x192xf32, #tpu.memory_space<hbm>>
      %dma_start3A_91 = arith.constant 0 : i32
      %dma_start3A_92 = tpu.memref_slice %arg4[%add3A_88, %dma_start3A_91] : memref<16384x192xf32, #tpu.memory_space<hbm>> -> memref<8x192xf32, #tpu.memory_space<hbm>>
      tpu.enqueue_dma source(%arg10 : memref<8x192xf32, #tpu.memory_space<vmem>>) target(%dma_start3A_92 : memref<8x192xf32, #tpu.memory_space<hbm>>) target_semaphore(%arg14 : memref<!tpu.dma_semaphore, #tpu.memory_space<semaphore_mem>>)
    }
    %scan3A_15 = arith.constant 32 : i32
    %dma_wait3A = arith.constant 0 : i32
    %dma_wait3A_16 = arith.constant 0 : i32
    %dma_wait3A_17 = tpu.memref_slice %arg4[%dma_wait3A, %dma_wait3A_16] : memref<16384x192xf32, #tpu.memory_space<hbm>> -> memref<8x192xf32, #tpu.memory_space<hbm>>
    %dma_wait3A_18 = arith.constant 0 : i32
    %dma_wait3A_19 = arith.constant 0 : i32
    %dma_wait3A_20 = tpu.memref_slice %arg4[%dma_wait3A_18, %dma_wait3A_19] : memref<16384x192xf32, #tpu.memory_space<hbm>> -> memref<8x192xf32, #tpu.memory_space<hbm>>
    tpu.wait_dma2 semaphore(%arg13 : memref<!tpu.dma_semaphore, #tpu.memory_space<semaphore_mem>>) src(%arg9 : memref<8x192xf32, #tpu.memory_space<vmem>>) dst(%dma_wait3A_20 : memref<8x192xf32, #tpu.memory_space<hbm>>)
    %dma_wait3A_21 = arith.constant 0 : i32
    %dma_wait3A_22 = arith.constant 0 : i32
    %dma_wait3A_23 = tpu.memref_slice %arg4[%dma_wait3A_21, %dma_wait3A_22] : memref<16384x192xf32, #tpu.memory_space<hbm>> -> memref<8x192xf32, #tpu.memory_space<hbm>>
    %dma_wait3A_24 = arith.constant 0 : i32
    %dma_wait3A_25 = arith.constant 0 : i32
    %dma_wait3A_26 = tpu.memref_slice %arg4[%dma_wait3A_24, %dma_wait3A_25] : memref<16384x192xf32, #tpu.memory_space<hbm>> -> memref<8x192xf32, #tpu.memory_space<hbm>>
    tpu.wait_dma2 semaphore(%arg14 : memref<!tpu.dma_semaphore, #tpu.memory_space<semaphore_mem>>) src(%arg10 : memref<8x192xf32, #tpu.memory_space<vmem>>) dst(%dma_wait3A_26 : memref<8x192xf32, #tpu.memory_space<hbm>>)
    return
  }
}

module attributes {stable_mosaic.version = 14 : i64} {
  func.func @_k1_body(%arg0: i32, %arg1: i32, %arg2: memref<1x256x16xf32, #tpu.memory_space<vmem>>, %arg3: memref<1x4096x16xf32, #tpu.memory_space<vmem>>, %arg4: memref<16x64xf32, #tpu.memory_space<vmem>>, %arg5: memref<16x64xf32, #tpu.memory_space<vmem>>, %arg6: memref<1x64xf32, #tpu.memory_space<vmem>>, %arg7: memref<1x256x20xi32, #tpu.memory_space<vmem>>, %arg8: memref<1x256x64xf32, #tpu.memory_space<vmem>>, %arg9: memref<1x256x64xf32, #tpu.memory_space<vmem>>, %arg10: memref<256x4096xf32, #tpu.memory_space<vmem>>) attributes {dimension_semantics = [#tpu.dimension_semantics<arbitrary>, #tpu.dimension_semantics<arbitrary>], iteration_bounds = array<i64: 4, 16>, scalar_prefetch = 0 : i64, scratch_operands = 1 : i64, tpu.core_type = #tpu.core_type<tc>, window_params = [{transform_indices = @transform_0, window_bounds = array<i64: 1, 256, 16>}, {transform_indices = @transform_1, window_bounds = array<i64: 1, 4096, 16>}, {pipeline_mode = #tpu.pipeline_mode<synchronous>, transform_indices = @transform_2, window_bounds = array<i64: 16, 64>}, {pipeline_mode = #tpu.pipeline_mode<synchronous>, transform_indices = @transform_3, window_bounds = array<i64: 16, 64>}, {pipeline_mode = #tpu.pipeline_mode<synchronous>, transform_indices = @transform_4, window_bounds = array<i64: 1, 64>}, {transform_indices = @transform_5, window_bounds = array<i64: 1, 256, 20>}, {transform_indices = @transform_6, window_bounds = array<i64: 1, 256, 64>}, {transform_indices = @transform_7, window_bounds = array<i64: 1, 256, 64>}]} {
    %get3A = arith.constant 0 : index
    %get3A_0 = arith.constant 0 : index
    %get3A_1 = arith.constant 0 : index
    %get3A_2 = vector.load %arg2[%get3A, %get3A_0, %get3A_1] : memref<1x256x16xf32, #tpu.memory_space<vmem>>, vector<1x256x16xf32>
    %get3A_3 = vector.shape_cast %get3A_2 : vector<1x256x16xf32> to vector<256x16xf32>
    %get3A_4 = arith.constant 0 : index
    %get3A_5 = arith.constant 0 : index
    %get3A_6 = arith.constant 0 : index
    %get3A_7 = vector.load %arg3[%get3A_4, %get3A_5, %get3A_6] : memref<1x4096x16xf32, #tpu.memory_space<vmem>>, vector<1x4096x16xf32>
    %get3A_8 = vector.shape_cast %get3A_7 : vector<1x4096x16xf32> to vector<4096x16xf32>
    %mul3A = arith.mulf %get3A_3, %get3A_3 : vector<256x16xf32>
    %reduce_sum3A = arith.constant dense<0.000000e+00> : vector<256xf32>
    %reduce_sum3A_9 = vector.multi_reduction <add>, %mul3A, %reduce_sum3A [1] : vector<256x16xf32> to vector<256xf32>
    %broadcast_in_dim3A = vector.shape_cast %reduce_sum3A_9 : vector<256xf32> to vector<256x1xf32>
    %mul3A_10 = arith.mulf %get3A_8, %get3A_8 : vector<4096x16xf32>
    %reduce_sum3A_11 = arith.constant dense<0.000000e+00> : vector<4096xf32>
    %reduce_sum3A_12 = vector.multi_reduction <add>, %mul3A_10, %reduce_sum3A_11 [1] : vector<4096x16xf32> to vector<4096xf32>
    %broadcast_in_dim3A_13 = vector.shape_cast %reduce_sum3A_12 : vector<4096xf32> to vector<1x4096xf32>
    %dot_general3A = arith.constant dense<0.000000e+00> : vector<256x4096xf32>
    %dot_general3A_14 = tpu.matmul %get3A_3, %get3A_8, %dot_general3A {dimension_numbers = #tpu.dot_dimension_numbers<[1], [1], [0], [0], [0, 0, 1, 0], [], []>, transpose_lhs_hint = false} : vector<256x16xf32>, vector<4096x16xf32>, vector<256x4096xf32> -> vector<256x4096xf32>
    %add3A = vector.broadcast %broadcast_in_dim3A : vector<256x1xf32> to vector<256x4096xf32>
    %add3A_15 = vector.broadcast %broadcast_in_dim3A_13 : vector<1x4096xf32> to vector<256x4096xf32>
    %add3A_16 = arith.addf %add3A, %add3A_15 : vector<256x4096xf32>
    %mul3A_17 = arith.constant 2.000000e+00 : f32
    %mul3A_18 = vector.broadcast %mul3A_17 : f32 to vector<256x4096xf32>
    %mul3A_19 = arith.mulf %mul3A_18, %dot_general3A_14 : vector<256x4096xf32>
    %sub3A = arith.subf %add3A_16, %mul3A_19 : vector<256x4096xf32>
    %swap3A = arith.constant 0 : index
    %swap3A_20 = arith.constant 0 : index
    %swap3A_21 = vector.load %arg10[%swap3A, %swap3A_20] : memref<256x4096xf32, #tpu.memory_space<vmem>>, vector<256x4096xf32>
    tpu.vector_store %arg10[%swap3A, %swap3A_20], %sub3A {strides = array<i32>} : memref<256x4096xf32, #tpu.memory_space<vmem>>, vector<256x4096xf32>,
    %iota3A = tpu.iota {dimensions = array<i32: 1>} : vector<256x4096xi32>
    %iota3A_22 = tpu.iota {dimensions = array<i32: 1>} : vector<256x32xi32>
    %broadcast_in_dim3A_23 = arith.constant 0 : i32
    %broadcast_in_dim3A_24 = vector.broadcast %broadcast_in_dim3A_23 : i32 to vector<256x32xi32>
    %scan3A = arith.constant 0 : i32
    %scan3A_25 = arith.constant 20 : i32
    %scan3A_26 = arith.addi %scan3A, %scan3A_25 : i32
    %scan3A_27 = arith.constant 1 : i32
    %scan3A_28 = scf.for %scan3A_67 = %scan3A to %scan3A_26 step %scan3A_27 iter_args(%scan3A_68 = %broadcast_in_dim3A_24) -> (vector<256x32xi32>)  : i32 {
      %get3A_69 = arith.constant 0 : index
      %get3A_70 = arith.constant 0 : index
      %get3A_71 = vector.load %arg10[%get3A_69, %get3A_70] : memref<256x4096xf32, #tpu.memory_space<vmem>>, vector<256x4096xf32>
      %reduce_max3A = arith.constant dense<0xFF800000> : vector<256xf32>
      %reduce_max3A_72 = vector.multi_reduction <maximumf>, %get3A_71, %reduce_max3A [1] : vector<256x4096xf32> to vector<256xf32>
      %broadcast_in_dim3A_73 = vector.shape_cast %reduce_max3A_72 : vector<256xf32> to vector<256x1xf32>
      %eq3A = vector.broadcast %broadcast_in_dim3A_73 : vector<256x1xf32> to vector<256x4096xf32>
      %eq3A_74 = arith.cmpf oeq, %get3A_71, %eq3A : vector<256x4096xf32>
      %jit3A = arith.constant 4096 : i32
      %broadcast_in_dim3A_75 = vector.broadcast %jit3A : i32 to vector<256x4096xi32>
      %select_n3A = arith.select %eq3A_74, %iota3A, %broadcast_in_dim3A_75 : vector<256x4096xi1>, vector<256x4096xi32>
      %reduce_min3A = arith.constant dense<2147483647> : vector<256xi32>
      %reduce_min3A_76 = vector.multi_reduction <minsi>, %select_n3A, %reduce_min3A [1] : vector<256x4096xi32> to vector<256xi32>
      %broadcast_in_dim3A_77 = vector.shape_cast %reduce_min3A_76 : vector<256xi32> to vector<256x1xi32>
      %eq3A_78 = vector.broadcast %scan3A_67 : i32 to vector<256x32xi32>
      %eq3A_79 = arith.cmpi eq, %iota3A_22, %eq3A_78 : vector<256x32xi32>
      %broadcast_in_dim3A_80 = vector.shape_cast %broadcast_in_dim3A_77 : vector<256x1xi32> to vector<256x1xi32>
      %broadcast_in_dim3A_81 = vector.broadcast %broadcast_in_dim3A_80 : vector<256x1xi32> to vector<256x32xi32>
      %select_n3A_82 = arith.select %eq3A_79, %broadcast_in_dim3A_81, %scan3A_68 : vector<256x32xi1>, vector<256x32xi32>
      %eq3A_83 = vector.broadcast %broadcast_in_dim3A_77 : vector<256x1xi32> to vector<256x4096xi32>
      %eq3A_84 = arith.cmpi eq, %iota3A, %eq3A_83 : vector<256x4096xi32>
      %jit3A_85 = arith.constant 0xFF800000 : f32
      %broadcast_in_dim3A_86 = vector.broadcast %jit3A_85 : f32 to vector<256x4096xf32>
      %select_n3A_87 = arith.select %eq3A_84, %broadcast_in_dim3A_86, %get3A_71 : vector<256x4096xi1>, vector<256x4096xf32>
      %swap3A_88 = arith.constant 0 : index
      %swap3A_89 = arith.constant 0 : index
      %swap3A_90 = vector.load %arg10[%swap3A_88, %swap3A_89] : memref<256x4096xf32, #tpu.memory_space<vmem>>, vector<256x4096xf32>
      tpu.vector_store %arg10[%swap3A_88, %swap3A_89], %select_n3A_87 {strides = array<i32>} : memref<256x4096xf32, #tpu.memory_space<vmem>>, vector<256x4096xf32>,
      scf.yield %select_n3A_82 : vector<256x32xi32>
    }
    %scan3A_29 = arith.constant 20 : i32
    %slice3A = vector.extract_strided_slice %scan3A_28 {offsets = [0, 0], sizes = [256, 20], strides = [1, 1]} : vector<256x32xi32> to vector<256x20xi32>
    %mul3A_30 = arith.constant 4096 : i32
    %mul3A_31 = arith.muli %arg0, %mul3A_30 : i32
    %add3A_32 = vector.broadcast %mul3A_31 : i32 to vector<256x20xi32>
    %add3A_33 = arith.addi %slice3A, %add3A_32 : vector<256x20xi32>
    %swap3A_34 = arith.constant 0 : index
    %swap3A_35 = arith.constant 0 : index
    %swap3A_36 = arith.constant 0 : index
    %swap3A_37 = vector.load %arg7[%swap3A_34, %swap3A_35, %swap3A_36] : memref<1x256x20xi32, #tpu.memory_space<vmem>>, vector<1x256x20xi32>
    %swap3A_38 = vector.shape_cast %swap3A_37 : vector<1x256x20xi32> to vector<256x20xi32>
    %swap3A_39 = vector.shape_cast %add3A_33 : vector<256x20xi32> to vector<1x256x20xi32>
    tpu.vector_store %arg7[%swap3A_34, %swap3A_35, %swap3A_36], %swap3A_39 {strides = array<i32>} : memref<1x256x20xi32, #tpu.memory_space<vmem>>, vector<1x256x20xi32>,
    %get3A_40 = arith.constant 0 : index
    %get3A_41 = arith.constant 0 : index
    %get3A_42 = vector.load %arg4[%get3A_40, %get3A_41] : memref<16x64xf32, #tpu.memory_space<vmem>>, vector<16x64xf32>
    %dot_general3A_43 = arith.constant dense<0.000000e+00> : vector<256x64xf32>
    %dot_general3A_44 = tpu.matmul %get3A_3, %get3A_42, %dot_general3A_43 {dimension_numbers = #tpu.dot_dimension_numbers<[1], [0], [0], [1], [0, 0, 1, 1], [], []>, precision = #tpu.contract_precision<fp32>, transpose_lhs_hint = false} : vector<256x16xf32>, vector<16x64xf32>, vector<256x64xf32> -> vector<256x64xf32>
    %get3A_45 = arith.constant 0 : index
    %get3A_46 = arith.constant 0 : index
    %get3A_47 = vector.load %arg6[%get3A_45, %get3A_46] : memref<1x64xf32, #tpu.memory_space<vmem>>, vector<1x64xf32>
    %add3A_48 = vector.broadcast %get3A_47 : vector<1x64xf32> to vector<256x64xf32>
    %add3A_49 = arith.addf %dot_general3A_44, %add3A_48 : vector<256x64xf32>
    %swap3A_50 = arith.constant 0 : index
    %swap3A_51 = arith.constant 0 : index
    %swap3A_52 = arith.constant 0 : index
    %swap3A_53 = vector.load %arg8[%swap3A_50, %swap3A_51, %swap3A_52] : memref<1x256x64xf32, #tpu.memory_space<vmem>>, vector<1x256x64xf32>
    %swap3A_54 = vector.shape_cast %swap3A_53 : vector<1x256x64xf32> to vector<256x64xf32>
    %swap3A_55 = vector.shape_cast %add3A_49 : vector<256x64xf32> to vector<1x256x64xf32>
    tpu.vector_store %arg8[%swap3A_50, %swap3A_51, %swap3A_52], %swap3A_55 {strides = array<i32>} : memref<1x256x64xf32, #tpu.memory_space<vmem>>, vector<1x256x64xf32>,
    %get3A_56 = arith.constant 0 : index
    %get3A_57 = arith.constant 0 : index
    %get3A_58 = vector.load %arg5[%get3A_56, %get3A_57] : memref<16x64xf32, #tpu.memory_space<vmem>>, vector<16x64xf32>
    %dot_general3A_59 = arith.constant dense<0.000000e+00> : vector<256x64xf32>
    %dot_general3A_60 = tpu.matmul %get3A_3, %get3A_58, %dot_general3A_59 {dimension_numbers = #tpu.dot_dimension_numbers<[1], [0], [0], [1], [0, 0, 1, 1], [], []>, precision = #tpu.contract_precision<fp32>, transpose_lhs_hint = false} : vector<256x16xf32>, vector<16x64xf32>, vector<256x64xf32> -> vector<256x64xf32>
    %swap3A_61 = arith.constant 0 : index
    %swap3A_62 = arith.constant 0 : index
    %swap3A_63 = arith.constant 0 : index
    %swap3A_64 = vector.load %arg9[%swap3A_61, %swap3A_62, %swap3A_63] : memref<1x256x64xf32, #tpu.memory_space<vmem>>, vector<1x256x64xf32>
    %swap3A_65 = vector.shape_cast %swap3A_64 : vector<1x256x64xf32> to vector<256x64xf32>
    %swap3A_66 = vector.shape_cast %dot_general3A_60 : vector<256x64xf32> to vector<1x256x64xf32>
    tpu.vector_store %arg9[%swap3A_61, %swap3A_62, %swap3A_63], %swap3A_66 {strides = array<i32>} : memref<1x256x64xf32, #tpu.memory_space<vmem>>, vector<1x256x64xf32>,
    return
  }
  func.func @transform_0(%arg0: i32, %arg1: i32) -> (i32, i32, i32) {
    %c0_i32 = arith.constant 0 : i32
    %c0_i32_0 = arith.constant 0 : i32
    return %arg0, %arg1, %c0_i32 : i32, i32, i32
  }
  func.func @transform_1(%arg0: i32, %arg1: i32) -> (i32, i32, i32) {
    %c0_i32 = arith.constant 0 : i32
    %c0_i32_0 = arith.constant 0 : i32
    %c0_i32_1 = arith.constant 0 : i32
    return %arg0, %c0_i32, %c0_i32_0 : i32, i32, i32
  }
  func.func @transform_2(%arg0: i32, %arg1: i32) -> (i32, i32) {
    %c0_i32 = arith.constant 0 : i32
    %c0_i32_0 = arith.constant 0 : i32
    %c0_i32_1 = arith.constant 0 : i32
    return %c0_i32, %c0_i32_0 : i32, i32
  }
  func.func @transform_3(%arg0: i32, %arg1: i32) -> (i32, i32) {
    %c0_i32 = arith.constant 0 : i32
    %c0_i32_0 = arith.constant 0 : i32
    %c0_i32_1 = arith.constant 0 : i32
    return %c0_i32, %c0_i32_0 : i32, i32
  }
  func.func @transform_4(%arg0: i32, %arg1: i32) -> (i32, i32) {
    %c0_i32 = arith.constant 0 : i32
    %c0_i32_0 = arith.constant 0 : i32
    %c0_i32_1 = arith.constant 0 : i32
    return %c0_i32, %c0_i32_0 : i32, i32
  }
  func.func @transform_5(%arg0: i32, %arg1: i32) -> (i32, i32, i32) {
    %c0_i32 = arith.constant 0 : i32
    %c0_i32_0 = arith.constant 0 : i32
    return %arg0, %arg1, %c0_i32 : i32, i32, i32
  }
  func.func @transform_6(%arg0: i32, %arg1: i32) -> (i32, i32, i32) {
    %c0_i32 = arith.constant 0 : i32
    %c0_i32_0 = arith.constant 0 : i32
    return %arg0, %arg1, %c0_i32 : i32, i32, i32
  }
  func.func @transform_7(%arg0: i32, %arg1: i32) -> (i32, i32, i32) {
    %c0_i32 = arith.constant 0 : i32
    %c0_i32_0 = arith.constant 0 : i32
    return %arg0, %arg1, %c0_i32 : i32, i32, i32
  }
}

module attributes {stable_mosaic.version = 14 : i64} {
  func.func @_k3_body(%arg0: memref<16384x64xf32, #tpu.memory_space<vmem>>, %arg1: memref<16384x64xf32, #tpu.memory_space<vmem>>, %arg2: memref<16384x64xf32, #tpu.memory_space<vmem>>, %arg3: memref<1x64xf32, #tpu.memory_space<vmem>>, %arg4: memref<1x64xf32, #tpu.memory_space<vmem>>, %arg5: memref<1x64xf32, #tpu.memory_space<vmem>>, %arg6: memref<1x64xf32, #tpu.memory_space<vmem>>) attributes {dimension_semantics = [], scalar_prefetch = 0 : i64, scratch_operands = 0 : i64, tpu.core_type = #tpu.core_type<tc>} {
    %get3A = arith.constant 0 : index
    %get3A_0 = arith.constant 0 : index
    %get3A_1 = vector.load %arg0[%get3A, %get3A_0] : memref<16384x64xf32, #tpu.memory_space<vmem>>, vector<16384x64xf32>
    %get3A_2 = arith.constant 0 : index
    %get3A_3 = arith.constant 0 : index
    %get3A_4 = vector.load %arg1[%get3A_2, %get3A_3] : memref<16384x64xf32, #tpu.memory_space<vmem>>, vector<16384x64xf32>
    %get3A_5 = arith.constant 0 : index
    %get3A_6 = arith.constant 0 : index
    %get3A_7 = vector.load %arg2[%get3A_5, %get3A_6] : memref<16384x64xf32, #tpu.memory_space<vmem>>, vector<16384x64xf32>
    %reduce_sum3A = arith.constant dense<0.000000e+00> : vector<64xf32>
    %reduce_sum3A_8 = vector.multi_reduction <add>, %get3A_1, %reduce_sum3A [0] : vector<16384x64xf32> to vector<64xf32>
    %broadcast_in_dim3A = vector.shape_cast %reduce_sum3A_8 : vector<64xf32> to vector<1x64xf32>
    %reduce_sum3A_9 = arith.constant dense<0.000000e+00> : vector<64xf32>
    %reduce_sum3A_10 = vector.multi_reduction <add>, %get3A_4, %reduce_sum3A_9 [0] : vector<16384x64xf32> to vector<64xf32>
    %broadcast_in_dim3A_11 = vector.shape_cast %reduce_sum3A_10 : vector<64xf32> to vector<1x64xf32>
    %mul3A = arith.constant 2.000000e+01 : f32
    %mul3A_12 = vector.broadcast %mul3A : f32 to vector<1x64xf32>
    %mul3A_13 = arith.mulf %mul3A_12, %broadcast_in_dim3A : vector<1x64xf32>
    %add3A = arith.addf %mul3A_13, %broadcast_in_dim3A_11 : vector<1x64xf32>
    %div3A = arith.constant 3.276800e+05 : f32
    %div3A_14 = vector.broadcast %div3A : f32 to vector<1x64xf32>
    %div3A_15 = arith.divf %add3A, %div3A_14 : vector<1x64xf32>
    %mul3A_16 = arith.mulf %get3A_1, %get3A_1 : vector<16384x64xf32>
    %reduce_sum3A_17 = arith.constant dense<0.000000e+00> : vector<64xf32>
    %reduce_sum3A_18 = vector.multi_reduction <add>, %mul3A_16, %reduce_sum3A_17 [0] : vector<16384x64xf32> to vector<64xf32>
    %broadcast_in_dim3A_19 = vector.shape_cast %reduce_sum3A_18 : vector<64xf32> to vector<1x64xf32>
    %mul3A_20 = arith.constant 2.000000e+01 : f32
    %mul3A_21 = vector.broadcast %mul3A_20 : f32 to vector<1x64xf32>
    %mul3A_22 = arith.mulf %mul3A_21, %broadcast_in_dim3A_19 : vector<1x64xf32>
    %mul3A_23 = arith.mulf %get3A_1, %get3A_4 : vector<16384x64xf32>
    %reduce_sum3A_24 = arith.constant dense<0.000000e+00> : vector<64xf32>
    %reduce_sum3A_25 = vector.multi_reduction <add>, %mul3A_23, %reduce_sum3A_24 [0] : vector<16384x64xf32> to vector<64xf32>
    %broadcast_in_dim3A_26 = vector.shape_cast %reduce_sum3A_25 : vector<64xf32> to vector<1x64xf32>
    %mul3A_27 = arith.constant 2.000000e+00 : f32
    %mul3A_28 = vector.broadcast %mul3A_27 : f32 to vector<1x64xf32>
    %mul3A_29 = arith.mulf %mul3A_28, %broadcast_in_dim3A_26 : vector<1x64xf32>
    %add3A_30 = arith.addf %mul3A_22, %mul3A_29 : vector<1x64xf32>
    %reduce_sum3A_31 = arith.constant dense<0.000000e+00> : vector<64xf32>
    %reduce_sum3A_32 = vector.multi_reduction <add>, %get3A_7, %reduce_sum3A_31 [0] : vector<16384x64xf32> to vector<64xf32>
    %broadcast_in_dim3A_33 = vector.shape_cast %reduce_sum3A_32 : vector<64xf32> to vector<1x64xf32>
    %add3A_34 = arith.addf %add3A_30, %broadcast_in_dim3A_33 : vector<1x64xf32>
    %div3A_35 = arith.constant 3.276800e+05 : f32
    %div3A_36 = vector.broadcast %div3A_35 : f32 to vector<1x64xf32>
    %div3A_37 = arith.divf %add3A_34, %div3A_36 : vector<1x64xf32>
    %mul3A_38 = arith.mulf %div3A_15, %div3A_15 : vector<1x64xf32>
    %sub3A = arith.subf %div3A_37, %mul3A_38 : vector<1x64xf32>
    %add3A_39 = arith.constant 9.99999974E-6 : f32
    %add3A_40 = vector.broadcast %add3A_39 : f32 to vector<1x64xf32>
    %add3A_41 = arith.addf %sub3A, %add3A_40 : vector<1x64xf32>
    %rsqrt3A = math.rsqrt %add3A_41 : vector<1x64xf32>
    %get3A_42 = arith.constant 0 : index
    %get3A_43 = arith.constant 0 : index
    %get3A_44 = vector.load %arg3[%get3A_42, %get3A_43] : memref<1x64xf32, #tpu.memory_space<vmem>>, vector<1x64xf32>
    %mul3A_45 = arith.mulf %get3A_44, %rsqrt3A : vector<1x64xf32>
    %swap3A = arith.constant 0 : index
    %swap3A_46 = arith.constant 0 : index
    %swap3A_47 = vector.load %arg5[%swap3A, %swap3A_46] : memref<1x64xf32, #tpu.memory_space<vmem>>, vector<1x64xf32>
    tpu.vector_store %arg5[%swap3A, %swap3A_46], %mul3A_45 {strides = array<i32>} : memref<1x64xf32, #tpu.memory_space<vmem>>, vector<1x64xf32>,
    %get3A_48 = arith.constant 0 : index
    %get3A_49 = arith.constant 0 : index
    %get3A_50 = vector.load %arg4[%get3A_48, %get3A_49] : memref<1x64xf32, #tpu.memory_space<vmem>>, vector<1x64xf32>
    %mul3A_51 = arith.mulf %div3A_15, %mul3A_45 : vector<1x64xf32>
    %sub3A_52 = arith.subf %get3A_50, %mul3A_51 : vector<1x64xf32>
    %swap3A_53 = arith.constant 0 : index
    %swap3A_54 = arith.constant 0 : index
    %swap3A_55 = vector.load %arg6[%swap3A_53, %swap3A_54] : memref<1x64xf32, #tpu.memory_space<vmem>>, vector<1x64xf32>
    tpu.vector_store %arg6[%swap3A_53, %swap3A_54], %sub3A_52 {strides = array<i32>} : memref<1x64xf32, #tpu.memory_space<vmem>>, vector<1x64xf32>,
    return
  }
}

module attributes {stable_mosaic.version = 14 : i64} {
  func.func @_k4_body(%arg0: i32, %arg1: i32, %arg2: memref<512x64xf32, #tpu.memory_space<vmem>>, %arg3: memref<512x64xf32, #tpu.memory_space<vmem>>, %arg4: memref<1x64xf32, #tpu.memory_space<vmem>>, %arg5: memref<1x64xf32, #tpu.memory_space<vmem>>, %arg6: memref<1x64x512xf32, #tpu.memory_space<vmem>>) attributes {dimension_semantics = [#tpu.dimension_semantics<arbitrary>, #tpu.dimension_semantics<arbitrary>], iteration_bounds = array<i64: 4, 8>, scalar_prefetch = 0 : i64, scratch_operands = 0 : i64, tpu.core_type = #tpu.core_type<tc>, window_params = [{transform_indices = @transform_0, window_bounds = array<i64: 512, 64>}, {transform_indices = @transform_1, window_bounds = array<i64: 512, 64>}, {pipeline_mode = #tpu.pipeline_mode<synchronous>, transform_indices = @transform_2, window_bounds = array<i64: 1, 64>}, {pipeline_mode = #tpu.pipeline_mode<synchronous>, transform_indices = @transform_3, window_bounds = array<i64: 1, 64>}, {transform_indices = @transform_4, window_bounds = array<i64: 1, 64, 512>}]} {
    %get3A = arith.constant 0 : index
    %get3A_0 = arith.constant 0 : index
    %get3A_1 = vector.load %arg4[%get3A, %get3A_0] : memref<1x64xf32, #tpu.memory_space<vmem>>, vector<1x64xf32>
    %get3A_2 = arith.constant 0 : index
    %get3A_3 = arith.constant 0 : index
    %get3A_4 = vector.load %arg3[%get3A_2, %get3A_3] : memref<512x64xf32, #tpu.memory_space<vmem>>, vector<512x64xf32>
    %get3A_5 = arith.constant 0 : index
    %get3A_6 = arith.constant 0 : index
    %get3A_7 = vector.load %arg2[%get3A_5, %get3A_6] : memref<512x64xf32, #tpu.memory_space<vmem>>, vector<512x64xf32>
    %add3A = arith.addf %get3A_7, %get3A_4 : vector<512x64xf32>
    %mul3A = vector.broadcast %get3A_1 : vector<1x64xf32> to vector<512x64xf32>
    %mul3A_8 = arith.mulf %mul3A, %add3A : vector<512x64xf32>
    %get3A_9 = arith.constant 0 : index
    %get3A_10 = arith.constant 0 : index
    %get3A_11 = vector.load %arg5[%get3A_9, %get3A_10] : memref<1x64xf32, #tpu.memory_space<vmem>>, vector<1x64xf32>
    %add3A_12 = vector.broadcast %get3A_11 : vector<1x64xf32> to vector<512x64xf32>
    %add3A_13 = arith.addf %mul3A_8, %add3A_12 : vector<512x64xf32>
    %gt3A = arith.constant 0.000000e+00 : f32
    %gt3A_14 = vector.broadcast %gt3A : f32 to vector<512x64xf32>
    %gt3A_15 = arith.cmpf ogt, %add3A_13, %gt3A_14 : vector<512x64xf32>
    %mul3A_16 = arith.constant 2.000000e-01 : f32
    %mul3A_17 = vector.broadcast %mul3A_16 : f32 to vector<512x64xf32>
    %mul3A_18 = arith.mulf %mul3A_17, %add3A_13 : vector<512x64xf32>
    %select_n3A = arith.select %gt3A_15, %add3A_13, %mul3A_18 : vector<512x64xi1>, vector<512x64xf32>
    %transpose3A = tpu.transpose %select_n3A, [1, 0] : vector<512x64xf32> -> vector<64x512xf32>
    %swap3A = arith.constant 0 : index
    %swap3A_19 = arith.constant 0 : index
    %swap3A_20 = arith.constant 0 : index
    %swap3A_21 = vector.load %arg6[%swap3A, %swap3A_19, %swap3A_20] : memref<1x64x512xf32, #tpu.memory_space<vmem>>, vector<1x64x512xf32>
    %swap3A_22 = vector.shape_cast %swap3A_21 : vector<1x64x512xf32> to vector<64x512xf32>
    %swap3A_23 = vector.shape_cast %transpose3A : vector<64x512xf32> to vector<1x64x512xf32>
    tpu.vector_store %arg6[%swap3A, %swap3A_19, %swap3A_20], %swap3A_23 {strides = array<i32>} : memref<1x64x512xf32, #tpu.memory_space<vmem>>, vector<1x64x512xf32>,
    return
  }
  func.func @transform_0(%arg0: i32, %arg1: i32) -> (i32, i32) {
    %mul3A = arith.constant 8 : i32
    %mul3A_0 = arith.muli %arg0, %mul3A : i32
    %add3A = arith.addi %mul3A_0, %arg1 : i32
    %c0_i32 = arith.constant 0 : i32
    %c0_i32_1 = arith.constant 0 : i32
    return %add3A, %c0_i32 : i32, i32
  }
  func.func @transform_1(%arg0: i32, %arg1: i32) -> (i32, i32) {
    %mul3A = arith.constant 8 : i32
    %mul3A_0 = arith.muli %arg0, %mul3A : i32
    %add3A = arith.addi %mul3A_0, %arg1 : i32
    %c0_i32 = arith.constant 0 : i32
    %c0_i32_1 = arith.constant 0 : i32
    return %add3A, %c0_i32 : i32, i32
  }
  func.func @transform_2(%arg0: i32, %arg1: i32) -> (i32, i32) {
    %c0_i32 = arith.constant 0 : i32
    %c0_i32_0 = arith.constant 0 : i32
    %c0_i32_1 = arith.constant 0 : i32
    return %c0_i32, %c0_i32_0 : i32, i32
  }
  func.func @transform_3(%arg0: i32, %arg1: i32) -> (i32, i32) {
    %c0_i32 = arith.constant 0 : i32
    %c0_i32_0 = arith.constant 0 : i32
    %c0_i32_1 = arith.constant 0 : i32
    return %c0_i32, %c0_i32_0 : i32, i32
  }
  func.func @transform_4(%arg0: i32, %arg1: i32) -> (i32, i32, i32) {
    %c0_i32 = arith.constant 0 : i32
    %c0_i32_0 = arith.constant 0 : i32
    return %arg0, %c0_i32, %arg1 : i32, i32, i32
  }
}

</mosaic_0001>

<sc_bundles>
// kernel: kernel.6.cloned.1.call-start
scs
__scs_entry_jumppad:
0x0: {  	(pc) =	sbr.rel $0x88, $3  }
0x1: {  	(tag) =	ssettag $0x0;
	lr =	simm.s32 $0x1  }
0x2: {  	[smem:$0x3F9C] =	sst lr;
	_ =	strace $0xD0000000  }
0x3: {  	_ = 	snop  }
0x4: {  	_ = 	snop  }
0x5: {  	_ = 	snop  }
0x6: {  	_ = 	snop  }
0x7: {  	_ = 	snop  }
__scs_overlays_trampoline_lowered:
0x8: {  	[smem:$0x3FAB] =	sst s0  }
0x9: {  	[smem:$0x3FAC] =	sst s1  }
0xa: {  	[smem:$0x3FAD] =	sst s2  }
0xb: {  	[smem:$0x3FAE] =	sst s3  }
0xc: {  	[smem:$0x3FAF] =	sst s4  }
0xd: {  	[smem:$0x3FB0] =	sst s5  }
0xe: {  	[smem:$0x3FB1] =	sst s6  }
0xf: {  	[smem:$0x3FB2] =	sst s7  }
0x10: {  	[smem:$0x3FB3] =	sst s8  }
0x11: {  	[smem:$0x3FB4] =	sst s9;
	s0 =	simm.s32 @!p0 $0x0  }
0x12: {  	s1 =	sld [smem:$0x3F9A];
	s0 =	simm.s32 @p0 $0x1  }
0x13: {  	[smem:$0x3FB5] =	sst s0;
	s0 =	simm.s32 @!p1 $0x0  }
0x14: {  	s2 =	sld [smem:$0x3F99];
	s0 =	simm.s32 @p1 $0x1  }
0x15: {  	[smem:$0x3FB6] =	sst s0;
	s0 =	simm.s32 @!p2 $0x0  }
0x16: {  	s3 =	sld [smem:$0x3FDB];
	s0 =	simm.s32 @p2 $0x1  }
0x17: {  	s4 =	simm.s32 $0x1BF5;
	[smem:$0x3FB8] =	sst s0  }
0x18: {  	s0 =	sld [smem:$0x3F9B];
	_ =	swait.ge [sflag:s4], $0x0  }
0x19: {  	s7 =	sld [smem:$0x3F9C]  }
0x1a: {  	s8 =	sadd.s32 $0xFFFFE003, lr  }
0x1b: {  	s9 =	sadd.s32 $0xFFFFFEF7, lr;
	s5 =	simm.s32 $0xFFFFFFFF;
	p2 =	slt.u32 s8, $0xFFFFF086  }
0x1c: {  	p1 =	slt.u32 s9, $0xF7A;
	s5 =	simm.s32 @!p2 $0x0  }
0x1d: {  	s5 =	simm.s32 @p1 $0x1;
	p0 =	seq.s32 s7, s2  }
0x1e: {  	s7 =	smul.u32 @!p0 $0xF7A, s2;
	p2 =	seq.s32 @!p0 s5, $0x0  }
0x1f: {  	s9 =	smul.u32 $0xF7A, s1;
	s8 =	simm.s32 @!p0 $0x1BF5;
	p2 =	por !p2, p0  }
0x20: {  	[sflag:s8] =	ssyncset.s32 @!p0 $0xFFFFF086;
	s6 =	sadd.s32 @!p0 s3, s7;
	s7 =	simm.s32 @!p0 $0x108  }
0x21: {  	s3 =	sadd.s32 s3, s9;
	s6 =	sadd.s32 @!p0 $0x88, s6;
	s7 =	simm.s32 @p2 $0x1082  }
0x22: {  	[simem:s7], [sflag:s8] =	dma.local @!p0 [hbm:s6], $0xF7A  }
0x23: {  	s9 =	sor.u32 $0xD0000000, s2;
	s6 =	simm.s32 $0x108;
	_ =	swait.ge @!p0 [sflag:s8], $0x0  }
0x24: {  	s3 =	sadd.s32 $0x88, s3;
	s6 =	simm.s32 @!p1 $0x1082;
	[sflag:s4] =	ssyncset.s32 $0xFFFFF086  }
0x25: {  	[simem:s6], [sflag:s4] =	dma.local [hbm:s3], $0xF7A  }
0x26: {  	[smem:$0x3F9C] =	sst s1;
	(tag) =	ssettag s2;
	_ =	strace s9  }
0x27: {  	s1 =	sld [smem:$0x3FAC]  }
0x28: {  	s2 =	sld [smem:$0x3FAD]  }
0x29: {  	s4 =	sld [smem:$0x3FAF]  }
0x2a: {  	p0 =	seq.s32 s5, $0x0;
	s5 =	sld [smem:$0x3FB0]  }
0x2b: {  	s6 =	sld [smem:$0x3FB1]  }
0x2c: {  	s7 =	sld [smem:$0x3FB2]  }
0x2d: {  	s3 =	simm.s32 $0x108;
	s8 =	sld [smem:$0x3FB3]  }
0x2e: {  	s3 =	simm.s32 @!p0 $0x1082;
	s9 =	sld [smem:$0x3FB4]  }
0x2f: {  	lr =	sadd.s32 s0, s3;
	s0 =	sld [smem:$0x3FAB]  }
0x30: {  	s3 =	sld [smem:$0x3FAE]  }
0x31: {  	[smem:$0x3FB7] =	sst s10  }
0x32: {  	s10 =	sld [smem:$0x3FB5];
	_ =	sdelay $0x3  }
0x33: {  	p0 =	seq.s32 s10, $0x1;
	s10 =	sld [smem:$0x3FB7];
	_ =	sdelay $0x3  }
0x34: {  	[smem:$0x3FB7] =	sst s10  }
0x35: {  	s10 =	sld [smem:$0x3FB6];
	_ =	sdelay $0x3  }
0x36: {  	p1 =	seq.s32 s10, $0x1;
	s10 =	sld [smem:$0x3FB7];
	_ =	sdelay $0x3  }
0x37: {  	[smem:$0x3FB7] =	sst s10  }
0x38: {  	s10 =	sld [smem:$0x3FB8]  }
0x39: {  	_ = 	snop;
	(pc) =	sbr.ind lr, $3  }
0x3a: {  	_ = 	snop  }
0x3b: {  	_ = 	snop  }
0x3c: {  	p2 =	seq.s32 s10, $0x1;
	s10 =	sld [smem:$0x3FB7]  }
0x3d: {  	_ =	shalt  }
0x3e: {  	_ =	shalt  }
0x3f: {  	_ =	shalt  }
0x40: {  	_ =	shalt  }
0x41: {  	_ =	shalt  }
0x42: {  	_ =	shalt  }
0x43: {  	_ =	shalt  }
0x44: {  	_ =	shalt  }
0x45: {  	_ =	shalt  }
0x46: {  	_ =	shalt  }
0x47: {  	_ =	shalt  }
0x48: {  	_ =	shalt  }
0x49: {  	_ =	shalt  }
0x4a: {  	_ =	shalt  }
0x4b: {  	_ =	shalt  }
0x4c: {  	_ =	shalt  }
0x4d: {  	_ =	shalt  }
0x4e: {  	_ =	shalt  }
0x4f: {  	_ =	shalt  }
0x50: {  	_ =	shalt  }
0x51: {  	_ =	shalt  }
0x52: {  	_ =	shalt  }
0x53: {  	_ =	shalt  }
0x54: {  	_ =	shalt  }
0x55: {  	_ =	shalt  }
0x56: {  	_ =	shalt  }
0x57: {  	_ =	shalt  }
0x58: {  	_ =	shalt  }
0x59: {  	_ =	shalt  }
0x5a: {  	_ =	shalt  }
0x5b: {  	_ =	shalt  }
0x5c: {  	_ =	shalt  }
0x5d: {  	_ =	shalt  }
0x5e: {  	_ =	shalt  }
0x5f: {  	_ =	shalt  }
0x60: {  	_ =	shalt  }
0x61: {  	_ =	shalt  }
0x62: {  	_ =	shalt  }
0x63: {  	_ =	shalt  }
0x64: {  	_ =	shalt  }
0x65: {  	_ =	shalt  }
0x66: {  	_ =	shalt  }
0x67: {  	_ =	shalt  }
0x68: {  	_ =	shalt  }
0x69: {  	_ =	shalt  }
0x6a: {  	_ =	shalt  }
0x6b: {  	_ =	shalt  }
0x6c: {  	_ =	shalt  }
0x6d: {  	_ =	shalt  }
0x6e: {  	_ =	shalt  }
0x6f: {  	_ =	shalt  }
0x70: {  	_ =	shalt  }
0x71: {  	_ =	shalt  }
0x72: {  	_ =	shalt  }
0x73: {  	_ =	shalt  }
0x74: {  	_ =	shalt  }
0x75: {  	_ =	shalt  }
0x76: {  	_ =	shalt  }
0x77: {  	_ =	shalt  }
0x78: {  	_ =	shalt  }
0x79: {  	_ =	shalt  }
0x7a: {  	_ =	shalt  }
0x7b: {  	_ =	shalt  }
0x7c: {  	_ =	shalt  }
0x7d: {  	_ =	shalt  }
0x7e: {  	_ =	shalt  }
0x7f: {  	_ =	shalt  }
0x80: {  	_ =	shalt  }
0x81: {  	_ =	shalt  }
0x82: {  	_ =	shalt  }
0x83: {  	_ =	shalt  }
0x84: {  	_ =	shalt  }
0x85: {  	_ =	shalt  }
0x86: {  	_ =	shalt  }
0x87: {  	_ =	shalt  }
.Lfunc_end0:
.L_simem_size_0:
called_computation_lowered:
.L_overlay_start_0:
0x88: {  	s2 =	sld [smem:$0x3FD9]  }
0x89: {  	s3 =	sld [smem:$0x3FFE];
	_ =	sdelay $0x1  }
0x8a: {  	s1 =	srdreg.scid  }
0x8b: {  	s0 =	sand.u32 $0x1, s1  }
0x8c: {  	s17 =	sshll.u32 s0, $0xA;
	s2 =	sadd.s32 s3, s2  }
0x8d: {  	s2 =	sadd.s32 s2, s17  }
0x8e: {  	[smem:$0x3FC3] =	sst s2  }
0x8f: {  	_ = 	snop  }
0x90: {  	s2 =	sld [smem:$0x3FD0];
	(tm) =	ssettm $0x1  }
0x91: {  	s18 =	sld [smem:$0x3FFB];
	_ =	sdelay $0x3  }
0x92: {  	_ =	strace s18  }
0x93: {  	s3 =	sld [smem:$0x3FFC];
	_ =	sdelay $0x3  }
0x94: {  	_ =	strace s3  }
0x95: {  	s3 =	sld [smem:$0x3FFD];
	_ =	sdelay $0x3  }
0x96: {  	_ =	strace s3  }
0x97: {  	_ =	strace $0x8FFFFFFF  }
0x98: {  	s19 =	sld [smem:$0x3FDB];
	_ =	sdelay $0x1  }
0x99: {  	s4 =	simm.s32 $_scs_section_size  }
0x9a: {  	s5 =	simm.s32 $_size__tile_overlayer_lowered;
	s6 =	simm.s32 $_tile_overlayer_lowered  }
0x9b: {  	s22 =	simm.s32 $0x1BFF;
	s21 =	sshll.u32 s6, $0x1;
	s3 =	sadd.s32 s4, s19  }
0x9c: {  	s7 =	simm.s32 $0x0;
	s20 =	sshll.u32 s5, $0x1;
	s5 =	sadd.s32 s21, s3  }
0x9d: {  	[timem:s7], [sflag:s22] =	dma.local [hbm:s5], s20  }
0x9e: {  	_ =	swait.ge [sflag:s22], s20  }
0x9f: {  	s4 =	ssub.s32 $0x0, s20;
	[sflag:s22] =	ssyncset.done $0x0  }
0xa0: {  	[sflag:s22] =	ssyncadd.s32 s4;
	_ =	sdelay $0x1  }
0xa1: {  	s23 =	simm.s32 $0x1B8B  }
0xa2: {  	_ =	swait.ge [sflag:s23], $0x1  }
0xa3: {  	[sflag:s23] =	ssyncset.done $0x0  }
0xa4: {  	s25 =	simm.s32 $0x1B8E;
	s24 =	sld [smem:$0x3FFE];
	[sflag:s23] =	ssyncadd.s32 $0xFFFFFFFF  }
0xa5: {  	s26 =	simm.s32 $execute0_lowered;
	[smem:$0x3FD2] =	sst s25  }
0xa6: {  	s5 =	sshll.u32 s26, $0x1;
	_ =	strace $0x80000046;
	[dreg:$0x1] =	wrdreg $0xFFFFFFFF  }
0xa7: {  	s28 =	simm.s32 $_size_execute0_lowered;
	s3 =	sadd.s32 s3, s5;
	[dreg:$0x0] =	wrdreg $0x0  }
0xa8: {  	s5 =	sshll.u32 s28, $0x1;
	[dreg:$0x2] =	wrdreg s3  }
0xa9: {  	[dreg:$0x3] =	wrdreg s5  }
0xaa: {  	[dreg:$0x4] =	wrdreg $0xC0  }
0xab: {  	_ =	task [dreg:s7], $0x5FFFF  }
0xac: {  	[dreg:$0x1] =	wrdreg $0xFFFFFFFF  }
0xad: {  	[dreg:$0x0] =	wrdreg $0x60  }
0xae: {  	[dreg:$0x2] =	wrdreg s24  }
0xaf: {  	[dreg:$0x3] =	wrdreg s2  }
0xb0: {  	[dreg:$0x4] =	wrdreg $0x28000  }
0xb1: {  	[dreg:$0x5] =	wrdreg $0x9  }
0xb2: {  	_ =	task.clear_ibuf [dreg:s7], $0x6FFFF;
	_ =	strace $0x90000046  }
0xb3: {  	s29 =	simm.s32 $0x9;
	_ =	strace $0x80000048  }
0xb4: {  	_ =	swait.ge [sflag:s29], $0x1  }
0xb5: {  	[sflag:s29] =	ssyncadd.s32 $0xFFFFFFFF  }
0xb6: {  	_ =	strace $0x90000048  }
0xb7: {  	_ =	sfence  }
0xb8: {  	s30 =	sld [smem:$0x0];
	_ =	sdelay $0x2  }
0xb9: {  	s31 =	sshll.u32 s1, $0xD;
	s1 =	sshrl.u32 s1, $0x2  }
0xba: {  	s3 =	sand.u32 $0x4000, s31;
	s1 =	sadd.s32 s1, s30  }
0xbb: {  	s0 =	sor.u32 s3, s0;
	s1 =	sshll.u32 s1, $0x11  }
0xbc: {  	s0 =	sor.u32 s1, s0  }
0xbd: {  	s0 =	sadd.s32 $0x8F2B, s0  }
0xbe: {  	[sflag:s0] =	ssyncadd.remote.s32 $0x1  }
0xbf: {  	_ =	sfence.sel $0xFFFF  }
0xc0: {  	[dreg:$0x0] =	wrdreg $0xFFFFFFFF;
	(pc) =	sbr.abs _section_cstart, $3  }
0xc1: {  	[dreg:$0x1] =	wrdreg $0xFFFFFFFF  }
0xc2: {  	_ =	task.clear_ibuf [dreg:s7], $0x2FFFF;
	_ =	strace $0x9FFFFFFF  }
0xc3: {  	(tm) =	ssettm $0x7FFFFFFF  }
tec
execute0_lowered:
.L_overlay_start_1:
0x0: {  	(tag) =	ssettag $0x1  }
0x1: {  	s4 =	rddreg [dreg:$0x0];
	s0 =	srdreg.scid  }
0x2: {  	s8 =	stileid.u32;
	s1 =	rddreg [dreg:$0x1]  }
0x3: {  	s2 =	rddreg [dreg:$0x2];
	s3 =	simm.s32 $0x0;
	s10 =	simm.s32 $0xA0  }
0x4: {  	s11 =	simm.s32 $0x12800;
	s12 =	simm.s32 $0x15000;
	s13 =	simm.s32 $0x1  }
0x5: {  	s14 =	simm.s32 $0x17800;
	s15 =	simm.s32 $0x2;
	s16 =	simm.s32 $0x4  }
0x6: {  	s17 =	simm.s32 $0x17E00;
	s18 =	simm.s32 $0x3;
	s19 =	simm.s32 $0x0  }
0x7: {  	s5 =	sand.u32 $0x1, s0;
	s31 =	sshll.u32 s8, $0x1;
	s0 =	rddreg [dreg:$0x3]  }
0x8: {  	[smem:$0x7FF] =	sst s3;
	s6 =	sor.u32 s5, s31;
	s5 =	ssub.s32 $0x2, s5  }
0x9: {  	p0 =	sne.s32 s8, $0x0;
	s7 =	smul.u32 $0x500, s6;
	s9 =	sshrl.u32 s5, $0x1  }
0xa: {  	_ =	strace $0x80000047;
	s8 =	sshrl.u32 @!p0 s2, $0x3;
	s9 =	ssub.s32 s5, s9  }
0xb: {  	s5 =	sshll.u32 s6, $0x9;
	s7 =	sadd.s32 s7, s4;
	s4 =	sadd.s32 $0xB400, s4  }
0xc: {  	s6 =	sadd.s32 $0x1400, s7;
	s7 =	smax.u32 s9, $0x1;
	s9 =	simm.s32 $0x5  }
.LBB2_1:
0xd: {  	s20 =	simm.s32 @!p0 $0x1C05  }
0xe: {  	[spmem:s8], [sflag:s20] =	dma.local @!p0 [hbm:s1], $0x20000  }
0xf: {  	s20 =	simm.s32 @!p0 $0x5  }
0x10: {  	_ =	swait.ge @!p0 [sflag:s20], $0x20000  }
0x11: {  	[sflag:s20] =	ssyncset.done @!p0 $0x0  }
0x12: {  	[sflag:s20] =	ssyncadd.s32 @!p0 $0xFFFE0000  }
0x13: {  	[tilespmem:s3], [sflag:$0x5] =	stream.linear.gather [hbm4b:s6+s3], $0x2800, $0x38;
	[tilespmem:$0x18400] =	vst v63  }
0x14: {  	_ =	swait.ge [sflag:s9], $0x2800  }
0x15: {  	[sflag:s9] =	ssyncset.done $0x0  }
0x16: {  	[sflag:s9] =	ssyncadd.s32 $0xFFFFD800  }
0x17: {  	s20 =	simm.s32 $0x0;
	[bflag:$0x0] =	sbarrier.arrive $0xFFFF  }
0x18: {  	[tilespmem:s11], [sflag:$0x1] =	stream.indirect.gather [spmem:s2], $0x40, s3, s10, $0xb8;
	[tilespmem:$0x18400] =	vst v63  }
.LBB2_2:
0x19: {  	s21 =	sshllo.u32 s20, $0x1  }
0x1a: {  	s22 =	smul.u32 $0x280, s21;
	_ =	sdelay $0x1  }
0x1b: {  	s22 =	sshra.s32 s22, $0x2  }
0x1c: {  	[tilespmem:s12], [sflag:$0x2] =	stream.indirect.gather [spmem:s2], $0x40, s22, s10, $0xb8;
	[tilespmem:$0x18400] =	vst v63  }
0x1d: {  	_ =	swait.ge [sflag:s13], $0x2800  }
0x1e: {  	p1 =	seq.s32 s20, $0x0;
	[sflag:s13] =	ssyncset.done $0x0  }
0x1f: {  	s22 =	simm.s32 @!p1 $0x3;
	[sflag:s13] =	ssyncadd.s32 $0xFFFFD800  }
0x20: {  	_ =	swait.ge @!p1 [sflag:s22], $0x600  }
0x21: {  	[sflag:s22] =	ssyncset.done @!p1 $0x0  }
0x22: {  	[sflag:s22] =	ssyncadd.s32 @!p1 $0xFFFFFA00;
	s22 =	simm.s32 $0x12A80  }
0x23: {  	v0 =	vld [tilespmem:s22+$0xFFFFFDC0]  }
0x24: {  	v1 =	vld [tilespmem:s22+$0xFFFFFD80];
	_ =	sdelay $0x1  }
0x25: {  	v2 =	vld [tilespmem:s22+$0xFFFFFE00];
	_ =	sdelay $0x1  }
0x26: {  	v3 =	vld [tilespmem:s22+$0xFFFFFE40]  }
0x27: {  	v4 =	vmul.f32 v0, v0;
	v5 =	vmul.f32 v1, v1;
	v6 =	vadd.f32 v0, v1  }
0x28: {  	v7 =	vld [tilespmem:s22+$0xFFFFFE80]  }
0x29: {  	v8 =	vmul.f32 v2, v2;
	v4 =	vadd.f32 v4, v5;
	v5 =	vadd.f32 v2, v6  }
0x2a: {  	v0 =	vmax.f32 v1, v0;
	v1 =	vld [tilespmem:s22+$0xFFFFFEC0]  }
0x2b: {  	v6 =	vmul.f32 v3, v3;
	v4 =	vadd.f32 v8, v4;
	v5 =	vadd.f32 v3, v5  }
0x2c: {  	v0 =	vmax.f32 v0, v2;
	v2 =	vld [tilespmem:s22+$0xFFFFFF00]  }
0x2d: {  	v39 =	vmul.f32 v7, v7;
	v4 =	vadd.f32 v6, v4;
	v5 =	vadd.f32 v7, v5  }
0x2e: {  	v0 =	vmax.f32 v0, v3;
	v3 =	vld [tilespmem:s22+$0xFFFFFF40]  }
0x2f: {  	v6 =	vmul.f32 v1, v1;
	v4 =	vadd.f32 v39, v4;
	v5 =	vadd.f32 v1, v5  }
0x30: {  	v40 =	vld [tilespmem:s22+$0xFFFFFF80];
	v0 =	vmax.f32 v0, v7  }
0x31: {  	v7 =	vmul.f32 v2, v2;
	v4 =	vadd.f32 v6, v4;
	v5 =	vadd.f32 v2, v5  }
0x32: {  	v0 =	vmax.f32 v0, v1;
	v1 =	vld [tilespmem:s22+$0xFFFFFFC0]  }
0x33: {  	v6 =	vmul.f32 v3, v3;
	v4 =	vadd.f32 v7, v4;
	v5 =	vadd.f32 v3, v5  }
0x34: {  	v0 =	vmax.f32 v0, v2;
	v7 =	vld [tilespmem:s22+$0x0]  }
0x35: {  	v2 =	vmul.f32 v40, v40;
	v4 =	vadd.f32 v6, v4;
	v5 =	vadd.f32 v40, v5  }
0x36: {  	v0 =	vmax.f32 v0, v3;
	v6 =	vld [tilespmem:s22+$0x40]  }
0x37: {  	v3 =	vmul.f32 v1, v1;
	v2 =	vadd.f32 v2, v4;
	v4 =	vadd.f32 v1, v5  }
0x38: {  	v0 =	vmax.f32 v0, v40;
	v5 =	vld [tilespmem:s22+$0x80]  }
0x39: {  	v2 =	vadd.f32 v3, v2;
	v3 =	vadd.f32 v7, v4;
	v4 =	vmul.f32 v7, v7  }
0x3a: {  	v0 =	vmax.f32 v0, v1;
	v1 =	vld [tilespmem:s22+$0xC0]  }
0x3b: {  	v41 =	vmul.f32 v6, v6;
	v2 =	vadd.f32 v4, v2;
	v3 =	vadd.f32 v6, v3  }
0x3c: {  	v0 =	vmax.f32 v0, v7;
	v4 =	vld [tilespmem:s22+$0x100]  }
0x3d: {  	v7 =	vmul.f32 v5, v5;
	v2 =	vadd.f32 v41, v2;
	v3 =	vadd.f32 v5, v3  }
0x3e: {  	v0 =	vmax.f32 v0, v6;
	v6 =	vld [tilespmem:s22+$0x140]  }
0x3f: {  	v42 =	vmul.f32 v1, v1;
	v2 =	vadd.f32 v7, v2;
	v3 =	vadd.f32 v1, v3  }
0x40: {  	v0 =	vmax.f32 v0, v5;
	v7 =	vld [tilespmem:s22+$0x180]  }
0x41: {  	v5 =	vmul.f32 v4, v4;
	v2 =	vadd.f32 v42, v2;
	v3 =	vadd.f32 v4, v3  }
0x42: {  	v43 =	vld [tilespmem:s22+$0x1C0];
	v0 =	vmax.f32 v0, v1  }
0x43: {  	v1 =	vadd.f32 v5, v2;
	v2 =	vadd.f32 v6, v3;
	v3 =	vmul.f32 v6, v6  }
0x44: {  	v5 =	vld [tilespmem:s22+$0x200]  }
0x45: {  	v1 =	vadd.f32 v3, v1;
	v3 =	vmul.f32 v7, v7  }
0x46: {  	v0 =	vmax.f32 v0, v4;
	v4 =	vld [tilespmem:s22+$0x240];
	v2 =	vadd.f32 v7, v2  }
0x47: {  	v1 =	vadd.f32 v3, v1;
	v3 =	vmul.f32 v43, v43  }
0x48: {  	v0 =	vmax.f32 v0, v6;
	v2 =	vadd.f32 v43, v2  }
0x49: {  	v0 =	vmax.f32 v0, v7;
	v1 =	vadd.f32 v3, v1;
	v3 =	vmul.f32 v5, v5  }
0x4a: {  	v0 =	vmax.f32 v0, v43;
	v2 =	vadd.f32 v5, v2  }
0x4b: {  	v0 =	vmax.f32 v0, v5;
	v1 =	vadd.f32 v3, v1;
	v3 =	vmul.f32 v4, v4  }
0x4c: {  	s23 =	simm.s32 $0x0;
	v0 =	vmax.f32 v0, v4;
	v2 =	vadd.f32 v4, v2  }
0x4d: {  	[tilespmem:s23+$0x17880] =	vst v0;
	v1 =	vadd.f32 v3, v1  }
0x4e: {  	[tilespmem:s23+$0x17800] =	vst v2  }
0x4f: {  	[tilespmem:s23+$0x17840] =	vst v1  }
0x50: {  	v0 =	vld [tilespmem:s22+$0xFFFFFD90]  }
0x51: {  	v1 =	vld [tilespmem:s22+$0xFFFFFDD0];
	_ =	sdelay $0x1  }
0x52: {  	v2 =	vld [tilespmem:s22+$0xFFFFFE10];
	_ =	sdelay $0x1  }
0x53: {  	v3 =	vld [tilespmem:s22+$0xFFFFFE50]  }
0x54: {  	v4 =	vmul.f32 v0, v0;
	v5 =	vmul.f32 v1, v1  }
0x55: {  	v7 =	vld [tilespmem:s22+$0xFFFFFE90];
	v6 =	vadd.f32 v1, v0  }
0x56: {  	v4 =	vadd.f32 v5, v4;
	v5 =	vmul.f32 v2, v2  }
0x57: {  	v44 =	vld [tilespmem:s22+$0xFFFFFED0];
	v6 =	vadd.f32 v2, v6  }
0x58: {  	v4 =	vadd.f32 v5, v4;
	v5 =	vmul.f32 v3, v3  }
0x59: {  	v9 =	vld [tilespmem:s22+$0xFFFFFF10];
	v6 =	vadd.f32 v3, v6  }
0x5a: {  	v4 =	vadd.f32 v5, v4;
	v5 =	vmul.f32 v7, v7  }
0x5b: {  	v10 =	vld [tilespmem:s22+$0xFFFFFF50];
	v6 =	vadd.f32 v7, v6  }
0x5c: {  	v4 =	vadd.f32 v5, v4;
	v5 =	vmul.f32 v44, v44  }
0x5d: {  	v11 =	vld [tilespmem:s22+$0xFFFFFF90];
	v6 =	vadd.f32 v44, v6  }
0x5e: {  	v4 =	vadd.f32 v5, v4;
	v5 =	vmul.f32 v9, v9  }
0x5f: {  	v12 =	vld [tilespmem:s22+$0xFFFFFFD0];
	v6 =	vadd.f32 v9, v6  }
0x60: {  	v4 =	vadd.f32 v5, v4;
	v5 =	vmul.f32 v10, v10  }
0x61: {  	v13 =	vld [tilespmem:s22+$0x10];
	v6 =	vadd.f32 v10, v6  }
0x62: {  	v4 =	vadd.f32 v5, v4;
	v5 =	vmul.f32 v11, v11  }
0x63: {  	v14 =	vld [tilespmem:s22+$0x50];
	v6 =	vadd.f32 v11, v6  }
0x64: {  	v15 =	vmul.f32 v12, v12;
	v4 =	vadd.f32 v5, v4  }
0x65: {  	v5 =	vld [tilespmem:s22+$0x90];
	v6 =	vadd.f32 v12, v6  }
0x66: {  	v45 =	vmul.f32 v13, v13;
	v4 =	vadd.f32 v15, v4  }
0x67: {  	v0 =	vmax.f32 v0, v1;
	v1 =	vld [tilespmem:s22+$0xD0];
	v6 =	vadd.f32 v13, v6  }
0x68: {  	v0 =	vmax.f32 v0, v2;
	v2 =	vadd.f32 v45, v4;
	v4 =	vmul.f32 v14, v14  }
0x69: {  	v0 =	vmax.f32 v0, v3;
	v3 =	vld [tilespmem:s22+$0x110];
	v6 =	vadd.f32 v14, v6  }
0x6a: {  	v0 =	vmax.f32 v0, v7;
	v2 =	vadd.f32 v4, v2;
	v4 =	vmul.f32 v5, v5  }
0x6b: {  	v0 =	vmax.f32 v0, v44;
	v7 =	vld [tilespmem:s22+$0x150];
	v6 =	vadd.f32 v5, v6  }
0x6c: {  	v0 =	vmax.f32 v0, v9;
	v2 =	vadd.f32 v4, v2;
	v4 =	vmul.f32 v1, v1  }
0x6d: {  	v46 =	vld [tilespmem:s22+$0x190];
	v0 =	vmax.f32 v0, v10;
	v6 =	vadd.f32 v1, v6  }
0x6e: {  	v0 =	vmax.f32 v0, v11;
	v2 =	vadd.f32 v4, v2;
	v4 =	vmul.f32 v3, v3  }
0x6f: {  	v47 =	vld [tilespmem:s22+$0x1D0];
	v0 =	vmax.f32 v0, v12;
	v6 =	vadd.f32 v3, v6  }
0x70: {  	v0 =	vmax.f32 v0, v13;
	v2 =	vadd.f32 v4, v2;
	v4 =	vmul.f32 v7, v7  }
0x71: {  	v48 =	vld [tilespmem:s22+$0x210];
	v0 =	vmax.f32 v0, v14;
	v6 =	vadd.f32 v7, v6  }
0x72: {  	v0 =	vmax.f32 v0, v5;
	v2 =	vadd.f32 v4, v2;
	v4 =	vmul.f32 v46, v46  }
0x73: {  	v0 =	vmax.f32 v0, v1;
	v1 =	vld [tilespmem:s22+$0x250];
	v5 =	vadd.f32 v46, v6  }
0x74: {  	v0 =	vmax.f32 v0, v3;
	v3 =	vmul.f32 v47, v47;
	v2 =	vadd.f32 v4, v2  }
0x75: {  	v0 =	vmax.f32 v0, v7;
	v4 =	vadd.f32 v47, v5  }
0x76: {  	v0 =	vmax.f32 v0, v46;
	v2 =	vadd.f32 v3, v2;
	v3 =	vmul.f32 v48, v48  }
0x77: {  	v0 =	vmax.f32 v0, v47;
	v4 =	vadd.f32 v48, v4  }
0x78: {  	v0 =	vmax.f32 v0, v48;
	v2 =	vadd.f32 v3, v2;
	v3 =	vmul.f32 v1, v1  }
0x79: {  	v0 =	vmax.f32 v0, v1;
	v1 =	vadd.f32 v1, v4  }
0x7a: {  	[tilespmem:s23+$0x17890] =	vst v0;
	v0 =	vadd.f32 v3, v2  }
0x7b: {  	[tilespmem:s23+$0x17810] =	vst v1  }
0x7c: {  	[tilespmem:s23+$0x17850] =	vst v0  }
0x7d: {  	v0 =	vld [tilespmem:s22+$0xFFFFFDA0]  }
0x7e: {  	v1 =	vld [tilespmem:s22+$0xFFFFFDE0];
	_ =	sdelay $0x1  }
0x7f: {  	v2 =	vld [tilespmem:s22+$0xFFFFFE20];
	_ =	sdelay $0x1  }
0x80: {  	v3 =	vld [tilespmem:s22+$0xFFFFFE60]  }
0x81: {  	v4 =	vmul.f32 v0, v0;
	v5 =	vmul.f32 v1, v1  }
0x82: {  	v6 =	vld [tilespmem:s22+$0xFFFFFEA0];
	v7 =	vadd.f32 v1, v0  }
0x83: {  	v4 =	vadd.f32 v5, v4;
	v5 =	vmul.f32 v2, v2  }
0x84: {  	v49 =	vld [tilespmem:s22+$0xFFFFFEE0];
	v7 =	vadd.f32 v2, v7  }
0x85: {  	v4 =	vadd.f32 v5, v4;
	v5 =	vmul.f32 v3, v3  }
0x86: {  	v50 =	vld [tilespmem:s22+$0xFFFFFF20];
	v7 =	vadd.f32 v3, v7  }
0x87: {  	v4 =	vadd.f32 v5, v4;
	v5 =	vmul.f32 v6, v6  }
0x88: {  	v51 =	vld [tilespmem:s22+$0xFFFFFF60];
	v7 =	vadd.f32 v6, v7  }
0x89: {  	v4 =	vadd.f32 v5, v4;
	v5 =	vmul.f32 v49, v49  }
0x8a: {  	v52 =	vld [tilespmem:s22+$0xFFFFFFA0];
	v7 =	vadd.f32 v49, v7  }
0x8b: {  	v4 =	vadd.f32 v5, v4;
	v5 =	vmul.f32 v50, v50  }
0x8c: {  	v53 =	vld [tilespmem:s22+$0xFFFFFFE0];
	v7 =	vadd.f32 v50, v7  }
0x8d: {  	v4 =	vadd.f32 v5, v4;
	v5 =	vmul.f32 v51, v51  }
0x8e: {  	v54 =	vld [tilespmem:s22+$0x20];
	v7 =	vadd.f32 v51, v7  }
0x8f: {  	v4 =	vadd.f32 v5, v4;
	v5 =	vmul.f32 v52, v52  }
0x90: {  	v55 =	vld [tilespmem:s22+$0x60];
	v7 =	vadd.f32 v52, v7  }
0x91: {  	v4 =	vadd.f32 v5, v4;
	v5 =	vmul.f32 v53, v53  }
0x92: {  	v56 =	vld [tilespmem:s22+$0xA0];
	v7 =	vadd.f32 v53, v7  }
0x93: {  	v4 =	vadd.f32 v5, v4;
	v5 =	vmul.f32 v54, v54  }
0x94: {  	v0 =	vmax.f32 v0, v1;
	v1 =	vld [tilespmem:s22+$0xE0];
	v7 =	vadd.f32 v54, v7  }
0x95: {  	v0 =	vmax.f32 v0, v2;
	v2 =	vadd.f32 v5, v4;
	v4 =	vmul.f32 v55, v55  }
0x96: {  	v0 =	vmax.f32 v0, v3;
	v3 =	vld [tilespmem:s22+$0x120];
	v5 =	vadd.f32 v55, v7  }
0x97: {  	v0 =	vmax.f32 v0, v6;
	v6 =	vmul.f32 v56, v56;
	v2 =	vadd.f32 v4, v2  }
0x98: {  	v0 =	vmax.f32 v0, v49;
	v4 =	vld [tilespmem:s22+$0x160];
	v5 =	vadd.f32 v56, v5  }
0x99: {  	v0 =	vmax.f32 v0, v50;
	v7 =	vmul.f32 v1, v1;
	v2 =	vadd.f32 v6, v2  }
0x9a: {  	v0 =	vmax.f32 v0, v51;
	v6 =	vld [tilespmem:s22+$0x1A0];
	v5 =	vadd.f32 v1, v5  }
0x9b: {  	v0 =	vmax.f32 v0, v52;
	v57 =	vmul.f32 v3, v3;
	v2 =	vadd.f32 v7, v2  }
0x9c: {  	v0 =	vmax.f32 v0, v53;
	v7 =	vld [tilespmem:s22+$0x1E0];
	v5 =	vadd.f32 v3, v5  }
0x9d: {  	v0 =	vmax.f32 v0, v54;
	v58 =	vmul.f32 v4, v4;
	v2 =	vadd.f32 v57, v2  }
0x9e: {  	v59 =	vld [tilespmem:s22+$0x220];
	v0 =	vmax.f32 v0, v55;
	v5 =	vadd.f32 v4, v5  }
0x9f: {  	v0 =	vmax.f32 v0, v56;
	v60 =	vmul.f32 v6, v6;
	v2 =	vadd.f32 v58, v2  }
0xa0: {  	v0 =	vmax.f32 v0, v1;
	v1 =	vld [tilespmem:s22+$0x260];
	v5 =	vadd.f32 v6, v5  }
0xa1: {  	v0 =	vmax.f32 v0, v3;
	v3 =	vmul.f32 v7, v7;
	v2 =	vadd.f32 v60, v2  }
0xa2: {  	v0 =	vmax.f32 v0, v4;
	v4 =	vadd.f32 v7, v5  }
0xa3: {  	v0 =	vmax.f32 v0, v6;
	v2 =	vadd.f32 v3, v2;
	v3 =	vmul.f32 v59, v59  }
0xa4: {  	v0 =	vmax.f32 v0, v7;
	v4 =	vadd.f32 v59, v4  }
0xa5: {  	v0 =	vmax.f32 v0, v59;
	v2 =	vadd.f32 v3, v2;
	v3 =	vmul.f32 v1, v1  }
0xa6: {  	v0 =	vmax.f32 v0, v1;
	v1 =	vadd.f32 v1, v4  }
0xa7: {  	[tilespmem:s23+$0x178A0] =	vst v0;
	v0 =	vadd.f32 v3, v2  }
0xa8: {  	[tilespmem:s23+$0x17820] =	vst v1  }
0xa9: {  	[tilespmem:s23+$0x17860] =	vst v0  }
0xaa: {  	v0 =	vld [tilespmem:s22+$0xFFFFFDB0]  }
0xab: {  	v1 =	vld [tilespmem:s22+$0xFFFFFDF0]  }
0xac: {  	v2 =	vld [tilespmem:s22+$0xFFFFFE30];
	_ =	sdelay $0x1  }
0xad: {  	v3 =	vld [tilespmem:s22+$0xFFFFFE70]  }
0xae: {  	v4 =	vmul.f32 v0, v0  }
0xaf: {  	v7 =	vld [tilespmem:s22+$0xFFFFFEB0];
	v5 =	vadd.f32 v1, v0;
	v6 =	vmul.f32 v1, v1;
	v0 =	vmax.f32 v0, v1  }
0xb0: {  	v0 =	vmax.f32 v0, v2  }
0xb1: {  	v1 =	vadd.f32 v6, v4;
	v4 =	vadd.f32 v2, v5;
	v5 =	vmul.f32 v2, v2;
	v6 =	vld [tilespmem:s22+$0xFFFFFEF0]  }
0xb2: {  	v0 =	vmax.f32 v0, v3  }
0xb3: {  	v1 =	vadd.f32 v5, v1;
	v2 =	vadd.f32 v3, v4;
	v4 =	vmul.f32 v3, v3;
	v5 =	vld [tilespmem:s22+$0xFFFFFF30]  }
0xb4: {  	v0 =	vmax.f32 v0, v7  }
0xb5: {  	v3 =	vmul.f32 v7, v7;
	v1 =	vadd.f32 v4, v1;
	v2 =	vadd.f32 v7, v2;
	v4 =	vld [tilespmem:s22+$0xFFFFFF70]  }
0xb6: {  	v0 =	vmax.f32 v0, v6  }
0xb7: {  	v7 =	vld [tilespmem:s22+$0xFFFFFFB0];
	v1 =	vadd.f32 v3, v1;
	v2 =	vadd.f32 v6, v2;
	v3 =	vmul.f32 v6, v6  }
0xb8: {  	v0 =	vmax.f32 v0, v5  }
0xb9: {  	v6 =	vld [tilespmem:s22+$0xFFFFFFF0];
	v1 =	vadd.f32 v3, v1;
	v2 =	vadd.f32 v5, v2;
	v3 =	vmul.f32 v5, v5  }
0xba: {  	v0 =	vmax.f32 v0, v4  }
0xbb: {  	v5 =	vld [tilespmem:s22+$0x30];
	v1 =	vadd.f32 v3, v1;
	v2 =	vadd.f32 v4, v2;
	v3 =	vmul.f32 v4, v4  }
0xbc: {  	v0 =	vmax.f32 v0, v7  }
0xbd: {  	v4 =	vld [tilespmem:s22+$0x70];
	v1 =	vadd.f32 v3, v1;
	v2 =	vadd.f32 v7, v2;
	v3 =	vmul.f32 v7, v7  }
0xbe: {  	v0 =	vmax.f32 v0, v6  }
0xbf: {  	v7 =	vld [tilespmem:s22+$0xB0];
	v1 =	vadd.f32 v3, v1;
	v2 =	vadd.f32 v6, v2;
	v3 =	vmul.f32 v6, v6  }
0xc0: {  	v0 =	vmax.f32 v0, v5  }
0xc1: {  	v6 =	vld [tilespmem:s22+$0xF0];
	v1 =	vadd.f32 v3, v1;
	v2 =	vadd.f32 v5, v2;
	v3 =	vmul.f32 v5, v5  }
0xc2: {  	v61 =	vld [tilespmem:s22+$0x130];
	v0 =	vmax.f32 v0, v4  }
0xc3: {  	v5 =	vld [tilespmem:s22+$0x170];
	v1 =	vadd.f32 v3, v1;
	v2 =	vadd.f32 v4, v2;
	v3 =	vmul.f32 v4, v4  }
0xc4: {  	v62 =	vld [tilespmem:s22+$0x1B0];
	v0 =	vmax.f32 v0, v7  }
0xc5: {  	v63 =	vld [tilespmem:s22+$0x1F0];
	v4 =	vmul.f32 v7, v7;
	v3 =	vadd.f32 v3, v1;
	v2 =	vadd.f32 v7, v2  }
0xc6: {  	v0 =	vmax.f32 v0, v6;
	v7 =	vmul.f32 v6, v6  }
0xc7: {  	v1 =	vld [tilespmem:s22+$0x230];
	v0 =	vmax.f32 v0, v61;
	v3 =	vadd.f32 v4, v3;
	v2 =	vadd.f32 v6, v2  }
0xc8: {  	v4 =	vmax.f32 v0, v5;
	v6 =	vmul.f32 v61, v61  }
0xc9: {  	v0 =	vld [tilespmem:s22+$0x270];
	v4 =	vmax.f32 v4, v62;
	v3 =	vadd.f32 v7, v3;
	v2 =	vadd.f32 v61, v2  }
0xca: {  	v4 =	vmax.f32 v4, v63  }
0xcb: {  	v7 =	vmul.f32 v5, v5;
	v3 =	vadd.f32 v6, v3;
	v2 =	vadd.f32 v5, v2  }
0xcc: {  	v4 =	vmax.f32 v4, v1  }
0xcd: {  	v6 =	vmul.f32 v62, v62;
	v3 =	vadd.f32 v7, v3;
	v5 =	vadd.f32 v62, v2  }
0xce: {  	v4 =	vmax.f32 v4, v0;
	v2 =	vmul.f32 v1, v1  }
0xcf: {  	s24 =	simm.s32 $0x300;
	[tilespmem:s23+$0x178B0] =	vst v4;
	v3 =	vadd.f32 v6, v3;
	v4 =	vadd.f32 v63, v5;
	v5 =	vmul.f32 v63, v63  }
.LBB2_3:
0xd0: {  	p2 =	sne.s32 s24, $0x1500  }
0xd1: {  	s22 =	sadd.s32 $0x500, s22;
	s25 =	smov.u32 s24;
	s24 =	sadd.s32 $0x300, s24;
	v3 =	vadd.f32 v5, v3;
	v1 =	vadd.f32 v1, v4  }
0xd2: {  	_ = 	snop  }
0xd3: {  	v2 =	vadd.f32 v2, v3;
	v1 =	vadd.f32 v0, v1;
	v0 =	vmul.f32 v0, v0;
	_ =	sdelay $0x1  }
0xd4: {  	v0 =	vadd.f32 v0, v2;
	[tilespmem:s23+$0x17830] =	vst v1;
	_ =	sdelay $0x1  }
0xd5: {  	[tilespmem:s23+$0x17870] =	vst v0  }
0xd6: {  	v0 =	vld [tilespmem:s22+$0xFFFFFE00]  }
0xd7: {  	v1 =	vld [tilespmem:s22+$0xFFFFFDC0]  }
0xd8: {  	v2 =	vld [tilespmem:s22+$0xFFFFFD80];
	_ =	sdelay $0x1  }
0xd9: {  	v3 =	vld [tilespmem:s22+$0xFFFFFE40];
	_ =	sdelay $0x1  }
0xda: {  	v4 =	vmul.f32 v1, v1;
	v5 =	vld [tilespmem:s22+$0xFFFFFE80]  }
0xdb: {  	v8 =	vmul.f32 v0, v0;
	v6 =	vmul.f32 v2, v2;
	v7 =	vadd.f32 v1, v2  }
0xdc: {  	v1 =	vmax.f32 v2, v1;
	v2 =	vld [tilespmem:s22+$0xFFFFFEC0]  }
0xdd: {  	v4 =	vadd.f32 v4, v6;
	v6 =	vadd.f32 v0, v7;
	v7 =	vmul.f32 v3, v3  }
0xde: {  	v0 =	vmax.f32 v1, v0;
	v1 =	vld [tilespmem:s22+$0xFFFFFF00]  }
0xdf: {  	v4 =	vadd.f32 v8, v4;
	v6 =	vadd.f32 v3, v6;
	v8 =	vmul.f32 v5, v5  }
0xe0: {  	v0 =	vmax.f32 v0, v3;
	v3 =	vld [tilespmem:s22+$0xFFFFFF40]  }
0xe1: {  	v4 =	vadd.f32 v7, v4;
	v6 =	vadd.f32 v5, v6;
	v7 =	vmul.f32 v2, v2;
	v9 =	vld [tilespmem:s22+$0xFFFFFF80]  }
0xe2: {  	v0 =	vmax.f32 v0, v5  }
0xe3: {  	v4 =	vadd.f32 v8, v4;
	v5 =	vadd.f32 v2, v6;
	v6 =	vmul.f32 v1, v1  }
0xe4: {  	v0 =	vmax.f32 v0, v2;
	v2 =	vld [tilespmem:s22+$0xFFFFFFC0]  }
0xe5: {  	v4 =	vadd.f32 v7, v4;
	v5 =	vadd.f32 v1, v5;
	v7 =	vmul.f32 v3, v3;
	v8 =	vld [tilespmem:s22+$0x0]  }
0xe6: {  	v0 =	vmax.f32 v0, v1  }
0xe7: {  	v1 =	vadd.f32 v6, v4;
	v4 =	vadd.f32 v3, v5;
	v5 =	vmul.f32 v9, v9;
	v6 =	vld [tilespmem:s22+$0x40]  }
0xe8: {  	v0 =	vmax.f32 v0, v3  }
0xe9: {  	v0 =	vmax.f32 v0, v9;
	v1 =	vadd.f32 v7, v1;
	v3 =	vadd.f32 v9, v4;
	v4 =	vld [tilespmem:s22+$0x80]  }
0xea: {  	v7 =	vmul.f32 v2, v2;
	v0 =	vmax.f32 v0, v2;
	v9 =	vld [tilespmem:s22+$0xC0]  }
0xeb: {  	v0 =	vmax.f32 v0, v8;
	v1 =	vadd.f32 v5, v1;
	v2 =	vadd.f32 v2, v3;
	v3 =	vld [tilespmem:s22+$0x100]  }
0xec: {  	v0 =	vmax.f32 v0, v6;
	v5 =	vld [tilespmem:s22+$0x140]  }
0xed: {  	v1 =	vadd.f32 v7, v1;
	v2 =	vadd.f32 v8, v2;
	v7 =	vmul.f32 v8, v8;
	v8 =	vld [tilespmem:s22+$0x180]  }
0xee: {  	v10 =	vmul.f32 v6, v6;
	v0 =	vmax.f32 v0, v4;
	v11 =	vld [tilespmem:s22+$0x1C0]  }
0xef: {  	v1 =	vadd.f32 v7, v1;
	v2 =	vadd.f32 v6, v2;
	v0 =	vmax.f32 v0, v9;
	v6 =	vld [tilespmem:s22+$0x200]  }
0xf0: {  	v7 =	vmul.f32 v4, v4;
	v0 =	vmax.f32 v0, v3;
	v12 =	vld [tilespmem:s22+$0x240]  }
0xf1: {  	v1 =	vadd.f32 v10, v1;
	v2 =	vadd.f32 v4, v2;
	v0 =	vmax.f32 v0, v5  }
0xf2: {  	v4 =	vmul.f32 v9, v9;
	v0 =	vmax.f32 v0, v8  }
0xf3: {  	v1 =	vadd.f32 v7, v1;
	v2 =	vadd.f32 v9, v2;
	v0 =	vmax.f32 v0, v11  }
0xf4: {  	v7 =	vmul.f32 v3, v3;
	v0 =	vmax.f32 v0, v6  }
0xf5: {  	v1 =	vadd.f32 v4, v1;
	v2 =	vadd.f32 v3, v2;
	v0 =	vmax.f32 v0, v12;
	_ =	sdelay $0x1  }
0xf6: {  	v3 =	vmul.f32 v5, v5;
	v1 =	vadd.f32 v7, v1;
	v2 =	vadd.f32 v5, v2;
	_ =	sdelay $0x1  }
0xf7: {  	v1 =	vadd.f32 v3, v1;
	v2 =	vadd.f32 v8, v2;
	v3 =	vmul.f32 v8, v8;
	_ =	sdelay $0x1  }
0xf8: {  	v1 =	vadd.f32 v3, v1;
	v2 =	vadd.f32 v11, v2;
	v3 =	vmul.f32 v11, v11;
	_ =	sdelay $0x1  }
0xf9: {  	v1 =	vadd.f32 v3, v1;
	v2 =	vadd.f32 v6, v2;
	v3 =	vmul.f32 v6, v6;
	_ =	sdelay $0x1  }
0xfa: {  	v1 =	vadd.f32 v3, v1;
	v2 =	vadd.f32 v12, v2;
	v3 =	vmul.f32 v12, v12  }
0xfb: {  	s23 =	sshra.s32 s25, $0x2  }
0xfc: {  	v1 =	vadd.f32 v3, v1;
	[tilespmem:s23+$0x17800] =	vst v2  }
0xfd: {  	[tilespmem:s23+$0x17880] =	vst v0  }
0xfe: {  	[tilespmem:s23+$0x17840] =	vst v1  }
0xff: {  	v0 =	vld [tilespmem:s22+$0xFFFFFD90]  }
0x100: {  	v1 =	vld [tilespmem:s22+$0xFFFFFDD0];
	_ =	sdelay $0x1  }
0x101: {  	v2 =	vld [tilespmem:s22+$0xFFFFFE10];
	_ =	sdelay $0x1  }
0x102: {  	v3 =	vmul.f32 v0, v0;
	v4 =	vld [tilespmem:s22+$0xFFFFFE50]  }
0x103: {  	v5 =	vadd.f32 v1, v0;
	v6 =	vmul.f32 v1, v1;
	v0 =	vmax.f32 v0, v1  }
0x104: {  	v1 =	vld [tilespmem:s22+$0xFFFFFE90]  }
0x105: {  	v3 =	vadd.f32 v6, v3;
	v5 =	vadd.f32 v2, v5;
	v6 =	vmul.f32 v2, v2  }
0x106: {  	v0 =	vmax.f32 v0, v2;
	v2 =	vld [tilespmem:s22+$0xFFFFFED0]  }
0x107: {  	v3 =	vadd.f32 v6, v3;
	v5 =	vadd.f32 v4, v5;
	v6 =	vmul.f32 v4, v4  }
0x108: {  	v0 =	vmax.f32 v0, v4;
	v4 =	vld [tilespmem:s22+$0xFFFFFF10]  }
0x109: {  	v3 =	vadd.f32 v6, v3;
	v5 =	vadd.f32 v1, v5;
	v6 =	vmul.f32 v1, v1  }
0x10a: {  	v0 =	vmax.f32 v0, v1;
	v1 =	vld [tilespmem:s22+$0xFFFFFF50]  }
0x10b: {  	v3 =	vadd.f32 v6, v3;
	v5 =	vadd.f32 v2, v5;
	v6 =	vmul.f32 v2, v2  }
0x10c: {  	v0 =	vmax.f32 v0, v2;
	v2 =	vld [tilespmem:s22+$0xFFFFFF90]  }
0x10d: {  	v3 =	vadd.f32 v6, v3;
	v5 =	vadd.f32 v4, v5;
	v6 =	vmul.f32 v4, v4;
	v7 =	vld [tilespmem:s22+$0xFFFFFFD0]  }
0x10e: {  	v0 =	vmax.f32 v0, v4  }
0x10f: {  	v3 =	vadd.f32 v6, v3;
	v4 =	vadd.f32 v1, v5;
	v5 =	vmul.f32 v1, v1  }
0x110: {  	v0 =	vmax.f32 v0, v1;
	v1 =	vld [tilespmem:s22+$0x10]  }
0x111: {  	v3 =	vadd.f32 v5, v3;
	v4 =	vadd.f32 v2, v4;
	v5 =	vmul.f32 v2, v2;
	v6 =	vld [tilespmem:s22+$0x50]  }
0x112: {  	v8 =	vmul.f32 v7, v7;
	v9 =	vld [tilespmem:s22+$0x90]  }
0x113: {  	v0 =	vmax.f32 v0, v2;
	v3 =	vadd.f32 v5, v3;
	v2 =	vadd.f32 v7, v4;
	v4 =	vld [tilespmem:s22+$0xD0]  }
0x114: {  	v0 =	vmax.f32 v0, v7;
	v5 =	vld [tilespmem:s22+$0x110]  }
0x115: {  	v3 =	vadd.f32 v8, v3;
	v2 =	vadd.f32 v1, v2;
	v0 =	vmax.f32 v0, v1;
	v7 =	vld [tilespmem:s22+$0x150]  }
0x116: {  	v1 =	vmul.f32 v1, v1;
	v0 =	vmax.f32 v0, v6;
	v8 =	vld [tilespmem:s22+$0x190]  }
0x117: {  	v2 =	vadd.f32 v6, v2;
	v0 =	vmax.f32 v0, v9;
	v10 =	vld [tilespmem:s22+$0x1D0]  }
0x118: {  	v1 =	vadd.f32 v1, v3;
	v3 =	vmul.f32 v6, v6;
	v0 =	vmax.f32 v0, v4;
	v6 =	vld [tilespmem:s22+$0x210]  }
0x119: {  	v2 =	vadd.f32 v9, v2;
	v0 =	vmax.f32 v0, v5;
	v11 =	vld [tilespmem:s22+$0x250]  }
0x11a: {  	v1 =	vadd.f32 v3, v1;
	v3 =	vmul.f32 v9, v9;
	v0 =	vmax.f32 v0, v7  }
0x11b: {  	v2 =	vadd.f32 v4, v2;
	v0 =	vmax.f32 v0, v8  }
0x11c: {  	v1 =	vadd.f32 v3, v1;
	v3 =	vmul.f32 v4, v4;
	v0 =	vmax.f32 v0, v10  }
0x11d: {  	v2 =	vadd.f32 v5, v2;
	v0 =	vmax.f32 v0, v6  }
0x11e: {  	v1 =	vadd.f32 v3, v1;
	v3 =	vmul.f32 v5, v5;
	v0 =	vmax.f32 v0, v11  }
0x11f: {  	v2 =	vadd.f32 v7, v2;
	[tilespmem:s23+$0x17890] =	vst v0  }
0x120: {  	v0 =	vadd.f32 v3, v1;
	v1 =	vmul.f32 v7, v7  }
0x121: {  	v2 =	vadd.f32 v8, v2  }
0x122: {  	v0 =	vadd.f32 v1, v0;
	v1 =	vmul.f32 v8, v8  }
0x123: {  	v2 =	vadd.f32 v10, v2  }
0x124: {  	v0 =	vadd.f32 v1, v0;
	v1 =	vmul.f32 v10, v10  }
0x125: {  	v2 =	vadd.f32 v6, v2  }
0x126: {  	v0 =	vadd.f32 v1, v0;
	v1 =	vmul.f32 v6, v6  }
0x127: {  	v2 =	vadd.f32 v11, v2  }
0x128: {  	v0 =	vadd.f32 v1, v0;
	v1 =	vmul.f32 v11, v11  }
0x129: {  	[tilespmem:s23+$0x17810] =	vst v2  }
0x12a: {  	v0 =	vadd.f32 v1, v0;
	_ =	sdelay $0x1  }
0x12b: {  	[tilespmem:s23+$0x17850] =	vst v0  }
0x12c: {  	v0 =	vld [tilespmem:s22+$0xFFFFFDA0]  }
0x12d: {  	v1 =	vld [tilespmem:s22+$0xFFFFFDE0]  }
0x12e: {  	v2 =	vld [tilespmem:s22+$0xFFFFFE20]  }
0x12f: {  	v3 =	vld [tilespmem:s22+$0xFFFFFE60]  }
0x130: {  	v4 =	vld [tilespmem:s22+$0xFFFFFEA0]  }
0x131: {  	v5 =	vmul.f32 v0, v0;
	v6 =	vld [tilespmem:s22+$0xFFFFFEE0]  }
0x132: {  	v7 =	vadd.f32 v1, v0;
	v8 =	vmul.f32 v1, v1;
	v0 =	vmax.f32 v0, v1;
	v1 =	vld [tilespmem:s22+$0xFFFFFF20]  }
0x133: {  	v0 =	vmax.f32 v0, v2;
	v9 =	vld [tilespmem:s22+$0xFFFFFF60]  }
0x134: {  	v5 =	vadd.f32 v8, v5;
	v7 =	vadd.f32 v2, v7;
	v2 =	vmul.f32 v2, v2;
	v8 =	vld [tilespmem:s22+$0xFFFFFFA0]  }
0x135: {  	v0 =	vmax.f32 v0, v3;
	v10 =	vld [tilespmem:s22+$0xFFFFFFE0]  }
0x136: {  	v2 =	vadd.f32 v2, v5;
	v5 =	vadd.f32 v3, v7;
	v3 =	vmul.f32 v3, v3;
	v7 =	vld [tilespmem:s22+$0x20]  }
0x137: {  	v0 =	vmax.f32 v0, v4;
	v11 =	vld [tilespmem:s22+$0x60]  }
0x138: {  	v2 =	vadd.f32 v3, v2;
	v3 =	vadd.f32 v4, v5;
	v4 =	vmul.f32 v4, v4  }
0x139: {  	v0 =	vmax.f32 v0, v6  }
0x13a: {  	v2 =	vadd.f32 v4, v2;
	v3 =	vadd.f32 v6, v3;
	v4 =	vmul.f32 v6, v6  }
0x13b: {  	v0 =	vmax.f32 v0, v1  }
0x13c: {  	v2 =	vadd.f32 v4, v2;
	v3 =	vadd.f32 v1, v3;
	v1 =	vmul.f32 v1, v1  }
0x13d: {  	v0 =	vmax.f32 v0, v9  }
0x13e: {  	v1 =	vadd.f32 v1, v2;
	v2 =	vadd.f32 v9, v3;
	v3 =	vmul.f32 v9, v9  }
0x13f: {  	v0 =	vmax.f32 v0, v8  }
0x140: {  	v1 =	vadd.f32 v3, v1;
	v2 =	vadd.f32 v8, v2;
	v3 =	vmul.f32 v8, v8  }
0x141: {  	v0 =	vmax.f32 v0, v10  }
0x142: {  	v1 =	vadd.f32 v3, v1;
	v2 =	vadd.f32 v10, v2;
	v3 =	vmul.f32 v10, v10;
	v4 =	vld [tilespmem:s22+$0xA0]  }
0x143: {  	v0 =	vmax.f32 v0, v7;
	v5 =	vld [tilespmem:s22+$0xE0]  }
0x144: {  	v1 =	vadd.f32 v3, v1;
	v2 =	vadd.f32 v7, v2;
	v3 =	vmul.f32 v7, v7;
	v6 =	vld [tilespmem:s22+$0x120]  }
0x145: {  	v0 =	vmax.f32 v0, v11;
	v7 =	vld [tilespmem:s22+$0x160]  }
0x146: {  	v1 =	vadd.f32 v3, v1;
	v2 =	vadd.f32 v11, v2;
	v3 =	vmul.f32 v11, v11;
	v8 =	vld [tilespmem:s22+$0x1A0]  }
0x147: {  	v9 =	vmul.f32 v4, v4;
	v0 =	vmax.f32 v0, v4;
	v10 =	vld [tilespmem:s22+$0x1E0]  }
0x148: {  	v1 =	vadd.f32 v3, v1;
	v2 =	vadd.f32 v4, v2;
	v0 =	vmax.f32 v0, v5;
	v3 =	vld [tilespmem:s22+$0x220]  }
0x149: {  	v4 =	vmul.f32 v5, v5;
	v0 =	vmax.f32 v0, v6;
	v11 =	vld [tilespmem:s22+$0x260]  }
0x14a: {  	v1 =	vadd.f32 v9, v1;
	v2 =	vadd.f32 v5, v2;
	v0 =	vmax.f32 v0, v7  }
0x14b: {  	v5 =	vmul.f32 v6, v6;
	v0 =	vmax.f32 v0, v8  }
0x14c: {  	v1 =	vadd.f32 v4, v1;
	v2 =	vadd.f32 v6, v2;
	v0 =	vmax.f32 v0, v10  }
0x14d: {  	v4 =	vmul.f32 v7, v7;
	v0 =	vmax.f32 v0, v3  }
0x14e: {  	v1 =	vadd.f32 v5, v1;
	v2 =	vadd.f32 v7, v2;
	v0 =	vmax.f32 v0, v11  }
0x14f: {  	[tilespmem:s23+$0x178A0] =	vst v0  }
0x150: {  	v0 =	vadd.f32 v4, v1;
	v1 =	vadd.f32 v8, v2;
	v2 =	vmul.f32 v8, v8;
	_ =	sdelay $0x1  }
0x151: {  	v0 =	vadd.f32 v2, v0;
	v1 =	vadd.f32 v10, v1;
	v2 =	vmul.f32 v10, v10;
	_ =	sdelay $0x1  }
0x152: {  	v0 =	vadd.f32 v2, v0;
	v1 =	vadd.f32 v3, v1;
	v2 =	vmul.f32 v3, v3;
	_ =	sdelay $0x1  }
0x153: {  	v0 =	vadd.f32 v2, v0;
	v1 =	vadd.f32 v11, v1;
	v2 =	vmul.f32 v11, v11;
	_ =	sdelay $0x1  }
0x154: {  	v0 =	vadd.f32 v2, v0;
	[tilespmem:s23+$0x17820] =	vst v1;
	_ =	sdelay $0x1  }
0x155: {  	[tilespmem:s23+$0x17860] =	vst v0  }
0x156: {  	v0 =	vld [tilespmem:s22+$0xFFFFFDB0]  }
0x157: {  	v1 =	vld [tilespmem:s22+$0xFFFFFDF0]  }
0x158: {  	v2 =	vld [tilespmem:s22+$0xFFFFFE30]  }
0x159: {  	v3 =	vld [tilespmem:s22+$0xFFFFFE70]  }
0x15a: {  	v4 =	vld [tilespmem:s22+$0xFFFFFEB0]  }
0x15b: {  	v5 =	vmul.f32 v0, v0;
	v6 =	vld [tilespmem:s22+$0xFFFFFEF0]  }
0x15c: {  	v7 =	vadd.f32 v1, v0;
	v8 =	vmul.f32 v1, v1;
	v0 =	vmax.f32 v0, v1;
	v1 =	vld [tilespmem:s22+$0xFFFFFF30]  }
0x15d: {  	v0 =	vmax.f32 v0, v2;
	v9 =	vld [tilespmem:s22+$0xFFFFFF70]  }
0x15e: {  	v5 =	vadd.f32 v8, v5;
	v7 =	vadd.f32 v2, v7;
	v2 =	vmul.f32 v2, v2;
	v8 =	vld [tilespmem:s22+$0xFFFFFFB0]  }
0x15f: {  	v0 =	vmax.f32 v0, v3;
	v10 =	vld [tilespmem:s22+$0xFFFFFFF0]  }
0x160: {  	v2 =	vadd.f32 v2, v5;
	v5 =	vadd.f32 v3, v7;
	v3 =	vmul.f32 v3, v3;
	v7 =	vld [tilespmem:s22+$0x30]  }
0x161: {  	v0 =	vmax.f32 v0, v4;
	v11 =	vld [tilespmem:s22+$0x70]  }
0x162: {  	v2 =	vadd.f32 v3, v2;
	v3 =	vadd.f32 v4, v5;
	v4 =	vmul.f32 v4, v4;
	v5 =	vld [tilespmem:s22+$0xB0]  }
0x163: {  	v0 =	vmax.f32 v0, v6;
	v12 =	vld [tilespmem:s22+$0xF0]  }
0x164: {  	v2 =	vadd.f32 v4, v2;
	v3 =	vadd.f32 v6, v3;
	v4 =	vmul.f32 v6, v6;
	v6 =	vld [tilespmem:s22+$0x130]  }
0x165: {  	v0 =	vmax.f32 v0, v1;
	v13 =	vld [tilespmem:s22+$0x170]  }
0x166: {  	v2 =	vadd.f32 v4, v2;
	v3 =	vadd.f32 v1, v3;
	v1 =	vmul.f32 v1, v1;
	v4 =	vld [tilespmem:s22+$0x1B0]  }
0x167: {  	v0 =	vmax.f32 v0, v9;
	v14 =	vld [tilespmem:s22+$0x1F0]  }
0x168: {  	v2 =	vadd.f32 v1, v2;
	v3 =	vadd.f32 v9, v3;
	v9 =	vmul.f32 v9, v9;
	v1 =	vld [tilespmem:s22+$0x230]  }
0x169: {  	v15 =	vmax.f32 v0, v8;
	v0 =	vld [tilespmem:s22+$0x270]  }
0x16a: {  	v2 =	vadd.f32 v9, v2;
	v3 =	vadd.f32 v8, v3;
	v8 =	vmul.f32 v8, v8  }
0x16b: {  	v9 =	vmax.f32 v15, v10  }
0x16c: {  	v8 =	vadd.f32 v8, v2;
	v3 =	vadd.f32 v10, v3;
	v10 =	vmul.f32 v10, v10  }
0x16d: {  	v9 =	vmax.f32 v9, v7;
	v2 =	vmul.f32 v1, v1  }
0x16e: {  	v8 =	vadd.f32 v10, v8;
	v3 =	vadd.f32 v7, v3;
	v7 =	vmul.f32 v7, v7  }
0x16f: {  	v9 =	vmax.f32 v9, v11  }
0x170: {  	v7 =	vadd.f32 v7, v8;
	v3 =	vadd.f32 v11, v3;
	v8 =	vmul.f32 v11, v11  }
0x171: {  	v9 =	vmax.f32 v9, v5;
	v10 =	vmul.f32 v5, v5  }
0x172: {  	v7 =	vadd.f32 v8, v7;
	v3 =	vadd.f32 v5, v3;
	v5 =	vmax.f32 v9, v12  }
0x173: {  	v8 =	vmul.f32 v12, v12;
	v5 =	vmax.f32 v5, v6  }
0x174: {  	v7 =	vadd.f32 v10, v7;
	v3 =	vadd.f32 v12, v3;
	v5 =	vmax.f32 v5, v13  }
0x175: {  	v9 =	vmul.f32 v6, v6;
	v5 =	vmax.f32 v5, v4  }
0x176: {  	v7 =	vadd.f32 v8, v7;
	v3 =	vadd.f32 v6, v3;
	v5 =	vmax.f32 v5, v14  }
0x177: {  	v6 =	vmul.f32 v13, v13;
	v5 =	vmax.f32 v5, v1  }
.Ltmp0:
0x178: {  	v7 =	vadd.f32 v9, v7;
	v3 =	vadd.f32 v13, v3;
	v5 =	vmax.f32 v5, v0;
	(pc) =	sbr.rel @p2 .LBB2_3-.Ltmp0, $3  }
0x179: {  	[tilespmem:s23+$0x178B0] =	vst v5  }
0x17a: {  	v5 =	vadd.f32 v6, v7;
	v6 =	vadd.f32 v4, v3;
	v3 =	vmul.f32 v4, v4;
	_ =	sdelay $0x1  }
0x17b: {  	v3 =	vadd.f32 v3, v5;
	v4 =	vadd.f32 v14, v6;
	v5 =	vmul.f32 v14, v14  }
0x17c: {  	_ = 	snop  }
0x17d: {  	v3 =	vadd.f32 v5, v3  }
0x17e: {  	v1 =	vadd.f32 v1, v4  }
0x17f: {  	v61 =	vmul.f32 v0, v0;
	s22 =	sshll.u32 s20, $0x4;
	p2 =	sne.s32 s20, $0x1F;
	v2 =	vadd.f32 v2, v3  }
.Ltmp1:
0x180: {  	s22 =	sadd.s32 s5, s22;
	v62 =	vadd.f32 v0, v1;
	(pc) =	sbr.rel @p2 .LBB2_6-.Ltmp1, $4  }
0x181: {  	s22 =	smul.u32 $0x18, s22;
	v63 =	vadd.f32 v61, v2  }
0x182: {  	[tilespmem:s23+$0x17830] =	vst v62  }
0x183: {  	s22 =	sadd.s32 s4, s22;
	[tilespmem:s23+$0x17870] =	vst v63  }
0x184: {  	[hbm4b:s22+s3] =	stream.linear.scatter [tilespmem:s14], [sflag:$0x3], $0x600, $0x38;
	[tilespmem:$0x18400] =	vst v63  }
.Ltmp2:
0x185: {  	(pc) =	sbr.rel .LBB2_7-.Ltmp2, $4  }
0x186: {  	_ = 	snop  }
0x187: {  	_ =	swait.ge [sflag:s15], $0x2800  }
0x188: {  	[sflag:s15] =	ssyncset.done $0x0  }
0x189: {  	[sflag:s15] =	ssyncadd.s32 $0xFFFFD800  }
.LBB2_6:
0x18a: {  	s22 =	smul.u32 $0x500, s20;
	_ =	sdelay $0x1  }
0x18b: {  	s22 =	sshra.s32 s22, $0x2  }
.Ltmp3:
0x18c: {  	s22 =	sadd.s32 $0x140, s22;
	(pc) =	sbr.rel @p1 .LBB2_8-.Ltmp3, $4  }
0x18d: {  	[tilespmem:s11], [sflag:$0x1] =	stream.indirect.gather [spmem:s2], $0x40, s22, s10, $0xb8;
	[tilespmem:$0x18400] =	vst v63  }
0x18e: {  	_ =	swait.ge [sflag:s15], $0x2800  }
0x18f: {  	[sflag:s15] =	ssyncset.done $0x0  }
0x190: {  	[sflag:s15] =	ssyncadd.s32 $0xFFFFD800  }
.LBB2_7:
0x191: {  	_ =	swait.ge [sflag:s16], $0x600  }
0x192: {  	[sflag:s16] =	ssyncset.done $0x0  }
0x193: {  	[sflag:s16] =	ssyncadd.s32 $0xFFFFFA00  }
.LBB2_8:
0x194: {  	s22 =	simm.s32 $0x15280  }
0x195: {  	v0 =	vld [tilespmem:s22+$0xFFFFFDC0]  }
0x196: {  	v1 =	vld [tilespmem:s22+$0xFFFFFD80];
	_ =	sdelay $0x1  }
0x197: {  	v2 =	vld [tilespmem:s22+$0xFFFFFE00];
	_ =	sdelay $0x1  }
0x198: {  	v3 =	vld [tilespmem:s22+$0xFFFFFE40]  }
0x199: {  	v4 =	vmul.f32 v0, v0;
	v5 =	vmul.f32 v1, v1;
	v6 =	vadd.f32 v0, v1  }
0x19a: {  	v7 =	vld [tilespmem:s22+$0xFFFFFE80]  }
0x19b: {  	v8 =	vmul.f32 v2, v2;
	v4 =	vadd.f32 v4, v5;
	v5 =	vadd.f32 v2, v6  }
0x19c: {  	v0 =	vmax.f32 v1, v0;
	v1 =	vld [tilespmem:s22+$0xFFFFFEC0]  }
0x19d: {  	v6 =	vmul.f32 v3, v3;
	v4 =	vadd.f32 v8, v4;
	v5 =	vadd.f32 v3, v5  }
0x19e: {  	v0 =	vmax.f32 v0, v2;
	v2 =	vld [tilespmem:s22+$0xFFFFFF00]  }
0x19f: {  	v39 =	vmul.f32 v7, v7;
	v4 =	vadd.f32 v6, v4;
	v5 =	vadd.f32 v7, v5  }
0x1a0: {  	v0 =	vmax.f32 v0, v3;
	v3 =	vld [tilespmem:s22+$0xFFFFFF40]  }
0x1a1: {  	v6 =	vmul.f32 v1, v1;
	v4 =	vadd.f32 v39, v4;
	v5 =	vadd.f32 v1, v5  }
0x1a2: {  	v40 =	vld [tilespmem:s22+$0xFFFFFF80];
	v0 =	vmax.f32 v0, v7  }
0x1a3: {  	v7 =	vmul.f32 v2, v2;
	v4 =	vadd.f32 v6, v4;
	v5 =	vadd.f32 v2, v5  }
0x1a4: {  	v0 =	vmax.f32 v0, v1;
	v1 =	vld [tilespmem:s22+$0xFFFFFFC0]  }
0x1a5: {  	v6 =	vmul.f32 v3, v3;
	v4 =	vadd.f32 v7, v4;
	v5 =	vadd.f32 v3, v5  }
0x1a6: {  	v0 =	vmax.f32 v0, v2;
	v7 =	vld [tilespmem:s22+$0x0]  }
0x1a7: {  	v2 =	vmul.f32 v40, v40;
	v4 =	vadd.f32 v6, v4;
	v5 =	vadd.f32 v40, v5  }
0x1a8: {  	v0 =	vmax.f32 v0, v3;
	v6 =	vld [tilespmem:s22+$0x40]  }
0x1a9: {  	v3 =	vmul.f32 v1, v1;
	v2 =	vadd.f32 v2, v4;
	v4 =	vadd.f32 v1, v5  }
0x1aa: {  	v0 =	vmax.f32 v0, v40;
	v5 =	vld [tilespmem:s22+$0x80]  }
0x1ab: {  	v2 =	vadd.f32 v3, v2;
	v3 =	vadd.f32 v7, v4;
	v4 =	vmul.f32 v7, v7  }
0x1ac: {  	v0 =	vmax.f32 v0, v1;
	v1 =	vld [tilespmem:s22+$0xC0]  }
0x1ad: {  	v41 =	vmul.f32 v6, v6;
	v2 =	vadd.f32 v4, v2;
	v3 =	vadd.f32 v6, v3  }
0x1ae: {  	v0 =	vmax.f32 v0, v7;
	v4 =	vld [tilespmem:s22+$0x100]  }
0x1af: {  	v7 =	vmul.f32 v5, v5;
	v2 =	vadd.f32 v41, v2;
	v3 =	vadd.f32 v5, v3  }
0x1b0: {  	v0 =	vmax.f32 v0, v6;
	v6 =	vld [tilespmem:s22+$0x140]  }
0x1b1: {  	v42 =	vmul.f32 v1, v1;
	v2 =	vadd.f32 v7, v2;
	v3 =	vadd.f32 v1, v3  }
0x1b2: {  	v0 =	vmax.f32 v0, v5;
	v7 =	vld [tilespmem:s22+$0x180]  }
0x1b3: {  	v5 =	vmul.f32 v4, v4;
	v2 =	vadd.f32 v42, v2;
	v3 =	vadd.f32 v4, v3  }
0x1b4: {  	v43 =	vld [tilespmem:s22+$0x1C0];
	v0 =	vmax.f32 v0, v1  }
0x1b5: {  	v1 =	vadd.f32 v5, v2;
	v2 =	vadd.f32 v6, v3;
	v3 =	vmul.f32 v6, v6  }
0x1b6: {  	v5 =	vld [tilespmem:s22+$0x200]  }
0x1b7: {  	v1 =	vadd.f32 v3, v1;
	v3 =	vmul.f32 v7, v7  }
0x1b8: {  	v0 =	vmax.f32 v0, v4;
	v4 =	vld [tilespmem:s22+$0x240];
	v2 =	vadd.f32 v7, v2  }
0x1b9: {  	v1 =	vadd.f32 v3, v1;
	v3 =	vmul.f32 v43, v43  }
0x1ba: {  	v0 =	vmax.f32 v0, v6;
	v2 =	vadd.f32 v43, v2  }
0x1bb: {  	v0 =	vmax.f32 v0, v7;
	v1 =	vadd.f32 v3, v1;
	v3 =	vmul.f32 v5, v5  }
0x1bc: {  	v0 =	vmax.f32 v0, v43;
	v2 =	vadd.f32 v5, v2  }
0x1bd: {  	v0 =	vmax.f32 v0, v5;
	v1 =	vadd.f32 v3, v1;
	v3 =	vmul.f32 v4, v4  }
0x1be: {  	s23 =	simm.s32 $0x0;
	v0 =	vmax.f32 v0, v4;
	v2 =	vadd.f32 v4, v2  }
0x1bf: {  	[tilespmem:s23+$0x17E80] =	vst v0;
	v1 =	vadd.f32 v3, v1  }
0x1c0: {  	[tilespmem:s23+$0x17E00] =	vst v2  }
0x1c1: {  	[tilespmem:s23+$0x17E40] =	vst v1  }
0x1c2: {  	v0 =	vld [tilespmem:s22+$0xFFFFFD90]  }
0x1c3: {  	v1 =	vld [tilespmem:s22+$0xFFFFFDD0];
	_ =	sdelay $0x1  }
0x1c4: {  	v2 =	vld [tilespmem:s22+$0xFFFFFE10];
	_ =	sdelay $0x1  }
0x1c5: {  	v3 =	vld [tilespmem:s22+$0xFFFFFE50]  }
0x1c6: {  	v4 =	vmul.f32 v0, v0;
	v5 =	vmul.f32 v1, v1  }
0x1c7: {  	v7 =	vld [tilespmem:s22+$0xFFFFFE90];
	v6 =	vadd.f32 v1, v0  }
0x1c8: {  	v4 =	vadd.f32 v5, v4;
	v5 =	vmul.f32 v2, v2  }
0x1c9: {  	v44 =	vld [tilespmem:s22+$0xFFFFFED0];
	v6 =	vadd.f32 v2, v6  }
0x1ca: {  	v4 =	vadd.f32 v5, v4;
	v5 =	vmul.f32 v3, v3  }
0x1cb: {  	v9 =	vld [tilespmem:s22+$0xFFFFFF10];
	v6 =	vadd.f32 v3, v6  }
0x1cc: {  	v4 =	vadd.f32 v5, v4;
	v5 =	vmul.f32 v7, v7  }
0x1cd: {  	v10 =	vld [tilespmem:s22+$0xFFFFFF50];
	v6 =	vadd.f32 v7, v6  }
0x1ce: {  	v4 =	vadd.f32 v5, v4;
	v5 =	vmul.f32 v44, v44  }
0x1cf: {  	v11 =	vld [tilespmem:s22+$0xFFFFFF90];
	v6 =	vadd.f32 v44, v6  }
0x1d0: {  	v4 =	vadd.f32 v5, v4;
	v5 =	vmul.f32 v9, v9  }
0x1d1: {  	v12 =	vld [tilespmem:s22+$0xFFFFFFD0];
	v6 =	vadd.f32 v9, v6  }
0x1d2: {  	v4 =	vadd.f32 v5, v4;
	v5 =	vmul.f32 v10, v10  }
0x1d3: {  	v13 =	vld [tilespmem:s22+$0x10];
	v6 =	vadd.f32 v10, v6  }
0x1d4: {  	v4 =	vadd.f32 v5, v4;
	v5 =	vmul.f32 v11, v11  }
0x1d5: {  	v14 =	vld [tilespmem:s22+$0x50];
	v6 =	vadd.f32 v11, v6  }
0x1d6: {  	v15 =	vmul.f32 v12, v12;
	v4 =	vadd.f32 v5, v4  }
0x1d7: {  	v5 =	vld [tilespmem:s22+$0x90];
	v6 =	vadd.f32 v12, v6  }
0x1d8: {  	v45 =	vmul.f32 v13, v13;
	v4 =	vadd.f32 v15, v4  }
0x1d9: {  	v0 =	vmax.f32 v0, v1;
	v1 =	vld [tilespmem:s22+$0xD0];
	v6 =	vadd.f32 v13, v6  }
0x1da: {  	v0 =	vmax.f32 v0, v2;
	v2 =	vadd.f32 v45, v4;
	v4 =	vmul.f32 v14, v14  }
0x1db: {  	v0 =	vmax.f32 v0, v3;
	v3 =	vld [tilespmem:s22+$0x110];
	v6 =	vadd.f32 v14, v6  }
0x1dc: {  	v0 =	vmax.f32 v0, v7;
	v2 =	vadd.f32 v4, v2;
	v4 =	vmul.f32 v5, v5  }
0x1dd: {  	v0 =	vmax.f32 v0, v44;
	v7 =	vld [tilespmem:s22+$0x150];
	v6 =	vadd.f32 v5, v6  }
0x1de: {  	v0 =	vmax.f32 v0, v9;
	v2 =	vadd.f32 v4, v2;
	v4 =	vmul.f32 v1, v1  }
0x1df: {  	v46 =	vld [tilespmem:s22+$0x190];
	v0 =	vmax.f32 v0, v10;
	v6 =	vadd.f32 v1, v6  }
0x1e0: {  	v0 =	vmax.f32 v0, v11;
	v2 =	vadd.f32 v4, v2;
	v4 =	vmul.f32 v3, v3  }
0x1e1: {  	v47 =	vld [tilespmem:s22+$0x1D0];
	v0 =	vmax.f32 v0, v12;
	v6 =	vadd.f32 v3, v6  }
0x1e2: {  	v0 =	vmax.f32 v0, v13;
	v2 =	vadd.f32 v4, v2;
	v4 =	vmul.f32 v7, v7  }
0x1e3: {  	v48 =	vld [tilespmem:s22+$0x210];
	v0 =	vmax.f32 v0, v14;
	v6 =	vadd.f32 v7, v6  }
0x1e4: {  	v0 =	vmax.f32 v0, v5;
	v2 =	vadd.f32 v4, v2;
	v4 =	vmul.f32 v46, v46  }
0x1e5: {  	v0 =	vmax.f32 v0, v1;
	v1 =	vld [tilespmem:s22+$0x250];
	v5 =	vadd.f32 v46, v6  }
0x1e6: {  	v0 =	vmax.f32 v0, v3;
	v3 =	vmul.f32 v47, v47;
	v2 =	vadd.f32 v4, v2  }
0x1e7: {  	v0 =	vmax.f32 v0, v7;
	v4 =	vadd.f32 v47, v5  }
0x1e8: {  	v0 =	vmax.f32 v0, v46;
	v2 =	vadd.f32 v3, v2;
	v3 =	vmul.f32 v48, v48  }
0x1e9: {  	v0 =	vmax.f32 v0, v47;
	v4 =	vadd.f32 v48, v4  }
0x1ea: {  	v0 =	vmax.f32 v0, v48;
	v2 =	vadd.f32 v3, v2;
	v3 =	vmul.f32 v1, v1  }
0x1eb: {  	v0 =	vmax.f32 v0, v1;
	v1 =	vadd.f32 v1, v4  }
0x1ec: {  	[tilespmem:s23+$0x17E90] =	vst v0;
	v0 =	vadd.f32 v3, v2  }
0x1ed: {  	[tilespmem:s23+$0x17E10] =	vst v1  }
0x1ee: {  	[tilespmem:s23+$0x17E50] =	vst v0  }
0x1ef: {  	v0 =	vld [tilespmem:s22+$0xFFFFFDA0]  }
0x1f0: {  	v1 =	vld [tilespmem:s22+$0xFFFFFDE0];
	_ =	sdelay $0x1  }
0x1f1: {  	v2 =	vld [tilespmem:s22+$0xFFFFFE20];
	_ =	sdelay $0x1  }
0x1f2: {  	v3 =	vld [tilespmem:s22+$0xFFFFFE60]  }
0x1f3: {  	v4 =	vmul.f32 v0, v0;
	v5 =	vmul.f32 v1, v1  }
0x1f4: {  	v6 =	vld [tilespmem:s22+$0xFFFFFEA0];
	v7 =	vadd.f32 v1, v0  }
0x1f5: {  	v4 =	vadd.f32 v5, v4;
	v5 =	vmul.f32 v2, v2  }
0x1f6: {  	v49 =	vld [tilespmem:s22+$0xFFFFFEE0];
	v7 =	vadd.f32 v2, v7  }
0x1f7: {  	v4 =	vadd.f32 v5, v4;
	v5 =	vmul.f32 v3, v3  }
0x1f8: {  	v50 =	vld [tilespmem:s22+$0xFFFFFF20];
	v7 =	vadd.f32 v3, v7  }
0x1f9: {  	v4 =	vadd.f32 v5, v4;
	v5 =	vmul.f32 v6, v6  }
0x1fa: {  	v51 =	vld [tilespmem:s22+$0xFFFFFF60];
	v7 =	vadd.f32 v6, v7  }
0x1fb: {  	v4 =	vadd.f32 v5, v4;
	v5 =	vmul.f32 v49, v49  }
0x1fc: {  	v52 =	vld [tilespmem:s22+$0xFFFFFFA0];
	v7 =	vadd.f32 v49, v7  }
0x1fd: {  	v4 =	vadd.f32 v5, v4;
	v5 =	vmul.f32 v50, v50  }
0x1fe: {  	v53 =	vld [tilespmem:s22+$0xFFFFFFE0];
	v7 =	vadd.f32 v50, v7  }
0x1ff: {  	v4 =	vadd.f32 v5, v4;
	v5 =	vmul.f32 v51, v51  }
0x200: {  	v54 =	vld [tilespmem:s22+$0x20];
	v7 =	vadd.f32 v51, v7  }
0x201: {  	v4 =	vadd.f32 v5, v4;
	v5 =	vmul.f32 v52, v52  }
0x202: {  	v55 =	vld [tilespmem:s22+$0x60];
	v7 =	vadd.f32 v52, v7  }
0x203: {  	v4 =	vadd.f32 v5, v4;
	v5 =	vmul.f32 v53, v53  }
0x204: {  	v56 =	vld [tilespmem:s22+$0xA0];
	v7 =	vadd.f32 v53, v7  }
0x205: {  	v4 =	vadd.f32 v5, v4;
	v5 =	vmul.f32 v54, v54  }
0x206: {  	v0 =	vmax.f32 v0, v1;
	v1 =	vld [tilespmem:s22+$0xE0];
	v7 =	vadd.f32 v54, v7  }
0x207: {  	v0 =	vmax.f32 v0, v2;
	v2 =	vadd.f32 v5, v4;
	v4 =	vmul.f32 v55, v55  }
0x208: {  	v0 =	vmax.f32 v0, v3;
	v3 =	vld [tilespmem:s22+$0x120];
	v5 =	vadd.f32 v55, v7  }
0x209: {  	v0 =	vmax.f32 v0, v6;
	v6 =	vmul.f32 v56, v56;
	v2 =	vadd.f32 v4, v2  }
0x20a: {  	v0 =	vmax.f32 v0, v49;
	v4 =	vld [tilespmem:s22+$0x160];
	v5 =	vadd.f32 v56, v5  }
0x20b: {  	v0 =	vmax.f32 v0, v50;
	v7 =	vmul.f32 v1, v1;
	v2 =	vadd.f32 v6, v2  }
0x20c: {  	v0 =	vmax.f32 v0, v51;
	v6 =	vld [tilespmem:s22+$0x1A0];
	v5 =	vadd.f32 v1, v5  }
0x20d: {  	v0 =	vmax.f32 v0, v52;
	v57 =	vmul.f32 v3, v3;
	v2 =	vadd.f32 v7, v2  }
0x20e: {  	v0 =	vmax.f32 v0, v53;
	v7 =	vld [tilespmem:s22+$0x1E0];
	v5 =	vadd.f32 v3, v5  }
0x20f: {  	v0 =	vmax.f32 v0, v54;
	v58 =	vmul.f32 v4, v4;
	v2 =	vadd.f32 v57, v2  }
0x210: {  	v59 =	vld [tilespmem:s22+$0x220];
	v0 =	vmax.f32 v0, v55;
	v5 =	vadd.f32 v4, v5  }
0x211: {  	v0 =	vmax.f32 v0, v56;
	v60 =	vmul.f32 v6, v6;
	v2 =	vadd.f32 v58, v2  }
0x212: {  	v0 =	vmax.f32 v0, v1;
	v1 =	vld [tilespmem:s22+$0x260];
	v5 =	vadd.f32 v6, v5  }
0x213: {  	v0 =	vmax.f32 v0, v3;
	v3 =	vmul.f32 v7, v7;
	v2 =	vadd.f32 v60, v2  }
0x214: {  	v0 =	vmax.f32 v0, v4;
	v4 =	vadd.f32 v7, v5  }
0x215: {  	v0 =	vmax.f32 v0, v6;
	v2 =	vadd.f32 v3, v2;
	v3 =	vmul.f32 v59, v59  }
0x216: {  	v0 =	vmax.f32 v0, v7;
	v4 =	vadd.f32 v59, v4  }
0x217: {  	v0 =	vmax.f32 v0, v59;
	v2 =	vadd.f32 v3, v2;
	v3 =	vmul.f32 v1, v1  }
0x218: {  	v0 =	vmax.f32 v0, v1;
	v1 =	vadd.f32 v1, v4  }
0x219: {  	[tilespmem:s23+$0x17EA0] =	vst v0;
	v0 =	vadd.f32 v3, v2  }
0x21a: {  	[tilespmem:s23+$0x17E20] =	vst v1  }
0x21b: {  	[tilespmem:s23+$0x17E60] =	vst v0  }
0x21c: {  	v0 =	vld [tilespmem:s22+$0xFFFFFDB0]  }
0x21d: {  	v1 =	vld [tilespmem:s22+$0xFFFFFDF0]  }
0x21e: {  	v2 =	vld [tilespmem:s22+$0xFFFFFE30];
	_ =	sdelay $0x1  }
0x21f: {  	v3 =	vld [tilespmem:s22+$0xFFFFFE70]  }
0x220: {  	v4 =	vmul.f32 v0, v0  }
0x221: {  	v7 =	vld [tilespmem:s22+$0xFFFFFEB0];
	v5 =	vadd.f32 v1, v0;
	v6 =	vmul.f32 v1, v1;
	v0 =	vmax.f32 v0, v1  }
0x222: {  	v0 =	vmax.f32 v0, v2  }
0x223: {  	v1 =	vadd.f32 v6, v4;
	v4 =	vadd.f32 v2, v5;
	v5 =	vmul.f32 v2, v2;
	v6 =	vld [tilespmem:s22+$0xFFFFFEF0]  }
0x224: {  	v0 =	vmax.f32 v0, v3  }
0x225: {  	v1 =	vadd.f32 v5, v1;
	v2 =	vadd.f32 v3, v4;
	v4 =	vmul.f32 v3, v3;
	v5 =	vld [tilespmem:s22+$0xFFFFFF30]  }
0x226: {  	v0 =	vmax.f32 v0, v7  }
0x227: {  	v3 =	vmul.f32 v7, v7;
	v1 =	vadd.f32 v4, v1;
	v2 =	vadd.f32 v7, v2;
	v4 =	vld [tilespmem:s22+$0xFFFFFF70]  }
0x228: {  	v0 =	vmax.f32 v0, v6  }
0x229: {  	v7 =	vld [tilespmem:s22+$0xFFFFFFB0];
	v1 =	vadd.f32 v3, v1;
	v2 =	vadd.f32 v6, v2;
	v3 =	vmul.f32 v6, v6  }
0x22a: {  	v0 =	vmax.f32 v0, v5  }
0x22b: {  	v6 =	vld [tilespmem:s22+$0xFFFFFFF0];
	v1 =	vadd.f32 v3, v1;
	v2 =	vadd.f32 v5, v2;
	v3 =	vmul.f32 v5, v5  }
0x22c: {  	v0 =	vmax.f32 v0, v4  }
0x22d: {  	v5 =	vld [tilespmem:s22+$0x30];
	v1 =	vadd.f32 v3, v1;
	v2 =	vadd.f32 v4, v2;
	v3 =	vmul.f32 v4, v4  }
0x22e: {  	v0 =	vmax.f32 v0, v7  }
0x22f: {  	v4 =	vld [tilespmem:s22+$0x70];
	v1 =	vadd.f32 v3, v1;
	v2 =	vadd.f32 v7, v2;
	v3 =	vmul.f32 v7, v7  }
0x230: {  	v0 =	vmax.f32 v0, v6  }
0x231: {  	v7 =	vld [tilespmem:s22+$0xB0];
	v1 =	vadd.f32 v3, v1;
	v2 =	vadd.f32 v6, v2;
	v3 =	vmul.f32 v6, v6  }
0x232: {  	v0 =	vmax.f32 v0, v5  }
0x233: {  	v6 =	vld [tilespmem:s22+$0xF0];
	v1 =	vadd.f32 v3, v1;
	v2 =	vadd.f32 v5, v2;
	v3 =	vmul.f32 v5, v5  }
0x234: {  	v61 =	vld [tilespmem:s22+$0x130];
	v0 =	vmax.f32 v0, v4  }
0x235: {  	v5 =	vld [tilespmem:s22+$0x170];
	v1 =	vadd.f32 v3, v1;
	v2 =	vadd.f32 v4, v2;
	v3 =	vmul.f32 v4, v4  }
0x236: {  	v62 =	vld [tilespmem:s22+$0x1B0];
	v0 =	vmax.f32 v0, v7  }
0x237: {  	v63 =	vld [tilespmem:s22+$0x1F0];
	v4 =	vmul.f32 v7, v7;
	v3 =	vadd.f32 v3, v1;
	v2 =	vadd.f32 v7, v2  }
0x238: {  	v0 =	vmax.f32 v0, v6;
	v7 =	vmul.f32 v6, v6  }
0x239: {  	v1 =	vld [tilespmem:s22+$0x230];
	v0 =	vmax.f32 v0, v61;
	v3 =	vadd.f32 v4, v3;
	v2 =	vadd.f32 v6, v2  }
0x23a: {  	v4 =	vmax.f32 v0, v5;
	v6 =	vmul.f32 v61, v61  }
0x23b: {  	v0 =	vld [tilespmem:s22+$0x270];
	v4 =	vmax.f32 v4, v62;
	v3 =	vadd.f32 v7, v3;
	v2 =	vadd.f32 v61, v2  }
0x23c: {  	v4 =	vmax.f32 v4, v63  }
0x23d: {  	v7 =	vmul.f32 v5, v5;
	v3 =	vadd.f32 v6, v3;
	v2 =	vadd.f32 v5, v2  }
0x23e: {  	v4 =	vmax.f32 v4, v1  }
0x23f: {  	v6 =	vmul.f32 v62, v62;
	v3 =	vadd.f32 v7, v3;
	v5 =	vadd.f32 v62, v2  }
0x240: {  	v4 =	vmax.f32 v4, v0;
	v2 =	vmul.f32 v1, v1  }
0x241: {  	s20 =	sadd.s32 $0x1, s20;
	s24 =	simm.s32 $0x300;
	[tilespmem:s23+$0x17EB0] =	vst v4;
	v3 =	vadd.f32 v6, v3;
	v4 =	vadd.f32 v63, v5;
	v5 =	vmul.f32 v63, v63  }
.LBB2_9:
0x242: {  	p1 =	sne.s32 s24, $0x1500  }
0x243: {  	s22 =	sadd.s32 $0x500, s22;
	s25 =	smov.u32 s24;
	s24 =	sadd.s32 $0x300, s24;
	v3 =	vadd.f32 v5, v3;
	v1 =	vadd.f32 v1, v4  }
0x244: {  	_ = 	snop  }
0x245: {  	v2 =	vadd.f32 v2, v3;
	v1 =	vadd.f32 v0, v1;
	v0 =	vmul.f32 v0, v0;
	_ =	sdelay $0x1  }
0x246: {  	v0 =	vadd.f32 v0, v2;
	[tilespmem:s23+$0x17E30] =	vst v1;
	_ =	sdelay $0x1  }
0x247: {  	[tilespmem:s23+$0x17E70] =	vst v0  }
0x248: {  	v0 =	vld [tilespmem:s22+$0xFFFFFE00]  }
0x249: {  	v1 =	vld [tilespmem:s22+$0xFFFFFDC0]  }
0x24a: {  	v2 =	vld [tilespmem:s22+$0xFFFFFD80];
	_ =	sdelay $0x1  }
0x24b: {  	v3 =	vld [tilespmem:s22+$0xFFFFFE40];
	_ =	sdelay $0x1  }
0x24c: {  	v4 =	vmul.f32 v1, v1;
	v5 =	vld [tilespmem:s22+$0xFFFFFE80]  }
0x24d: {  	v8 =	vmul.f32 v0, v0;
	v6 =	vmul.f32 v2, v2;
	v7 =	vadd.f32 v1, v2  }
0x24e: {  	v1 =	vmax.f32 v2, v1;
	v2 =	vld [tilespmem:s22+$0xFFFFFEC0]  }
0x24f: {  	v4 =	vadd.f32 v4, v6;
	v6 =	vadd.f32 v0, v7;
	v7 =	vmul.f32 v3, v3  }
0x250: {  	v0 =	vmax.f32 v1, v0;
	v1 =	vld [tilespmem:s22+$0xFFFFFF00]  }
0x251: {  	v4 =	vadd.f32 v8, v4;
	v6 =	vadd.f32 v3, v6;
	v8 =	vmul.f32 v5, v5  }
0x252: {  	v0 =	vmax.f32 v0, v3;
	v3 =	vld [tilespmem:s22+$0xFFFFFF40]  }
0x253: {  	v4 =	vadd.f32 v7, v4;
	v6 =	vadd.f32 v5, v6;
	v7 =	vmul.f32 v2, v2;
	v9 =	vld [tilespmem:s22+$0xFFFFFF80]  }
0x254: {  	v0 =	vmax.f32 v0, v5  }
0x255: {  	v4 =	vadd.f32 v8, v4;
	v5 =	vadd.f32 v2, v6;
	v6 =	vmul.f32 v1, v1  }
0x256: {  	v0 =	vmax.f32 v0, v2;
	v2 =	vld [tilespmem:s22+$0xFFFFFFC0]  }
0x257: {  	v4 =	vadd.f32 v7, v4;
	v5 =	vadd.f32 v1, v5;
	v7 =	vmul.f32 v3, v3;
	v8 =	vld [tilespmem:s22+$0x0]  }
0x258: {  	v0 =	vmax.f32 v0, v1  }
0x259: {  	v1 =	vadd.f32 v6, v4;
	v4 =	vadd.f32 v3, v5;
	v5 =	vmul.f32 v9, v9;
	v6 =	vld [tilespmem:s22+$0x40]  }
0x25a: {  	v0 =	vmax.f32 v0, v3  }
0x25b: {  	v0 =	vmax.f32 v0, v9;
	v1 =	vadd.f32 v7, v1;
	v3 =	vadd.f32 v9, v4;
	v4 =	vld [tilespmem:s22+$0x80]  }
0x25c: {  	v7 =	vmul.f32 v2, v2;
	v0 =	vmax.f32 v0, v2;
	v9 =	vld [tilespmem:s22+$0xC0]  }
0x25d: {  	v0 =	vmax.f32 v0, v8;
	v1 =	vadd.f32 v5, v1;
	v2 =	vadd.f32 v2, v3;
	v3 =	vld [tilespmem:s22+$0x100]  }
0x25e: {  	v0 =	vmax.f32 v0, v6;
	v5 =	vld [tilespmem:s22+$0x140]  }
0x25f: {  	v1 =	vadd.f32 v7, v1;
	v2 =	vadd.f32 v8, v2;
	v7 =	vmul.f32 v8, v8;
	v8 =	vld [tilespmem:s22+$0x180]  }
0x260: {  	v10 =	vmul.f32 v6, v6;
	v0 =	vmax.f32 v0, v4;
	v11 =	vld [tilespmem:s22+$0x1C0]  }
0x261: {  	v1 =	vadd.f32 v7, v1;
	v2 =	vadd.f32 v6, v2;
	v0 =	vmax.f32 v0, v9;
	v6 =	vld [tilespmem:s22+$0x200]  }
0x262: {  	v7 =	vmul.f32 v4, v4;
	v0 =	vmax.f32 v0, v3;
	v12 =	vld [tilespmem:s22+$0x240]  }
0x263: {  	v1 =	vadd.f32 v10, v1;
	v2 =	vadd.f32 v4, v2;
	v0 =	vmax.f32 v0, v5  }
0x264: {  	v4 =	vmul.f32 v9, v9;
	v0 =	vmax.f32 v0, v8  }
0x265: {  	v1 =	vadd.f32 v7, v1;
	v2 =	vadd.f32 v9, v2;
	v0 =	vmax.f32 v0, v11  }
0x266: {  	v7 =	vmul.f32 v3, v3;
	v0 =	vmax.f32 v0, v6  }
0x267: {  	v1 =	vadd.f32 v4, v1;
	v2 =	vadd.f32 v3, v2;
	v0 =	vmax.f32 v0, v12;
	_ =	sdelay $0x1  }
0x268: {  	v3 =	vmul.f32 v5, v5;
	v1 =	vadd.f32 v7, v1;
	v2 =	vadd.f32 v5, v2;
	_ =	sdelay $0x1  }
0x269: {  	v1 =	vadd.f32 v3, v1;
	v2 =	vadd.f32 v8, v2;
	v3 =	vmul.f32 v8, v8;
	_ =	sdelay $0x1  }
0x26a: {  	v1 =	vadd.f32 v3, v1;
	v2 =	vadd.f32 v11, v2;
	v3 =	vmul.f32 v11, v11;
	_ =	sdelay $0x1  }
0x26b: {  	v1 =	vadd.f32 v3, v1;
	v2 =	vadd.f32 v6, v2;
	v3 =	vmul.f32 v6, v6;
	_ =	sdelay $0x1  }
0x26c: {  	v1 =	vadd.f32 v3, v1;
	v2 =	vadd.f32 v12, v2;
	v3 =	vmul.f32 v12, v12  }
0x26d: {  	s23 =	sshra.s32 s25, $0x2  }
0x26e: {  	v1 =	vadd.f32 v3, v1;
	[tilespmem:s23+$0x17E00] =	vst v2  }
0x26f: {  	[tilespmem:s23+$0x17E80] =	vst v0  }
0x270: {  	[tilespmem:s23+$0x17E40] =	vst v1  }
0x271: {  	v0 =	vld [tilespmem:s22+$0xFFFFFD90]  }
0x272: {  	v1 =	vld [tilespmem:s22+$0xFFFFFDD0];
	_ =	sdelay $0x1  }
0x273: {  	v2 =	vld [tilespmem:s22+$0xFFFFFE10];
	_ =	sdelay $0x1  }
0x274: {  	v3 =	vmul.f32 v0, v0;
	v4 =	vld [tilespmem:s22+$0xFFFFFE50]  }
0x275: {  	v5 =	vadd.f32 v1, v0;
	v6 =	vmul.f32 v1, v1;
	v0 =	vmax.f32 v0, v1  }
0x276: {  	v1 =	vld [tilespmem:s22+$0xFFFFFE90]  }
0x277: {  	v3 =	vadd.f32 v6, v3;
	v5 =	vadd.f32 v2, v5;
	v6 =	vmul.f32 v2, v2  }
0x278: {  	v0 =	vmax.f32 v0, v2;
	v2 =	vld [tilespmem:s22+$0xFFFFFED0]  }
0x279: {  	v3 =	vadd.f32 v6, v3;
	v5 =	vadd.f32 v4, v5;
	v6 =	vmul.f32 v4, v4  }
0x27a: {  	v0 =	vmax.f32 v0, v4;
	v4 =	vld [tilespmem:s22+$0xFFFFFF10]  }
0x27b: {  	v3 =	vadd.f32 v6, v3;
	v5 =	vadd.f32 v1, v5;
	v6 =	vmul.f32 v1, v1  }
0x27c: {  	v0 =	vmax.f32 v0, v1;
	v1 =	vld [tilespmem:s22+$0xFFFFFF50]  }
0x27d: {  	v3 =	vadd.f32 v6, v3;
	v5 =	vadd.f32 v2, v5;
	v6 =	vmul.f32 v2, v2  }
0x27e: {  	v0 =	vmax.f32 v0, v2;
	v2 =	vld [tilespmem:s22+$0xFFFFFF90]  }
0x27f: {  	v3 =	vadd.f32 v6, v3;
	v5 =	vadd.f32 v4, v5;
	v6 =	vmul.f32 v4, v4;
	v7 =	vld [tilespmem:s22+$0xFFFFFFD0]  }
0x280: {  	v0 =	vmax.f32 v0, v4  }
0x281: {  	v3 =	vadd.f32 v6, v3;
	v4 =	vadd.f32 v1, v5;
	v5 =	vmul.f32 v1, v1  }
0x282: {  	v0 =	vmax.f32 v0, v1;
	v1 =	vld [tilespmem:s22+$0x10]  }
0x283: {  	v3 =	vadd.f32 v5, v3;
	v4 =	vadd.f32 v2, v4;
	v5 =	vmul.f32 v2, v2;
	v6 =	vld [tilespmem:s22+$0x50]  }
0x284: {  	v8 =	vmul.f32 v7, v7;
	v9 =	vld [tilespmem:s22+$0x90]  }
0x285: {  	v0 =	vmax.f32 v0, v2;
	v3 =	vadd.f32 v5, v3;
	v2 =	vadd.f32 v7, v4;
	v4 =	vld [tilespmem:s22+$0xD0]  }
0x286: {  	v0 =	vmax.f32 v0, v7;
	v5 =	vld [tilespmem:s22+$0x110]  }
0x287: {  	v3 =	vadd.f32 v8, v3;
	v2 =	vadd.f32 v1, v2;
	v0 =	vmax.f32 v0, v1;
	v7 =	vld [tilespmem:s22+$0x150]  }
0x288: {  	v1 =	vmul.f32 v1, v1;
	v0 =	vmax.f32 v0, v6;
	v8 =	vld [tilespmem:s22+$0x190]  }
0x289: {  	v2 =	vadd.f32 v6, v2;
	v0 =	vmax.f32 v0, v9;
	v10 =	vld [tilespmem:s22+$0x1D0]  }
0x28a: {  	v1 =	vadd.f32 v1, v3;
	v3 =	vmul.f32 v6, v6;
	v0 =	vmax.f32 v0, v4;
	v6 =	vld [tilespmem:s22+$0x210]  }
0x28b: {  	v2 =	vadd.f32 v9, v2;
	v0 =	vmax.f32 v0, v5;
	v11 =	vld [tilespmem:s22+$0x250]  }
0x28c: {  	v1 =	vadd.f32 v3, v1;
	v3 =	vmul.f32 v9, v9;
	v0 =	vmax.f32 v0, v7  }
0x28d: {  	v2 =	vadd.f32 v4, v2;
	v0 =	vmax.f32 v0, v8  }
0x28e: {  	v1 =	vadd.f32 v3, v1;
	v3 =	vmul.f32 v4, v4;
	v0 =	vmax.f32 v0, v10  }
0x28f: {  	v2 =	vadd.f32 v5, v2;
	v0 =	vmax.f32 v0, v6  }
0x290: {  	v1 =	vadd.f32 v3, v1;
	v3 =	vmul.f32 v5, v5;
	v0 =	vmax.f32 v0, v11  }
0x291: {  	v2 =	vadd.f32 v7, v2;
	[tilespmem:s23+$0x17E90] =	vst v0  }
0x292: {  	v0 =	vadd.f32 v3, v1;
	v1 =	vmul.f32 v7, v7  }
0x293: {  	v2 =	vadd.f32 v8, v2  }
0x294: {  	v0 =	vadd.f32 v1, v0;
	v1 =	vmul.f32 v8, v8  }
0x295: {  	v2 =	vadd.f32 v10, v2  }
0x296: {  	v0 =	vadd.f32 v1, v0;
	v1 =	vmul.f32 v10, v10  }
0x297: {  	v2 =	vadd.f32 v6, v2  }
0x298: {  	v0 =	vadd.f32 v1, v0;
	v1 =	vmul.f32 v6, v6  }
0x299: {  	v2 =	vadd.f32 v11, v2  }
0x29a: {  	v0 =	vadd.f32 v1, v0;
	v1 =	vmul.f32 v11, v11  }
0x29b: {  	[tilespmem:s23+$0x17E10] =	vst v2  }
0x29c: {  	v0 =	vadd.f32 v1, v0;
	_ =	sdelay $0x1  }
0x29d: {  	[tilespmem:s23+$0x17E50] =	vst v0  }
0x29e: {  	v0 =	vld [tilespmem:s22+$0xFFFFFDA0]  }
0x29f: {  	v1 =	vld [tilespmem:s22+$0xFFFFFDE0]  }
0x2a0: {  	v2 =	vld [tilespmem:s22+$0xFFFFFE20]  }
0x2a1: {  	v3 =	vld [tilespmem:s22+$0xFFFFFE60]  }
0x2a2: {  	v4 =	vld [tilespmem:s22+$0xFFFFFEA0]  }
0x2a3: {  	v5 =	vmul.f32 v0, v0;
	v6 =	vld [tilespmem:s22+$0xFFFFFEE0]  }
0x2a4: {  	v7 =	vadd.f32 v1, v0;
	v8 =	vmul.f32 v1, v1;
	v0 =	vmax.f32 v0, v1;
	v1 =	vld [tilespmem:s22+$0xFFFFFF20]  }
0x2a5: {  	v0 =	vmax.f32 v0, v2;
	v9 =	vld [tilespmem:s22+$0xFFFFFF60]  }
0x2a6: {  	v5 =	vadd.f32 v8, v5;
	v7 =	vadd.f32 v2, v7;
	v2 =	vmul.f32 v2, v2;
	v8 =	vld [tilespmem:s22+$0xFFFFFFA0]  }
0x2a7: {  	v0 =	vmax.f32 v0, v3;
	v10 =	vld [tilespmem:s22+$0xFFFFFFE0]  }
0x2a8: {  	v2 =	vadd.f32 v2, v5;
	v5 =	vadd.f32 v3, v7;
	v3 =	vmul.f32 v3, v3;
	v7 =	vld [tilespmem:s22+$0x20]  }
0x2a9: {  	v0 =	vmax.f32 v0, v4;
	v11 =	vld [tilespmem:s22+$0x60]  }
0x2aa: {  	v2 =	vadd.f32 v3, v2;
	v3 =	vadd.f32 v4, v5;
	v4 =	vmul.f32 v4, v4  }
0x2ab: {  	v0 =	vmax.f32 v0, v6  }
0x2ac: {  	v2 =	vadd.f32 v4, v2;
	v3 =	vadd.f32 v6, v3;
	v4 =	vmul.f32 v6, v6  }
0x2ad: {  	v0 =	vmax.f32 v0, v1  }
0x2ae: {  	v2 =	vadd.f32 v4, v2;
	v3 =	vadd.f32 v1, v3;
	v1 =	vmul.f32 v1, v1  }
0x2af: {  	v0 =	vmax.f32 v0, v9  }
0x2b0: {  	v1 =	vadd.f32 v1, v2;
	v2 =	vadd.f32 v9, v3;
	v3 =	vmul.f32 v9, v9  }
0x2b1: {  	v0 =	vmax.f32 v0, v8  }
0x2b2: {  	v1 =	vadd.f32 v3, v1;
	v2 =	vadd.f32 v8, v2;
	v3 =	vmul.f32 v8, v8  }
0x2b3: {  	v0 =	vmax.f32 v0, v10  }
0x2b4: {  	v1 =	vadd.f32 v3, v1;
	v2 =	vadd.f32 v10, v2;
	v3 =	vmul.f32 v10, v10;
	v4 =	vld [tilespmem:s22+$0xA0]  }
0x2b5: {  	v0 =	vmax.f32 v0, v7;
	v5 =	vld [tilespmem:s22+$0xE0]  }
0x2b6: {  	v1 =	vadd.f32 v3, v1;
	v2 =	vadd.f32 v7, v2;
	v3 =	vmul.f32 v7, v7;
	v6 =	vld [tilespmem:s22+$0x120]  }
0x2b7: {  	v0 =	vmax.f32 v0, v11;
	v7 =	vld [tilespmem:s22+$0x160]  }
0x2b8: {  	v1 =	vadd.f32 v3, v1;
	v2 =	vadd.f32 v11, v2;
	v3 =	vmul.f32 v11, v11;
	v8 =	vld [tilespmem:s22+$0x1A0]  }
0x2b9: {  	v9 =	vmul.f32 v4, v4;
	v0 =	vmax.f32 v0, v4;
	v10 =	vld [tilespmem:s22+$0x1E0]  }
0x2ba: {  	v1 =	vadd.f32 v3, v1;
	v2 =	vadd.f32 v4, v2;
	v0 =	vmax.f32 v0, v5;
	v3 =	vld [tilespmem:s22+$0x220]  }
0x2bb: {  	v4 =	vmul.f32 v5, v5;
	v0 =	vmax.f32 v0, v6;
	v11 =	vld [tilespmem:s22+$0x260]  }
0x2bc: {  	v1 =	vadd.f32 v9, v1;
	v2 =	vadd.f32 v5, v2;
	v0 =	vmax.f32 v0, v7  }
0x2bd: {  	v5 =	vmul.f32 v6, v6;
	v0 =	vmax.f32 v0, v8  }
0x2be: {  	v1 =	vadd.f32 v4, v1;
	v2 =	vadd.f32 v6, v2;
	v0 =	vmax.f32 v0, v10  }
0x2bf: {  	v4 =	vmul.f32 v7, v7;
	v0 =	vmax.f32 v0, v3  }
0x2c0: {  	v1 =	vadd.f32 v5, v1;
	v2 =	vadd.f32 v7, v2;
	v0 =	vmax.f32 v0, v11  }
0x2c1: {  	[tilespmem:s23+$0x17EA0] =	vst v0  }
0x2c2: {  	v0 =	vadd.f32 v4, v1;
	v1 =	vadd.f32 v8, v2;
	v2 =	vmul.f32 v8, v8;
	_ =	sdelay $0x1  }
0x2c3: {  	v0 =	vadd.f32 v2, v0;
	v1 =	vadd.f32 v10, v1;
	v2 =	vmul.f32 v10, v10;
	_ =	sdelay $0x1  }
0x2c4: {  	v0 =	vadd.f32 v2, v0;
	v1 =	vadd.f32 v3, v1;
	v2 =	vmul.f32 v3, v3;
	_ =	sdelay $0x1  }
0x2c5: {  	v0 =	vadd.f32 v2, v0;
	v1 =	vadd.f32 v11, v1;
	v2 =	vmul.f32 v11, v11;
	_ =	sdelay $0x1  }
0x2c6: {  	v0 =	vadd.f32 v2, v0;
	[tilespmem:s23+$0x17E20] =	vst v1;
	_ =	sdelay $0x1  }
0x2c7: {  	[tilespmem:s23+$0x17E60] =	vst v0  }
0x2c8: {  	v0 =	vld [tilespmem:s22+$0xFFFFFDB0]  }
0x2c9: {  	v1 =	vld [tilespmem:s22+$0xFFFFFDF0]  }
0x2ca: {  	v2 =	vld [tilespmem:s22+$0xFFFFFE30]  }
0x2cb: {  	v3 =	vld [tilespmem:s22+$0xFFFFFE70]  }
0x2cc: {  	v4 =	vld [tilespmem:s22+$0xFFFFFEB0]  }
0x2cd: {  	v5 =	vmul.f32 v0, v0;
	v6 =	vld [tilespmem:s22+$0xFFFFFEF0]  }
0x2ce: {  	v7 =	vadd.f32 v1, v0;
	v8 =	vmul.f32 v1, v1;
	v0 =	vmax.f32 v0, v1;
	v1 =	vld [tilespmem:s22+$0xFFFFFF30]  }
0x2cf: {  	v0 =	vmax.f32 v0, v2;
	v9 =	vld [tilespmem:s22+$0xFFFFFF70]  }
0x2d0: {  	v5 =	vadd.f32 v8, v5;
	v7 =	vadd.f32 v2, v7;
	v2 =	vmul.f32 v2, v2;
	v8 =	vld [tilespmem:s22+$0xFFFFFFB0]  }
0x2d1: {  	v0 =	vmax.f32 v0, v3;
	v10 =	vld [tilespmem:s22+$0xFFFFFFF0]  }
0x2d2: {  	v2 =	vadd.f32 v2, v5;
	v5 =	vadd.f32 v3, v7;
	v3 =	vmul.f32 v3, v3;
	v7 =	vld [tilespmem:s22+$0x30]  }
0x2d3: {  	v0 =	vmax.f32 v0, v4;
	v11 =	vld [tilespmem:s22+$0x70]  }
0x2d4: {  	v2 =	vadd.f32 v3, v2;
	v3 =	vadd.f32 v4, v5;
	v4 =	vmul.f32 v4, v4;
	v5 =	vld [tilespmem:s22+$0xB0]  }
0x2d5: {  	v0 =	vmax.f32 v0, v6;
	v12 =	vld [tilespmem:s22+$0xF0]  }
0x2d6: {  	v2 =	vadd.f32 v4, v2;
	v3 =	vadd.f32 v6, v3;
	v4 =	vmul.f32 v6, v6;
	v6 =	vld [tilespmem:s22+$0x130]  }
0x2d7: {  	v0 =	vmax.f32 v0, v1;
	v13 =	vld [tilespmem:s22+$0x170]  }
0x2d8: {  	v2 =	vadd.f32 v4, v2;
	v3 =	vadd.f32 v1, v3;
	v1 =	vmul.f32 v1, v1;
	v4 =	vld [tilespmem:s22+$0x1B0]  }
0x2d9: {  	v0 =	vmax.f32 v0, v9;
	v14 =	vld [tilespmem:s22+$0x1F0]  }
0x2da: {  	v2 =	vadd.f32 v1, v2;
	v3 =	vadd.f32 v9, v3;
	v9 =	vmul.f32 v9, v9;
	v1 =	vld [tilespmem:s22+$0x230]  }
0x2db: {  	v15 =	vmax.f32 v0, v8;
	v0 =	vld [tilespmem:s22+$0x270]  }
0x2dc: {  	v2 =	vadd.f32 v9, v2;
	v3 =	vadd.f32 v8, v3;
	v8 =	vmul.f32 v8, v8  }
0x2dd: {  	v9 =	vmax.f32 v15, v10  }
0x2de: {  	v8 =	vadd.f32 v8, v2;
	v3 =	vadd.f32 v10, v3;
	v10 =	vmul.f32 v10, v10  }
0x2df: {  	v9 =	vmax.f32 v9, v7;
	v2 =	vmul.f32 v1, v1  }
0x2e0: {  	v8 =	vadd.f32 v10, v8;
	v3 =	vadd.f32 v7, v3;
	v7 =	vmul.f32 v7, v7  }
0x2e1: {  	v9 =	vmax.f32 v9, v11  }
0x2e2: {  	v7 =	vadd.f32 v7, v8;
	v3 =	vadd.f32 v11, v3;
	v8 =	vmul.f32 v11, v11  }
0x2e3: {  	v9 =	vmax.f32 v9, v5;
	v10 =	vmul.f32 v5, v5  }
0x2e4: {  	v7 =	vadd.f32 v8, v7;
	v3 =	vadd.f32 v5, v3;
	v5 =	vmax.f32 v9, v12  }
0x2e5: {  	v8 =	vmul.f32 v12, v12;
	v5 =	vmax.f32 v5, v6  }
0x2e6: {  	v7 =	vadd.f32 v10, v7;
	v3 =	vadd.f32 v12, v3;
	v5 =	vmax.f32 v5, v13  }
0x2e7: {  	v9 =	vmul.f32 v6, v6;
	v5 =	vmax.f32 v5, v4  }
0x2e8: {  	v7 =	vadd.f32 v8, v7;
	v3 =	vadd.f32 v6, v3;
	v5 =	vmax.f32 v5, v14  }
0x2e9: {  	v6 =	vmul.f32 v13, v13;
	v5 =	vmax.f32 v5, v1  }
.Ltmp4:
0x2ea: {  	v7 =	vadd.f32 v9, v7;
	v3 =	vadd.f32 v13, v3;
	v5 =	vmax.f32 v5, v0;
	(pc) =	sbr.rel @p1 .LBB2_9-.Ltmp4, $3  }
0x2eb: {  	[tilespmem:s23+$0x17EB0] =	vst v5  }
0x2ec: {  	v5 =	vadd.f32 v6, v7;
	v6 =	vadd.f32 v4, v3;
	v3 =	vmul.f32 v4, v4;
	_ =	sdelay $0x1  }
0x2ed: {  	v3 =	vadd.f32 v3, v5;
	v4 =	vadd.f32 v14, v6;
	v5 =	vmul.f32 v14, v14  }
0x2ee: {  	_ = 	snop  }
0x2ef: {  	v3 =	vadd.f32 v5, v3  }
0x2f0: {  	v1 =	vadd.f32 v1, v4  }
0x2f1: {  	v61 =	vmul.f32 v0, v0;
	s21 =	sshll.u32 s21, $0x3;
	p1 =	sne.s32 s20, $0x20;
	v2 =	vadd.f32 v2, v3  }
.Ltmp5:
0x2f2: {  	s21 =	sadd.s32 s5, s21;
	v62 =	vadd.f32 v0, v1;
	(pc) =	sbr.rel @p1 .LBB2_2-.Ltmp5, $4  }
0x2f3: {  	s21 =	smul.u32 $0x18, s21;
	v63 =	vadd.f32 v61, v2  }
0x2f4: {  	[tilespmem:s23+$0x17E30] =	vst v62  }
0x2f5: {  	s21 =	sadd.s32 s4, s21;
	[tilespmem:s23+$0x17E70] =	vst v63  }
0x2f6: {  	[hbm4b:s21+s3] =	stream.linear.scatter [tilespmem:s17], [sflag:$0x4], $0x600, $0x38;
	[tilespmem:$0x18400] =	vst v63  }
0x2f7: {  	s19 =	sadd.s32 $0x1, s19  }
0x2f8: {  	_ =	swait.ge [sflag:s18], $0x600;
	p1 =	sne.s32 s19, s7  }
.Ltmp6:
0x2f9: {  	[sflag:s18] =	ssyncset.done $0x0;
	(pc) =	sbr.rel @p1 .LBB2_1-.Ltmp6, $4  }
0x2fa: {  	[sflag:s18] =	ssyncadd.s32 $0xFFFFFA00  }
0x2fb: {  	_ =	swait.ge [sflag:s16], $0x600  }
0x2fc: {  	[sflag:s16] =	ssyncset.done $0x0  }
0x2fd: {  	[sflag:s16] =	ssyncadd.s32 $0xFFFFFA00  }
0x2fe: {  	_ =	sfence.sel $0x180000  }
0x2ff: {  	[bflag:$0x0] =	sbarrier.arrive $0xFFFF  }
0x300: {  	_ =	strace $0x90000047  }
0x301: {  	s0 =	sadd.s32 @!p0 $0x100000, s0;
	[bflag:$0x2] =	sbarrier.arrive $0xFFFF  }
0x302: {  	[sflag:s0] =	ssyncadd.tile.s32 @!p0 $0x1;
	_ =	shalt  }
.Lfunc_end2:
_tile_overlayer_lowered:
.L_overlay_start_2:
0x303: {  	(tag) =	ssettag $0x2  }
0x304: {  	s0 =	rddreg [dreg:$0x0];
	s2 =	stileid.u32  }
0x305: {  	s1 =	rddreg [dreg:$0x1];
	p0 =	sne.s32 s2, $0x0  }
0x306: {  	s3 =	rddreg [dreg:$0x2];
	[bflag:$0x3] =	sbarrier.arrive $0xFFFF;
	s2 =	simm.s32 @!p0 $0x1C05  }
0x307: {  	[timem:s3], [sflag:s2] =	dma.local @!p0 [hbm:s0], s1  }
0x308: {  	s0 =	simm.s32 @!p0 $0x5  }
0x309: {  	_ =	swait.ge @!p0 [sflag:s0], s1  }
0x30a: {  	s1 =	ssub.s32 @!p0 $0x0, s1;
	[sflag:s0] =	ssyncset.done @!p0 $0x0  }
0x30b: {  	[sflag:s0] =	ssyncadd.s32 @!p0 s1  }
0x30c: {  	[bflag:$0x3] =	sbarrier.arrive $0xFFFF  }
0x30d: {  	_ =	shalt  }

</sc_bundles>
